<compile_context>
chip_gen: v7x
topology: tpu7x:2x2x1
jax: 0.10.2.dev20260603
libtpu: 0.0.44.dev20260713+nightly
codegen_flags: <defaults>
</compile_context>

<pallas_src>
import jax
import jax.numpy as jnp
from jax import lax
from jax.experimental import pallas as pl
from jax.experimental.pallas import tpu as pltpu
from jax.experimental.pallas import tpu_sc as plsc

NC = 2
NS = 16
NW = NC * NS
CHUNK = 128


def _deg_body(dst_hbm, ones_hbm, z_hbm, cnt_hbm, idx_v, ones_v, acc_sh,
              dsem):
    cid = lax.axis_index("c")
    sid = lax.axis_index("s")
    wid = cid * NS + sid
    cpt = dst_hbm.shape[1]
    rpt = acc_sh.shape[0] // NS

    pltpu.sync_copy(dst_hbm.at[wid], idx_v)
    pltpu.sync_copy(ones_hbm, ones_v)
    pltpu.sync_copy(z_hbm, acc_sh.at[pl.ds(sid * rpt, rpt)])
    plsc.subcore_barrier()

    @pl.loop(0, cpt, step=4)
    def _(j0):
        for b in range(4):
            pltpu.async_copy(ones_v, acc_sh.at[idx_v.at[j0 + b]], dsem,
                             add=True)
        for b in range(4):
            pltpu.make_async_copy(ones_v, acc_sh.at[idx_v.at[j0 + b]],
                                  dsem).wait()

    plsc.subcore_barrier()
    pltpu.sync_copy(acc_sh.at[pl.ds(sid * rpt, rpt)],
                    cnt_hbm.at[cid, pl.ds(sid * rpt, rpt)])


NBUF = 2


PACK_BITS = 15

CPT0 = 124
CPT1 = 34


def _scatter_body(y_hbm, pk_hbm, z_hbm, out_hbm,
                  pkv, srcu, dstu, rows_v, acc_sh, gsem0, gsem1):
    cid = lax.axis_index("c")
    sid = lax.axis_index("s")
    wid = cid * NS + sid
    rpt = acc_sh.shape[0] // NS
    gsems = (gsem0, gsem1)
    mask = jnp.int32((1 << PACK_BITS) - 1)
    cpt_c = jnp.where(cid == 0, CPT0, CPT1)

    pltpu.sync_copy(pk_hbm.at[wid], pkv)

    def unpack(j, b):
        for k in range(CHUNK // 16):
            p16 = pkv[j, pl.ds(k * 16, 16)]
            srcu[b, pl.ds(k * 16, 16)] = lax.shift_right_logical(
                p16, PACK_BITS)
            dstu[b, pl.ds(k * 16, 16)] = lax.bitwise_and(p16, mask)

    for b in range(NBUF):
        unpack(b, b)
        pltpu.async_copy(y_hbm.at[srcu.at[b]], rows_v.at[b], gsems[b])

    pltpu.sync_copy(z_hbm, acc_sh.at[pl.ds(sid * rpt, rpt)])
    plsc.subcore_barrier()

    @pl.loop(0, cpt_c, step=NBUF)
    def _(j0):
        for b in range(NBUF):
            j = j0 + b
            pltpu.make_async_copy(y_hbm.at[srcu.at[b]], rows_v.at[b],
                                  gsems[b]).wait()
            pltpu.sync_copy(rows_v.at[b], acc_sh.at[dstu.at[b]], add=True)
            jn = jnp.minimum(j + NBUF, cpt_c - 1)
            unpack(jn, b)
            pltpu.async_copy(y_hbm.at[srcu.at[b]], rows_v.at[b], gsems[b])

    for b in range(NBUF):
        pltpu.make_async_copy(y_hbm.at[srcu.at[b]], rows_v.at[b],
                              gsems[b]).wait()

    plsc.subcore_barrier()
    pltpu.sync_copy(acc_sh.at[pl.ds(sid * rpt, rpt)],
                    out_hbm.at[cid, pl.ds(sid * rpt, rpt)])


def _y_body(x_ref, w_ref, cnt_ref, y_ref, dis_ref):
    deg = cnt_ref[0, :, 0:1] + cnt_ref[1, :, 0:1] + 1.0
    dis = lax.rsqrt(deg)
    y_ref[...] = dis * jnp.dot(x_ref[...], w_ref[...],
                               preferred_element_type=jnp.float32)
    dis_ref[...] = jnp.broadcast_to(dis, dis_ref.shape)


def _combine_body(p_ref, y_ref, dis_ref, b_ref, o_ref):
    dis = dis_ref[:, 0:1]
    o_ref[...] = dis * (p_ref[0] + p_ref[1] + y_ref[...]) + b_ref[...]


def kernel(x, edge_index, weight, bias):
    n, d_in = x.shape
    d_out = weight.shape[1]
    e = edge_index.shape[1]

    src = edge_index[0].astype(jnp.int32)
    dst = edge_index[1].astype(jnp.int32)

    cpt = -(-e // (NW * CHUNK))
    cpt = -(-cpt // NBUF) * NBUF
    e_pad = NW * cpt * CHUNK
    pad = e_pad - e
    dst_p = jnp.concatenate([dst, jnp.full((pad,), n, jnp.int32)])
    dst3 = dst_p.reshape(NW, cpt, CHUNK)

    rpt = -(-(n + 1) // (NS * 8)) * 8
    r = rpt * NS

    ones128 = jnp.ones((CHUNK, 128), jnp.float32)
    z128 = jnp.zeros((rpt, d_out), jnp.float32)

    mesh = plsc.VectorSubcoreMesh(core_axis_name="c", subcore_axis_name="s")

    deg_k = pl.kernel(
        _deg_body,
        out_type=jax.ShapeDtypeStruct((NC, r, 128), jnp.float32),
        mesh=mesh,
        scratch_types=[
            pltpu.VMEM((cpt, CHUNK), jnp.int32),
            pltpu.VMEM((CHUNK, 128), jnp.float32),
            pltpu.VMEM_SHARED((r, 128), jnp.float32),
            pltpu.SemaphoreType.DMA,
        ],
    )
    cnt = deg_k(dst3, ones128, z128)

    rb = 400
    grid = n // rb
    y, dis = pl.pallas_call(
        _y_body,
        grid=(grid,),
        in_specs=[
            pl.BlockSpec((rb, d_in), lambda i: (i, 0)),
            pl.BlockSpec((d_in, d_out), lambda i: (0, 0)),
            pl.BlockSpec((NC, rb, 128), lambda i: (0, i, 0)),
        ],
        out_specs=[pl.BlockSpec((rb, d_out), lambda i: (i, 0)),
                   pl.BlockSpec((rb, 8), lambda i: (i, 0))],
        out_shape=[jax.ShapeDtypeStruct((n, d_out), jnp.float32),
                   jax.ShapeDtypeStruct((n, 8), jnp.float32)],
    )(x, weight, cnt)

    e_pad2 = NS * CHUNK * (CPT0 + CPT1)
    pad2 = e_pad2 - e
    src_q = jnp.concatenate([src, jnp.zeros((pad2,), jnp.int32)])
    dst_q = jnp.concatenate([dst, jnp.full((pad2,), n, jnp.int32)])
    packed = (src_q << PACK_BITS) | dst_q
    cpt_max = max(CPT0, CPT1)
    p0 = packed[:NS * CPT0 * CHUNK].reshape(NS, CPT0, CHUNK)
    p1 = packed[NS * CPT0 * CHUNK:].reshape(NS, CPT1, CHUNK)
    p0 = jnp.pad(p0, ((0, 0), (0, cpt_max - CPT0), (0, 0)))
    p1 = jnp.pad(p1, ((0, 0), (0, cpt_max - CPT1), (0, 0)))
    packed3 = jnp.concatenate([p0, p1]).reshape(NW, cpt_max, CHUNK)

    scat_k = pl.kernel(
        _scatter_body,
        out_type=jax.ShapeDtypeStruct((NC, r, d_out), jnp.float32),
        mesh=mesh,
        scratch_types=[
            pltpu.VMEM((cpt_max, CHUNK), jnp.int32),
            pltpu.VMEM((NBUF, CHUNK), jnp.int32),
            pltpu.VMEM((NBUF, CHUNK), jnp.int32),
            pltpu.VMEM((NBUF, CHUNK, d_out), jnp.float32),
            pltpu.VMEM_SHARED((r, d_out), jnp.float32),
        ] + [pltpu.SemaphoreType.DMA] * NBUF,
    )
    partials = scat_k(y, packed3, z128)

    out = pl.pallas_call(
        _combine_body,
        grid=(grid,),
        in_specs=[
            pl.BlockSpec((NC, rb, d_out), lambda i: (0, i, 0)),
            pl.BlockSpec((rb, d_out), lambda i: (i, 0)),
            pl.BlockSpec((rb, 8), lambda i: (i, 0)),
            pl.BlockSpec((1, d_out), lambda i: (0, 0)),
        ],
        out_specs=pl.BlockSpec((rb, d_out), lambda i: (i, 0)),
        out_shape=jax.ShapeDtypeStruct((n, d_out), jnp.float32),
    )(partials, y, dis, bias.reshape(1, d_out))
    return out

# --- scband reference (transcript-rebuilt; emitter-appended) ---
"""Pipeline reference for scband-gcnconv-manual-67095979098876 (READ-ONLY COPY).

The authoritative reference and input builder live on the scoring server;
editing this copy changes nothing except your own understanding.
"""

import jax, jax.numpy as jnp
import numpy as np

N_NODES = 10000
N_EDGES = 320000
D_IN = 128
D_OUT = 128


def setup_inputs(seed: int = 0) -> dict:
    key = jax.random.key(seed)
    k1, k2, k3 = jax.random.split(key, 3)
    x = jax.random.normal(k1, (N_NODES, D_IN), dtype=jnp.float32)
    edge_index = jax.random.randint(k2, (2, N_EDGES), 0, N_NODES, dtype=jnp.int64)
    weight = jax.random.normal(k3, (D_IN, D_OUT), dtype=jnp.float32) * 0.01
    bias = jnp.zeros((D_OUT,), dtype=jnp.float32)
    return {"x": x, "edge_index": edge_index, "weight": weight, "bias": bias}


def reference(x, edge_index, weight, bias):
    num_nodes = x.shape[0]
    loop = jnp.arange(num_nodes, dtype=edge_index.dtype)
    loop = jnp.stack([loop, loop], axis=0)
    ei = jnp.concatenate([edge_index, loop], axis=1)
    src, dst = ei[0], ei[1]
    deg = jnp.zeros((num_nodes,), dtype=x.dtype).at[dst].add(jnp.ones((dst.shape[0],), dtype=x.dtype))
    deg_inv_sqrt = jnp.power(deg, -0.5)
    deg_inv_sqrt = jnp.where(jnp.isinf(deg_inv_sqrt), 0.0, deg_inv_sqrt)
    norm = deg_inv_sqrt[src] * deg_inv_sqrt[dst]
    x_transformed = x @ weight
    messages = x_transformed[src] * norm[:, None]
    out = jnp.zeros((num_nodes, x_transformed.shape[1]), dtype=x.dtype).at[dst].add(messages)
    out = out + bias
    return out

if __name__ == "__main__":
    import jax
    _d = setup_inputs()
    print(jax.jit(kernel)(*tuple(_d.values())))

</pallas_src>

<mosaic_0001>
#map = affine_map<(d0, d1) -> (0, 0)>
#map1 = affine_map<(d0, d1) -> (0, 0, 0)>
module attributes {stable_mosaic.version = 14 : i64} {
  func.func @_scatter_body(%arg0: i32, %arg1: i32, %arg2: memref<10000x128xf32, #tpu.memory_space<hbm>>, %arg3: memref<32x124x128xi32, #tpu.memory_space<hbm>>, %arg4: memref<632x128xf32, #tpu.memory_space<hbm>>, %arg5: memref<2x10112x128xf32, #tpu.memory_space<hbm>>, %arg6: memref<124x128xi32, #tpu.memory_space<vmem>>, %arg7: memref<2x128xi32, #tpu.memory_space<vmem>>, %arg8: memref<2x128xi32, #tpu.memory_space<vmem>>, %arg9: memref<2x128x128xf32, #tpu.memory_space<vmem>>, %arg10: memref<10112x128xf32, #tpu.memory_space<vmem_shared>>, %arg11: memref<!tpu.dma_semaphore, #tpu.memory_space<semaphore_mem>>, %arg12: memref<!tpu.dma_semaphore, #tpu.memory_space<semaphore_mem>>) attributes {dimension_semantics = [#tpu.dimension_semantics<core_parallel>, #tpu.dimension_semantics<subcore_parallel>], iteration_bounds = array<i64: 2, 16>, scalar_prefetch = 0 : i64, scratch_operands = 7 : i64, tpu.core_type = #tpu.core_type<sc_vector_subcore>, window_params = [{transform_indices = #map}, {transform_indices = #map1}, {transform_indices = #map}, {transform_indices = #map1}]} {
    %mul3A = arith.constant 16 : i32
    %mul3A_0 = arith.muli %arg0, %mul3A : i32
    %add3A = arith.addi %mul3A_0, %arg1 : i32
    %eq3A = arith.constant 0 : i32
    %eq3A_1 = arith.cmpi eq, %arg0, %eq3A : i32
    %jit3A = arith.constant 124 : i32
    %jit3A_2 = arith.constant 34 : i32
    %select_n3A = arith.select %eq3A_1, %jit3A, %jit3A_2 : i32
    "tpu.region"() ({
      %run_scoped3A = tpu.sem_alloc : memref<!tpu.dma_semaphore, #tpu.memory_space<semaphore_mem>>
      %dma_start3A_437 = arith.constant 0 : i32
      %dma_start3A_438 = arith.constant 0 : i32
      %dma_start3A_439 = tpu.memref_slice %arg3[%add3A, %dma_start3A_437, %dma_start3A_438] : memref<32x124x128xi32, #tpu.memory_space<hbm>> -> memref<1x124x128xi32, #tpu.memory_space<hbm>>
      %dma_start3A_440 = tpu.memref_squeeze %dma_start3A_439 : memref<1x124x128xi32, #tpu.memory_space<hbm>> -> memref<124x128xi32, #tpu.memory_space<hbm>>
      %dma_start3A_441 = arith.constant 0 : i32
      %dma_start3A_442 = arith.constant 0 : i32
      %dma_start3A_443 = tpu.memref_slice %arg3[%add3A, %dma_start3A_441, %dma_start3A_442] : memref<32x124x128xi32, #tpu.memory_space<hbm>> -> memref<1x124x128xi32, #tpu.memory_space<hbm>>
      %dma_start3A_444 = tpu.memref_squeeze %dma_start3A_443 : memref<1x124x128xi32, #tpu.memory_space<hbm>> -> memref<124x128xi32, #tpu.memory_space<hbm>>
      tpu.enqueue_dma source(%dma_start3A_444 : memref<124x128xi32, #tpu.memory_space<hbm>>) target(%arg6 : memref<124x128xi32, #tpu.memory_space<vmem>>) target_semaphore(%run_scoped3A : memref<!tpu.dma_semaphore, #tpu.memory_space<semaphore_mem>>)
      %dma_wait3A_445 = arith.constant 0 : i32
      %dma_wait3A_446 = arith.constant 0 : i32
      %dma_wait3A_447 = tpu.memref_slice %arg3[%add3A, %dma_wait3A_445, %dma_wait3A_446] : memref<32x124x128xi32, #tpu.memory_space<hbm>> -> memref<1x124x128xi32, #tpu.memory_space<hbm>>
      %dma_wait3A_448 = tpu.memref_squeeze %dma_wait3A_447 : memref<1x124x128xi32, #tpu.memory_space<hbm>> -> memref<124x128xi32, #tpu.memory_space<hbm>>
      %dma_wait3A_449 = arith.constant 0 : i32
      %dma_wait3A_450 = arith.constant 0 : i32
      %dma_wait3A_451 = tpu.memref_slice %arg3[%add3A, %dma_wait3A_449, %dma_wait3A_450] : memref<32x124x128xi32, #tpu.memory_space<hbm>> -> memref<1x124x128xi32, #tpu.memory_space<hbm>>
      %dma_wait3A_452 = tpu.memref_squeeze %dma_wait3A_451 : memref<1x124x128xi32, #tpu.memory_space<hbm>> -> memref<124x128xi32, #tpu.memory_space<hbm>>
      tpu.wait_dma2 semaphore(%run_scoped3A : memref<!tpu.dma_semaphore, #tpu.memory_space<semaphore_mem>>) src(%dma_wait3A_452 : memref<124x128xi32, #tpu.memory_space<hbm>>) dst(%arg6 : memref<124x128xi32, #tpu.memory_space<vmem>>)
      tpu.yield
    }) : () -> ()
    %get3A = arith.constant 0 : i32
    %get3A_3 = arith.index_cast %get3A : i32 to index
    %get3A_4 = arith.constant 0 : index
    %get3A_5 = tpu.vector_load %arg6[%get3A_3, %get3A_4] {strides = array<i32>} : memref<124x128xi32, #tpu.memory_space<vmem>>, vector<1x16xi32>,
    %get3A_6 = vector.shape_cast %get3A_5 : vector<1x16xi32> to vector<16xi32>
    %shift_right_logical3A = arith.constant 15 : i32
    %shift_right_logical3A_7 = vector.broadcast %shift_right_logical3A : i32 to vector<16xi32>
    %shift_right_logical3A_8 = arith.shrui %get3A_6, %shift_right_logical3A_7 : vector<16xi32>
    %swap3A = arith.constant 0 : i32
    %swap3A_9 = arith.index_cast %swap3A : i32 to index
    %swap3A_10 = arith.constant 0 : index
    %swap3A_11 = tpu.vector_load %arg7[%swap3A_9, %swap3A_10] {strides = array<i32>} : memref<2x128xi32, #tpu.memory_space<vmem>>, vector<1x16xi32>,
    %swap3A_12 = vector.shape_cast %swap3A_11 : vector<1x16xi32> to vector<16xi32>
    %swap3A_13 = vector.shape_cast %shift_right_logical3A_8 : vector<16xi32> to vector<1x16xi32>
    tpu.vector_store %arg7[%swap3A_9, %swap3A_10], %swap3A_13 {strides = array<i32>} : memref<2x128xi32, #tpu.memory_space<vmem>>, vector<1x16xi32>,
    %and3A = arith.constant 32767 : i32
    %and3A_14 = vector.broadcast %and3A : i32 to vector<16xi32>
    %and3A_15 = arith.andi %get3A_6, %and3A_14 : vector<16xi32>
    %swap3A_16 = arith.constant 0 : i32
    %swap3A_17 = arith.index_cast %swap3A_16 : i32 to index
    %swap3A_18 = arith.constant 0 : index
    %swap3A_19 = tpu.vector_load %arg8[%swap3A_17, %swap3A_18] {strides = array<i32>} : memref<2x128xi32, #tpu.memory_space<vmem>>, vector<1x16xi32>,
    %swap3A_20 = vector.shape_cast %swap3A_19 : vector<1x16xi32> to vector<16xi32>
    %swap3A_21 = vector.shape_cast %and3A_15 : vector<16xi32> to vector<1x16xi32>
    tpu.vector_store %arg8[%swap3A_17, %swap3A_18], %swap3A_21 {strides = array<i32>} : memref<2x128xi32, #tpu.memory_space<vmem>>, vector<1x16xi32>,
    %get3A_22 = arith.constant 0 : i32
    %get3A_23 = arith.index_cast %get3A_22 : i32 to index
    %get3A_24 = arith.constant 16 : index
    %get3A_25 = tpu.vector_load %arg6[%get3A_23, %get3A_24] {strides = array<i32>} : memref<124x128xi32, #tpu.memory_space<vmem>>, vector<1x16xi32>,
    %get3A_26 = vector.shape_cast %get3A_25 : vector<1x16xi32> to vector<16xi32>
    %shift_right_logical3A_27 = arith.constant 15 : i32
    %shift_right_logical3A_28 = vector.broadcast %shift_right_logical3A_27 : i32 to vector<16xi32>
    %shift_right_logical3A_29 = arith.shrui %get3A_26, %shift_right_logical3A_28 : vector<16xi32>
    %swap3A_30 = arith.constant 0 : i32
    %swap3A_31 = arith.index_cast %swap3A_30 : i32 to index
    %swap3A_32 = arith.constant 16 : index
    %swap3A_33 = tpu.vector_load %arg7[%swap3A_31, %swap3A_32] {strides = array<i32>} : memref<2x128xi32, #tpu.memory_space<vmem>>, vector<1x16xi32>,
    %swap3A_34 = vector.shape_cast %swap3A_33 : vector<1x16xi32> to vector<16xi32>
    %swap3A_35 = vector.shape_cast %shift_right_logical3A_29 : vector<16xi32> to vector<1x16xi32>
    tpu.vector_store %arg7[%swap3A_31, %swap3A_32], %swap3A_35 {strides = array<i32>} : memref<2x128xi32, #tpu.memory_space<vmem>>, vector<1x16xi32>,
    %and3A_36 = arith.constant 32767 : i32
    %and3A_37 = vector.broadcast %and3A_36 : i32 to vector<16xi32>
    %and3A_38 = arith.andi %get3A_26, %and3A_37 : vector<16xi32>
    %swap3A_39 = arith.constant 0 : i32
    %swap3A_40 = arith.index_cast %swap3A_39 : i32 to index
    %swap3A_41 = arith.constant 16 : index
    %swap3A_42 = tpu.vector_load %arg8[%swap3A_40, %swap3A_41] {strides = array<i32>} : memref<2x128xi32, #tpu.memory_space<vmem>>, vector<1x16xi32>,
    %swap3A_43 = vector.shape_cast %swap3A_42 : vector<1x16xi32> to vector<16xi32>
    %swap3A_44 = vector.shape_cast %and3A_38 : vector<16xi32> to vector<1x16xi32>
    tpu.vector_store %arg8[%swap3A_40, %swap3A_41], %swap3A_44 {strides = array<i32>} : memref<2x128xi32, #tpu.memory_space<vmem>>, vector<1x16xi32>,
    %get3A_45 = arith.constant 0 : i32
    %get3A_46 = arith.index_cast %get3A_45 : i32 to index
    %get3A_47 = arith.constant 32 : index
    %get3A_48 = tpu.vector_load %arg6[%get3A_46, %get3A_47] {strides = array<i32>} : memref<124x128xi32, #tpu.memory_space<vmem>>, vector<1x16xi32>,
    %get3A_49 = vector.shape_cast %get3A_48 : vector<1x16xi32> to vector<16xi32>
    %shift_right_logical3A_50 = arith.constant 15 : i32
    %shift_right_logical3A_51 = vector.broadcast %shift_right_logical3A_50 : i32 to vector<16xi32>
    %shift_right_logical3A_52 = arith.shrui %get3A_49, %shift_right_logical3A_51 : vector<16xi32>
    %swap3A_53 = arith.constant 0 : i32
    %swap3A_54 = arith.index_cast %swap3A_53 : i32 to index
    %swap3A_55 = arith.constant 32 : index
    %swap3A_56 = tpu.vector_load %arg7[%swap3A_54, %swap3A_55] {strides = array<i32>} : memref<2x128xi32, #tpu.memory_space<vmem>>, vector<1x16xi32>,
    %swap3A_57 = vector.shape_cast %swap3A_56 : vector<1x16xi32> to vector<16xi32>
    %swap3A_58 = vector.shape_cast %shift_right_logical3A_52 : vector<16xi32> to vector<1x16xi32>
    tpu.vector_store %arg7[%swap3A_54, %swap3A_55], %swap3A_58 {strides = array<i32>} : memref<2x128xi32, #tpu.memory_space<vmem>>, vector<1x16xi32>,
    %and3A_59 = arith.constant 32767 : i32
    %and3A_60 = vector.broadcast %and3A_59 : i32 to vector<16xi32>
    %and3A_61 = arith.andi %get3A_49, %and3A_60 : vector<16xi32>
    %swap3A_62 = arith.constant 0 : i32
    %swap3A_63 = arith.index_cast %swap3A_62 : i32 to index
    %swap3A_64 = arith.constant 32 : index
    %swap3A_65 = tpu.vector_load %arg8[%swap3A_63, %swap3A_64] {strides = array<i32>} : memref<2x128xi32, #tpu.memory_space<vmem>>, vector<1x16xi32>,
    %swap3A_66 = vector.shape_cast %swap3A_65 : vector<1x16xi32> to vector<16xi32>
    %swap3A_67 = vector.shape_cast %and3A_61 : vector<16xi32> to vector<1x16xi32>
    tpu.vector_store %arg8[%swap3A_63, %swap3A_64], %swap3A_67 {strides = array<i32>} : memref<2x128xi32, #tpu.memory_space<vmem>>, vector<1x16xi32>,
    %get3A_68 = arith.constant 0 : i32
    %get3A_69 = arith.index_cast %get3A_68 : i32 to index
    %get3A_70 = arith.constant 48 : index
    %get3A_71 = tpu.vector_load %arg6[%get3A_69, %get3A_70] {strides = array<i32>} : memref<124x128xi32, #tpu.memory_space<vmem>>, vector<1x16xi32>,
    %get3A_72 = vector.shape_cast %get3A_71 : vector<1x16xi32> to vector<16xi32>
    %shift_right_logical3A_73 = arith.constant 15 : i32
    %shift_right_logical3A_74 = vector.broadcast %shift_right_logical3A_73 : i32 to vector<16xi32>
    %shift_right_logical3A_75 = arith.shrui %get3A_72, %shift_right_logical3A_74 : vector<16xi32>
    %swap3A_76 = arith.constant 0 : i32
    %swap3A_77 = arith.index_cast %swap3A_76 : i32 to index
    %swap3A_78 = arith.constant 48 : index
    %swap3A_79 = tpu.vector_load %arg7[%swap3A_77, %swap3A_78] {strides = array<i32>} : memref<2x128xi32, #tpu.memory_space<vmem>>, vector<1x16xi32>,
    %swap3A_80 = vector.shape_cast %swap3A_79 : vector<1x16xi32> to vector<16xi32>
    %swap3A_81 = vector.shape_cast %shift_right_logical3A_75 : vector<16xi32> to vector<1x16xi32>
    tpu.vector_store %arg7[%swap3A_77, %swap3A_78], %swap3A_81 {strides = array<i32>} : memref<2x128xi32, #tpu.memory_space<vmem>>, vector<1x16xi32>,
    %and3A_82 = arith.constant 32767 : i32
    %and3A_83 = vector.broadcast %and3A_82 : i32 to vector<16xi32>
    %and3A_84 = arith.andi %get3A_72, %and3A_83 : vector<16xi32>
    %swap3A_85 = arith.constant 0 : i32
    %swap3A_86 = arith.index_cast %swap3A_85 : i32 to index
    %swap3A_87 = arith.constant 48 : index
    %swap3A_88 = tpu.vector_load %arg8[%swap3A_86, %swap3A_87] {strides = array<i32>} : memref<2x128xi32, #tpu.memory_space<vmem>>, vector<1x16xi32>,
    %swap3A_89 = vector.shape_cast %swap3A_88 : vector<1x16xi32> to vector<16xi32>
    %swap3A_90 = vector.shape_cast %and3A_84 : vector<16xi32> to vector<1x16xi32>
    tpu.vector_store %arg8[%swap3A_86, %swap3A_87], %swap3A_90 {strides = array<i32>} : memref<2x128xi32, #tpu.memory_space<vmem>>, vector<1x16xi32>,
    %get3A_91 = arith.constant 0 : i32
    %get3A_92 = arith.index_cast %get3A_91 : i32 to index
    %get3A_93 = arith.constant 64 : index
    %get3A_94 = tpu.vector_load %arg6[%get3A_92, %get3A_93] {strides = array<i32>} : memref<124x128xi32, #tpu.memory_space<vmem>>, vector<1x16xi32>,
    %get3A_95 = vector.shape_cast %get3A_94 : vector<1x16xi32> to vector<16xi32>
    %shift_right_logical3A_96 = arith.constant 15 : i32
    %shift_right_logical3A_97 = vector.broadcast %shift_right_logical3A_96 : i32 to vector<16xi32>
    %shift_right_logical3A_98 = arith.shrui %get3A_95, %shift_right_logical3A_97 : vector<16xi32>
    %swap3A_99 = arith.constant 0 : i32
    %swap3A_100 = arith.index_cast %swap3A_99 : i32 to index
    %swap3A_101 = arith.constant 64 : index
    %swap3A_102 = tpu.vector_load %arg7[%swap3A_100, %swap3A_101] {strides = array<i32>} : memref<2x128xi32, #tpu.memory_space<vmem>>, vector<1x16xi32>,
    %swap3A_103 = vector.shape_cast %swap3A_102 : vector<1x16xi32> to vector<16xi32>
    %swap3A_104 = vector.shape_cast %shift_right_logical3A_98 : vector<16xi32> to vector<1x16xi32>
    tpu.vector_store %arg7[%swap3A_100, %swap3A_101], %swap3A_104 {strides = array<i32>} : memref<2x128xi32, #tpu.memory_space<vmem>>, vector<1x16xi32>,
    %and3A_105 = arith.constant 32767 : i32
    %and3A_106 = vector.broadcast %and3A_105 : i32 to vector<16xi32>
    %and3A_107 = arith.andi %get3A_95, %and3A_106 : vector<16xi32>
    %swap3A_108 = arith.constant 0 : i32
    %swap3A_109 = arith.index_cast %swap3A_108 : i32 to index
    %swap3A_110 = arith.constant 64 : index
    %swap3A_111 = tpu.vector_load %arg8[%swap3A_109, %swap3A_110] {strides = array<i32>} : memref<2x128xi32, #tpu.memory_space<vmem>>, vector<1x16xi32>,
    %swap3A_112 = vector.shape_cast %swap3A_111 : vector<1x16xi32> to vector<16xi32>
    %swap3A_113 = vector.shape_cast %and3A_107 : vector<16xi32> to vector<1x16xi32>
    tpu.vector_store %arg8[%swap3A_109, %swap3A_110], %swap3A_113 {strides = array<i32>} : memref<2x128xi32, #tpu.memory_space<vmem>>, vector<1x16xi32>,
    %get3A_114 = arith.constant 0 : i32
    %get3A_115 = arith.index_cast %get3A_114 : i32 to index
    %get3A_116 = arith.constant 80 : index
    %get3A_117 = tpu.vector_load %arg6[%get3A_115, %get3A_116] {strides = array<i32>} : memref<124x128xi32, #tpu.memory_space<vmem>>, vector<1x16xi32>,
    %get3A_118 = vector.shape_cast %get3A_117 : vector<1x16xi32> to vector<16xi32>
    %shift_right_logical3A_119 = arith.constant 15 : i32
    %shift_right_logical3A_120 = vector.broadcast %shift_right_logical3A_119 : i32 to vector<16xi32>
    %shift_right_logical3A_121 = arith.shrui %get3A_118, %shift_right_logical3A_120 : vector<16xi32>
    %swap3A_122 = arith.constant 0 : i32
    %swap3A_123 = arith.index_cast %swap3A_122 : i32 to index
    %swap3A_124 = arith.constant 80 : index
    %swap3A_125 = tpu.vector_load %arg7[%swap3A_123, %swap3A_124] {strides = array<i32>} : memref<2x128xi32, #tpu.memory_space<vmem>>, vector<1x16xi32>,
    %swap3A_126 = vector.shape_cast %swap3A_125 : vector<1x16xi32> to vector<16xi32>
    %swap3A_127 = vector.shape_cast %shift_right_logical3A_121 : vector<16xi32> to vector<1x16xi32>
    tpu.vector_store %arg7[%swap3A_123, %swap3A_124], %swap3A_127 {strides = array<i32>} : memref<2x128xi32, #tpu.memory_space<vmem>>, vector<1x16xi32>,
    %and3A_128 = arith.constant 32767 : i32
    %and3A_129 = vector.broadcast %and3A_128 : i32 to vector<16xi32>
    %and3A_130 = arith.andi %get3A_118, %and3A_129 : vector<16xi32>
    %swap3A_131 = arith.constant 0 : i32
    %swap3A_132 = arith.index_cast %swap3A_131 : i32 to index
    %swap3A_133 = arith.constant 80 : index
    %swap3A_134 = tpu.vector_load %arg8[%swap3A_132, %swap3A_133] {strides = array<i32>} : memref<2x128xi32, #tpu.memory_space<vmem>>, vector<1x16xi32>,
    %swap3A_135 = vector.shape_cast %swap3A_134 : vector<1x16xi32> to vector<16xi32>
    %swap3A_136 = vector.shape_cast %and3A_130 : vector<16xi32> to vector<1x16xi32>
    tpu.vector_store %arg8[%swap3A_132, %swap3A_133], %swap3A_136 {strides = array<i32>} : memref<2x128xi32, #tpu.memory_space<vmem>>, vector<1x16xi32>,
    %get3A_137 = arith.constant 0 : i32
    %get3A_138 = arith.index_cast %get3A_137 : i32 to index
    %get3A_139 = arith.constant 96 : index
    %get3A_140 = tpu.vector_load %arg6[%get3A_138, %get3A_139] {strides = array<i32>} : memref<124x128xi32, #tpu.memory_space<vmem>>, vector<1x16xi32>,
    %get3A_141 = vector.shape_cast %get3A_140 : vector<1x16xi32> to vector<16xi32>
    %shift_right_logical3A_142 = arith.constant 15 : i32
    %shift_right_logical3A_143 = vector.broadcast %shift_right_logical3A_142 : i32 to vector<16xi32>
    %shift_right_logical3A_144 = arith.shrui %get3A_141, %shift_right_logical3A_143 : vector<16xi32>
    %swap3A_145 = arith.constant 0 : i32
    %swap3A_146 = arith.index_cast %swap3A_145 : i32 to index
    %swap3A_147 = arith.constant 96 : index
    %swap3A_148 = tpu.vector_load %arg7[%swap3A_146, %swap3A_147] {strides = array<i32>} : memref<2x128xi32, #tpu.memory_space<vmem>>, vector<1x16xi32>,
    %swap3A_149 = vector.shape_cast %swap3A_148 : vector<1x16xi32> to vector<16xi32>
    %swap3A_150 = vector.shape_cast %shift_right_logical3A_144 : vector<16xi32> to vector<1x16xi32>
    tpu.vector_store %arg7[%swap3A_146, %swap3A_147], %swap3A_150 {strides = array<i32>} : memref<2x128xi32, #tpu.memory_space<vmem>>, vector<1x16xi32>,
    %and3A_151 = arith.constant 32767 : i32
    %and3A_152 = vector.broadcast %and3A_151 : i32 to vector<16xi32>
    %and3A_153 = arith.andi %get3A_141, %and3A_152 : vector<16xi32>
    %swap3A_154 = arith.constant 0 : i32
    %swap3A_155 = arith.index_cast %swap3A_154 : i32 to index
    %swap3A_156 = arith.constant 96 : index
    %swap3A_157 = tpu.vector_load %arg8[%swap3A_155, %swap3A_156] {strides = array<i32>} : memref<2x128xi32, #tpu.memory_space<vmem>>, vector<1x16xi32>,
    %swap3A_158 = vector.shape_cast %swap3A_157 : vector<1x16xi32> to vector<16xi32>
    %swap3A_159 = vector.shape_cast %and3A_153 : vector<16xi32> to vector<1x16xi32>
    tpu.vector_store %arg8[%swap3A_155, %swap3A_156], %swap3A_159 {strides = array<i32>} : memref<2x128xi32, #tpu.memory_space<vmem>>, vector<1x16xi32>,
    %get3A_160 = arith.constant 0 : i32
    %get3A_161 = arith.index_cast %get3A_160 : i32 to index
    %get3A_162 = arith.constant 112 : index
    %get3A_163 = tpu.vector_load %arg6[%get3A_161, %get3A_162] {strides = array<i32>} : memref<124x128xi32, #tpu.memory_space<vmem>>, vector<1x16xi32>,
    %get3A_164 = vector.shape_cast %get3A_163 : vector<1x16xi32> to vector<16xi32>
    %shift_right_logical3A_165 = arith.constant 15 : i32
    %shift_right_logical3A_166 = vector.broadcast %shift_right_logical3A_165 : i32 to vector<16xi32>
    %shift_right_logical3A_167 = arith.shrui %get3A_164, %shift_right_logical3A_166 : vector<16xi32>
    %swap3A_168 = arith.constant 0 : i32
    %swap3A_169 = arith.index_cast %swap3A_168 : i32 to index
    %swap3A_170 = arith.constant 112 : index
    %swap3A_171 = tpu.vector_load %arg7[%swap3A_169, %swap3A_170] {strides = array<i32>} : memref<2x128xi32, #tpu.memory_space<vmem>>, vector<1x16xi32>,
    %swap3A_172 = vector.shape_cast %swap3A_171 : vector<1x16xi32> to vector<16xi32>
    %swap3A_173 = vector.shape_cast %shift_right_logical3A_167 : vector<16xi32> to vector<1x16xi32>
    tpu.vector_store %arg7[%swap3A_169, %swap3A_170], %swap3A_173 {strides = array<i32>} : memref<2x128xi32, #tpu.memory_space<vmem>>, vector<1x16xi32>,
    %and3A_174 = arith.constant 32767 : i32
    %and3A_175 = vector.broadcast %and3A_174 : i32 to vector<16xi32>
    %and3A_176 = arith.andi %get3A_164, %and3A_175 : vector<16xi32>
    %swap3A_177 = arith.constant 0 : i32
    %swap3A_178 = arith.index_cast %swap3A_177 : i32 to index
    %swap3A_179 = arith.constant 112 : index
    %swap3A_180 = tpu.vector_load %arg8[%swap3A_178, %swap3A_179] {strides = array<i32>} : memref<2x128xi32, #tpu.memory_space<vmem>>, vector<1x16xi32>,
    %swap3A_181 = vector.shape_cast %swap3A_180 : vector<1x16xi32> to vector<16xi32>
    %swap3A_182 = vector.shape_cast %and3A_176 : vector<16xi32> to vector<1x16xi32>
    tpu.vector_store %arg8[%swap3A_178, %swap3A_179], %swap3A_182 {strides = array<i32>} : memref<2x128xi32, #tpu.memory_space<vmem>>, vector<1x16xi32>,
    %dma_start3A = arith.constant 0 : i32
    %dma_start3A_183 = arith.constant 0 : i32
    %dma_start3A_184 = arith.constant 0 : i32
    %dma_start3A_185 = arith.constant 0 : i32
    %dma_start3A_186 = tpu.memref_slice %arg9[%dma_start3A_183, %dma_start3A_184, %dma_start3A_185] : memref<2x128x128xf32, #tpu.memory_space<vmem>> -> memref<1x128x128xf32, #tpu.memory_space<vmem>>
    %dma_start3A_187 = tpu.memref_squeeze %dma_start3A_186 : memref<1x128x128xf32, #tpu.memory_space<vmem>> -> memref<128x128xf32, #tpu.memory_space<vmem>>
    %dma_start3A_188 = arith.constant 0 : i32
    %dma_start3A_189 = tpu.memref_slice %arg7[%dma_start3A, %dma_start3A_188] : memref<2x128xi32, #tpu.memory_space<vmem>> -> memref<1x128xi32, #tpu.memory_space<vmem>>
    %dma_start3A_190 = tpu.memref_squeeze %dma_start3A_189 : memref<1x128xi32, #tpu.memory_space<vmem>> -> memref<128xi32, #tpu.memory_space<vmem>>
    %dma_start3A_191 = arith.constant 0 : i32
    %dma_start3A_192 = arith.constant 0 : i32
    %dma_start3A_193 = tpu.memref_slice %arg2[%dma_start3A_191, %dma_start3A_192] : memref<10000x128xf32, #tpu.memory_space<hbm>> -> memref<10000x128xf32, #tpu.memory_space<hbm>>
    tpu.enqueue_indirect_dma source(%dma_start3A_193 : memref<10000x128xf32, #tpu.memory_space<hbm>>) target(%dma_start3A_187 : memref<128x128xf32, #tpu.memory_space<vmem>>) offsets(%dma_start3A_190 : memref<128xi32, #tpu.memory_space<vmem>>) semaphore(%arg11 : memref<!tpu.dma_semaphore, #tpu.memory_space<semaphore_mem>>)
    %get3A_194 = arith.constant 1 : i32
    %get3A_195 = arith.index_cast %get3A_194 : i32 to index
    %get3A_196 = arith.constant 0 : index
    %get3A_197 = tpu.vector_load %arg6[%get3A_195, %get3A_196] {strides = array<i32>} : memref<124x128xi32, #tpu.memory_space<vmem>>, vector<1x16xi32>,
    %get3A_198 = vector.shape_cast %get3A_197 : vector<1x16xi32> to vector<16xi32>
    %shift_right_logical3A_199 = arith.constant 15 : i32
    %shift_right_logical3A_200 = vector.broadcast %shift_right_logical3A_199 : i32 to vector<16xi32>
    %shift_right_logical3A_201 = arith.shrui %get3A_198, %shift_right_logical3A_200 : vector<16xi32>
    %swap3A_202 = arith.constant 1 : i32
    %swap3A_203 = arith.index_cast %swap3A_202 : i32 to index
    %swap3A_204 = arith.constant 0 : index
    %swap3A_205 = tpu.vector_load %arg7[%swap3A_203, %swap3A_204] {strides = array<i32>} : memref<2x128xi32, #tpu.memory_space<vmem>>, vector<1x16xi32>,
    %swap3A_206 = vector.shape_cast %swap3A_205 : vector<1x16xi32> to vector<16xi32>
    %swap3A_207 = vector.shape_cast %shift_right_logical3A_201 : vector<16xi32> to vector<1x16xi32>
    tpu.vector_store %arg7[%swap3A_203, %swap3A_204], %swap3A_207 {strides = array<i32>} : memref<2x128xi32, #tpu.memory_space<vmem>>, vector<1x16xi32>,
    %and3A_208 = arith.constant 32767 : i32
    %and3A_209 = vector.broadcast %and3A_208 : i32 to vector<16xi32>
    %and3A_210 = arith.andi %get3A_198, %and3A_209 : vector<16xi32>
    %swap3A_211 = arith.constant 1 : i32
    %swap3A_212 = arith.index_cast %swap3A_211 : i32 to index
    %swap3A_213 = arith.constant 0 : index
    %swap3A_214 = tpu.vector_load %arg8[%swap3A_212, %swap3A_213] {strides = array<i32>} : memref<2x128xi32, #tpu.memory_space<vmem>>, vector<1x16xi32>,
    %swap3A_215 = vector.shape_cast %swap3A_214 : vector<1x16xi32> to vector<16xi32>
    %swap3A_216 = vector.shape_cast %and3A_210 : vector<16xi32> to vector<1x16xi32>
    tpu.vector_store %arg8[%swap3A_212, %swap3A_213], %swap3A_216 {strides = array<i32>} : memref<2x128xi32, #tpu.memory_space<vmem>>, vector<1x16xi32>,
    %get3A_217 = arith.constant 1 : i32
    %get3A_218 = arith.index_cast %get3A_217 : i32 to index
    %get3A_219 = arith.constant 16 : index
    %get3A_220 = tpu.vector_load %arg6[%get3A_218, %get3A_219] {strides = array<i32>} : memref<124x128xi32, #tpu.memory_space<vmem>>, vector<1x16xi32>,
    %get3A_221 = vector.shape_cast %get3A_220 : vector<1x16xi32> to vector<16xi32>
    %shift_right_logical3A_222 = arith.constant 15 : i32
    %shift_right_logical3A_223 = vector.broadcast %shift_right_logical3A_222 : i32 to vector<16xi32>
    %shift_right_logical3A_224 = arith.shrui %get3A_221, %shift_right_logical3A_223 : vector<16xi32>
    %swap3A_225 = arith.constant 1 : i32
    %swap3A_226 = arith.index_cast %swap3A_225 : i32 to index
    %swap3A_227 = arith.constant 16 : index
    %swap3A_228 = tpu.vector_load %arg7[%swap3A_226, %swap3A_227] {strides = array<i32>} : memref<2x128xi32, #tpu.memory_space<vmem>>, vector<1x16xi32>,
    %swap3A_229 = vector.shape_cast %swap3A_228 : vector<1x16xi32> to vector<16xi32>
    %swap3A_230 = vector.shape_cast %shift_right_logical3A_224 : vector<16xi32> to vector<1x16xi32>
    tpu.vector_store %arg7[%swap3A_226, %swap3A_227], %swap3A_230 {strides = array<i32>} : memref<2x128xi32, #tpu.memory_space<vmem>>, vector<1x16xi32>,
    %and3A_231 = arith.constant 32767 : i32
    %and3A_232 = vector.broadcast %and3A_231 : i32 to vector<16xi32>
    %and3A_233 = arith.andi %get3A_221, %and3A_232 : vector<16xi32>
    %swap3A_234 = arith.constant 1 : i32
    %swap3A_235 = arith.index_cast %swap3A_234 : i32 to index
    %swap3A_236 = arith.constant 16 : index
    %swap3A_237 = tpu.vector_load %arg8[%swap3A_235, %swap3A_236] {strides = array<i32>} : memref<2x128xi32, #tpu.memory_space<vmem>>, vector<1x16xi32>,
    %swap3A_238 = vector.shape_cast %swap3A_237 : vector<1x16xi32> to vector<16xi32>
    %swap3A_239 = vector.shape_cast %and3A_233 : vector<16xi32> to vector<1x16xi32>
    tpu.vector_store %arg8[%swap3A_235, %swap3A_236], %swap3A_239 {strides = array<i32>} : memref<2x128xi32, #tpu.memory_space<vmem>>, vector<1x16xi32>,
    %get3A_240 = arith.constant 1 : i32
    %get3A_241 = arith.index_cast %get3A_240 : i32 to index
    %get3A_242 = arith.constant 32 : index
    %get3A_243 = tpu.vector_load %arg6[%get3A_241, %get3A_242] {strides = array<i32>} : memref<124x128xi32, #tpu.memory_space<vmem>>, vector<1x16xi32>,
    %get3A_244 = vector.shape_cast %get3A_243 : vector<1x16xi32> to vector<16xi32>
    %shift_right_logical3A_245 = arith.constant 15 : i32
    %shift_right_logical3A_246 = vector.broadcast %shift_right_logical3A_245 : i32 to vector<16xi32>
    %shift_right_logical3A_247 = arith.shrui %get3A_244, %shift_right_logical3A_246 : vector<16xi32>
    %swap3A_248 = arith.constant 1 : i32
    %swap3A_249 = arith.index_cast %swap3A_248 : i32 to index
    %swap3A_250 = arith.constant 32 : index
    %swap3A_251 = tpu.vector_load %arg7[%swap3A_249, %swap3A_250] {strides = array<i32>} : memref<2x128xi32, #tpu.memory_space<vmem>>, vector<1x16xi32>,
    %swap3A_252 = vector.shape_cast %swap3A_251 : vector<1x16xi32> to vector<16xi32>
    %swap3A_253 = vector.shape_cast %shift_right_logical3A_247 : vector<16xi32> to vector<1x16xi32>
    tpu.vector_store %arg7[%swap3A_249, %swap3A_250], %swap3A_253 {strides = array<i32>} : memref<2x128xi32, #tpu.memory_space<vmem>>, vector<1x16xi32>,
    %and3A_254 = arith.constant 32767 : i32
    %and3A_255 = vector.broadcast %and3A_254 : i32 to vector<16xi32>
    %and3A_256 = arith.andi %get3A_244, %and3A_255 : vector<16xi32>
    %swap3A_257 = arith.constant 1 : i32
    %swap3A_258 = arith.index_cast %swap3A_257 : i32 to index
    %swap3A_259 = arith.constant 32 : index
    %swap3A_260 = tpu.vector_load %arg8[%swap3A_258, %swap3A_259] {strides = array<i32>} : memref<2x128xi32, #tpu.memory_space<vmem>>, vector<1x16xi32>,
    %swap3A_261 = vector.shape_cast %swap3A_260 : vector<1x16xi32> to vector<16xi32>
    %swap3A_262 = vector.shape_cast %and3A_256 : vector<16xi32> to vector<1x16xi32>
    tpu.vector_store %arg8[%swap3A_258, %swap3A_259], %swap3A_262 {strides = array<i32>} : memref<2x128xi32, #tpu.memory_space<vmem>>, vector<1x16xi32>,
    %get3A_263 = arith.constant 1 : i32
    %get3A_264 = arith.index_cast %get3A_263 : i32 to index
    %get3A_265 = arith.constant 48 : index
    %get3A_266 = tpu.vector_load %arg6[%get3A_264, %get3A_265] {strides = array<i32>} : memref<124x128xi32, #tpu.memory_space<vmem>>, vector<1x16xi32>,
    %get3A_267 = vector.shape_cast %get3A_266 : vector<1x16xi32> to vector<16xi32>
    %shift_right_logical3A_268 = arith.constant 15 : i32
    %shift_right_logical3A_269 = vector.broadcast %shift_right_logical3A_268 : i32 to vector<16xi32>
    %shift_right_logical3A_270 = arith.shrui %get3A_267, %shift_right_logical3A_269 : vector<16xi32>
    %swap3A_271 = arith.constant 1 : i32
    %swap3A_272 = arith.index_cast %swap3A_271 : i32 to index
    %swap3A_273 = arith.constant 48 : index
    %swap3A_274 = tpu.vector_load %arg7[%swap3A_272, %swap3A_273] {strides = array<i32>} : memref<2x128xi32, #tpu.memory_space<vmem>>, vector<1x16xi32>,
    %swap3A_275 = vector.shape_cast %swap3A_274 : vector<1x16xi32> to vector<16xi32>
    %swap3A_276 = vector.shape_cast %shift_right_logical3A_270 : vector<16xi32> to vector<1x16xi32>
    tpu.vector_store %arg7[%swap3A_272, %swap3A_273], %swap3A_276 {strides = array<i32>} : memref<2x128xi32, #tpu.memory_space<vmem>>, vector<1x16xi32>,
    %and3A_277 = arith.constant 32767 : i32
    %and3A_278 = vector.broadcast %and3A_277 : i32 to vector<16xi32>
    %and3A_279 = arith.andi %get3A_267, %and3A_278 : vector<16xi32>
    %swap3A_280 = arith.constant 1 : i32
    %swap3A_281 = arith.index_cast %swap3A_280 : i32 to index
    %swap3A_282 = arith.constant 48 : index
    %swap3A_283 = tpu.vector_load %arg8[%swap3A_281, %swap3A_282] {strides = array<i32>} : memref<2x128xi32, #tpu.memory_space<vmem>>, vector<1x16xi32>,
    %swap3A_284 = vector.shape_cast %swap3A_283 : vector<1x16xi32> to vector<16xi32>
    %swap3A_285 = vector.shape_cast %and3A_279 : vector<16xi32> to vector<1x16xi32>
    tpu.vector_store %arg8[%swap3A_281, %swap3A_282], %swap3A_285 {strides = array<i32>} : memref<2x128xi32, #tpu.memory_space<vmem>>, vector<1x16xi32>,
    %get3A_286 = arith.constant 1 : i32
    %get3A_287 = arith.index_cast %get3A_286 : i32 to index
    %get3A_288 = arith.constant 64 : index
    %get3A_289 = tpu.vector_load %arg6[%get3A_287, %get3A_288] {strides = array<i32>} : memref<124x128xi32, #tpu.memory_space<vmem>>, vector<1x16xi32>,
    %get3A_290 = vector.shape_cast %get3A_289 : vector<1x16xi32> to vector<16xi32>
    %shift_right_logical3A_291 = arith.constant 15 : i32
    %shift_right_logical3A_292 = vector.broadcast %shift_right_logical3A_291 : i32 to vector<16xi32>
    %shift_right_logical3A_293 = arith.shrui %get3A_290, %shift_right_logical3A_292 : vector<16xi32>
    %swap3A_294 = arith.constant 1 : i32
    %swap3A_295 = arith.index_cast %swap3A_294 : i32 to index
    %swap3A_296 = arith.constant 64 : index
    %swap3A_297 = tpu.vector_load %arg7[%swap3A_295, %swap3A_296] {strides = array<i32>} : memref<2x128xi32, #tpu.memory_space<vmem>>, vector<1x16xi32>,
    %swap3A_298 = vector.shape_cast %swap3A_297 : vector<1x16xi32> to vector<16xi32>
    %swap3A_299 = vector.shape_cast %shift_right_logical3A_293 : vector<16xi32> to vector<1x16xi32>
    tpu.vector_store %arg7[%swap3A_295, %swap3A_296], %swap3A_299 {strides = array<i32>} : memref<2x128xi32, #tpu.memory_space<vmem>>, vector<1x16xi32>,
    %and3A_300 = arith.constant 32767 : i32
    %and3A_301 = vector.broadcast %and3A_300 : i32 to vector<16xi32>
    %and3A_302 = arith.andi %get3A_290, %and3A_301 : vector<16xi32>
    %swap3A_303 = arith.constant 1 : i32
    %swap3A_304 = arith.index_cast %swap3A_303 : i32 to index
    %swap3A_305 = arith.constant 64 : index
    %swap3A_306 = tpu.vector_load %arg8[%swap3A_304, %swap3A_305] {strides = array<i32>} : memref<2x128xi32, #tpu.memory_space<vmem>>, vector<1x16xi32>,
    %swap3A_307 = vector.shape_cast %swap3A_306 : vector<1x16xi32> to vector<16xi32>
    %swap3A_308 = vector.shape_cast %and3A_302 : vector<16xi32> to vector<1x16xi32>
    tpu.vector_store %arg8[%swap3A_304, %swap3A_305], %swap3A_308 {strides = array<i32>} : memref<2x128xi32, #tpu.memory_space<vmem>>, vector<1x16xi32>,
    %get3A_309 = arith.constant 1 : i32
    %get3A_310 = arith.index_cast %get3A_309 : i32 to index
    %get3A_311 = arith.constant 80 : index
    %get3A_312 = tpu.vector_load %arg6[%get3A_310, %get3A_311] {strides = array<i32>} : memref<124x128xi32, #tpu.memory_space<vmem>>, vector<1x16xi32>,
    %get3A_313 = vector.shape_cast %get3A_312 : vector<1x16xi32> to vector<16xi32>
    %shift_right_logical3A_314 = arith.constant 15 : i32
    %shift_right_logical3A_315 = vector.broadcast %shift_right_logical3A_314 : i32 to vector<16xi32>
    %shift_right_logical3A_316 = arith.shrui %get3A_313, %shift_right_logical3A_315 : vector<16xi32>
    %swap3A_317 = arith.constant 1 : i32
    %swap3A_318 = arith.index_cast %swap3A_317 : i32 to index
    %swap3A_319 = arith.constant 80 : index
    %swap3A_320 = tpu.vector_load %arg7[%swap3A_318, %swap3A_319] {strides = array<i32>} : memref<2x128xi32, #tpu.memory_space<vmem>>, vector<1x16xi32>,
    %swap3A_321 = vector.shape_cast %swap3A_320 : vector<1x16xi32> to vector<16xi32>
    %swap3A_322 = vector.shape_cast %shift_right_logical3A_316 : vector<16xi32> to vector<1x16xi32>
    tpu.vector_store %arg7[%swap3A_318, %swap3A_319], %swap3A_322 {strides = array<i32>} : memref<2x128xi32, #tpu.memory_space<vmem>>, vector<1x16xi32>,
    %and3A_323 = arith.constant 32767 : i32
    %and3A_324 = vector.broadcast %and3A_323 : i32 to vector<16xi32>
    %and3A_325 = arith.andi %get3A_313, %and3A_324 : vector<16xi32>
    %swap3A_326 = arith.constant 1 : i32
    %swap3A_327 = arith.index_cast %swap3A_326 : i32 to index
    %swap3A_328 = arith.constant 80 : index
    %swap3A_329 = tpu.vector_load %arg8[%swap3A_327, %swap3A_328] {strides = array<i32>} : memref<2x128xi32, #tpu.memory_space<vmem>>, vector<1x16xi32>,
    %swap3A_330 = vector.shape_cast %swap3A_329 : vector<1x16xi32> to vector<16xi32>
    %swap3A_331 = vector.shape_cast %and3A_325 : vector<16xi32> to vector<1x16xi32>
    tpu.vector_store %arg8[%swap3A_327, %swap3A_328], %swap3A_331 {strides = array<i32>} : memref<2x128xi32, #tpu.memory_space<vmem>>, vector<1x16xi32>,
    %get3A_332 = arith.constant 1 : i32
    %get3A_333 = arith.index_cast %get3A_332 : i32 to index
    %get3A_334 = arith.constant 96 : index
    %get3A_335 = tpu.vector_load %arg6[%get3A_333, %get3A_334] {strides = array<i32>} : memref<124x128xi32, #tpu.memory_space<vmem>>, vector<1x16xi32>,
    %get3A_336 = vector.shape_cast %get3A_335 : vector<1x16xi32> to vector<16xi32>
    %shift_right_logical3A_337 = arith.constant 15 : i32
    %shift_right_logical3A_338 = vector.broadcast %shift_right_logical3A_337 : i32 to vector<16xi32>
    %shift_right_logical3A_339 = arith.shrui %get3A_336, %shift_right_logical3A_338 : vector<16xi32>
    %swap3A_340 = arith.constant 1 : i32
    %swap3A_341 = arith.index_cast %swap3A_340 : i32 to index
    %swap3A_342 = arith.constant 96 : index
    %swap3A_343 = tpu.vector_load %arg7[%swap3A_341, %swap3A_342] {strides = array<i32>} : memref<2x128xi32, #tpu.memory_space<vmem>>, vector<1x16xi32>,
    %swap3A_344 = vector.shape_cast %swap3A_343 : vector<1x16xi32> to vector<16xi32>
    %swap3A_345 = vector.shape_cast %shift_right_logical3A_339 : vector<16xi32> to vector<1x16xi32>
    tpu.vector_store %arg7[%swap3A_341, %swap3A_342], %swap3A_345 {strides = array<i32>} : memref<2x128xi32, #tpu.memory_space<vmem>>, vector<1x16xi32>,
    %and3A_346 = arith.constant 32767 : i32
    %and3A_347 = vector.broadcast %and3A_346 : i32 to vector<16xi32>
    %and3A_348 = arith.andi %get3A_336, %and3A_347 : vector<16xi32>
    %swap3A_349 = arith.constant 1 : i32
    %swap3A_350 = arith.index_cast %swap3A_349 : i32 to index
    %swap3A_351 = arith.constant 96 : index
    %swap3A_352 = tpu.vector_load %arg8[%swap3A_350, %swap3A_351] {strides = array<i32>} : memref<2x128xi32, #tpu.memory_space<vmem>>, vector<1x16xi32>,
    %swap3A_353 = vector.shape_cast %swap3A_352 : vector<1x16xi32> to vector<16xi32>
    %swap3A_354 = vector.shape_cast %and3A_348 : vector<16xi32> to vector<1x16xi32>
    tpu.vector_store %arg8[%swap3A_350, %swap3A_351], %swap3A_354 {strides = array<i32>} : memref<2x128xi32, #tpu.memory_space<vmem>>, vector<1x16xi32>,
    %get3A_355 = arith.constant 1 : i32
    %get3A_356 = arith.index_cast %get3A_355 : i32 to index
    %get3A_357 = arith.constant 112 : index
    %get3A_358 = tpu.vector_load %arg6[%get3A_356, %get3A_357] {strides = array<i32>} : memref<124x128xi32, #tpu.memory_space<vmem>>, vector<1x16xi32>,
    %get3A_359 = vector.shape_cast %get3A_358 : vector<1x16xi32> to vector<16xi32>
    %shift_right_logical3A_360 = arith.constant 15 : i32
    %shift_right_logical3A_361 = vector.broadcast %shift_right_logical3A_360 : i32 to vector<16xi32>
    %shift_right_logical3A_362 = arith.shrui %get3A_359, %shift_right_logical3A_361 : vector<16xi32>
    %swap3A_363 = arith.constant 1 : i32
    %swap3A_364 = arith.index_cast %swap3A_363 : i32 to index
    %swap3A_365 = arith.constant 112 : index
    %swap3A_366 = tpu.vector_load %arg7[%swap3A_364, %swap3A_365] {strides = array<i32>} : memref<2x128xi32, #tpu.memory_space<vmem>>, vector<1x16xi32>,
    %swap3A_367 = vector.shape_cast %swap3A_366 : vector<1x16xi32> to vector<16xi32>
    %swap3A_368 = vector.shape_cast %shift_right_logical3A_362 : vector<16xi32> to vector<1x16xi32>
    tpu.vector_store %arg7[%swap3A_364, %swap3A_365], %swap3A_368 {strides = array<i32>} : memref<2x128xi32, #tpu.memory_space<vmem>>, vector<1x16xi32>,
    %and3A_369 = arith.constant 32767 : i32
    %and3A_370 = vector.broadcast %and3A_369 : i32 to vector<16xi32>
    %and3A_371 = arith.andi %get3A_359, %and3A_370 : vector<16xi32>
    %swap3A_372 = arith.constant 1 : i32
    %swap3A_373 = arith.index_cast %swap3A_372 : i32 to index
    %swap3A_374 = arith.constant 112 : index
    %swap3A_375 = tpu.vector_load %arg8[%swap3A_373, %swap3A_374] {strides = array<i32>} : memref<2x128xi32, #tpu.memory_space<vmem>>, vector<1x16xi32>,
    %swap3A_376 = vector.shape_cast %swap3A_375 : vector<1x16xi32> to vector<16xi32>
    %swap3A_377 = vector.shape_cast %and3A_371 : vector<16xi32> to vector<1x16xi32>
    tpu.vector_store %arg8[%swap3A_373, %swap3A_374], %swap3A_377 {strides = array<i32>} : memref<2x128xi32, #tpu.memory_space<vmem>>, vector<1x16xi32>,
    %dma_start3A_378 = arith.constant 1 : i32
    %dma_start3A_379 = arith.constant 1 : i32
    %dma_start3A_380 = arith.constant 0 : i32
    %dma_start3A_381 = arith.constant 0 : i32
    %dma_start3A_382 = tpu.memref_slice %arg9[%dma_start3A_379, %dma_start3A_380, %dma_start3A_381] : memref<2x128x128xf32, #tpu.memory_space<vmem>> -> memref<1x128x128xf32, #tpu.memory_space<vmem>>
    %dma_start3A_383 = tpu.memref_squeeze %dma_start3A_382 : memref<1x128x128xf32, #tpu.memory_space<vmem>> -> memref<128x128xf32, #tpu.memory_space<vmem>>
    %dma_start3A_384 = arith.constant 0 : i32
    %dma_start3A_385 = tpu.memref_slice %arg7[%dma_start3A_378, %dma_start3A_384] : memref<2x128xi32, #tpu.memory_space<vmem>> -> memref<1x128xi32, #tpu.memory_space<vmem>>
    %dma_start3A_386 = tpu.memref_squeeze %dma_start3A_385 : memref<1x128xi32, #tpu.memory_space<vmem>> -> memref<128xi32, #tpu.memory_space<vmem>>
    %dma_start3A_387 = arith.constant 0 : i32
    %dma_start3A_388 = arith.constant 0 : i32
    %dma_start3A_389 = tpu.memref_slice %arg2[%dma_start3A_387, %dma_start3A_388] : memref<10000x128xf32, #tpu.memory_space<hbm>> -> memref<10000x128xf32, #tpu.memory_space<hbm>>
    tpu.enqueue_indirect_dma source(%dma_start3A_389 : memref<10000x128xf32, #tpu.memory_space<hbm>>) target(%dma_start3A_383 : memref<128x128xf32, #tpu.memory_space<vmem>>) offsets(%dma_start3A_386 : memref<128xi32, #tpu.memory_space<vmem>>) semaphore(%arg12 : memref<!tpu.dma_semaphore, #tpu.memory_space<semaphore_mem>>)
    %mul3A_390 = arith.constant 632 : i32
    %mul3A_391 = arith.muli %arg1, %mul3A_390 : i32
    "tpu.region"() ({
      %run_scoped3A = tpu.sem_alloc : memref<!tpu.dma_semaphore, #tpu.memory_space<semaphore_mem>>
      %dma_start3A_437 = arith.constant 0 : i32
      %dma_start3A_438 = tpu.memref_slice %arg10[%mul3A_391, %dma_start3A_437] : memref<10112x128xf32, #tpu.memory_space<vmem_shared>> -> memref<632x128xf32, #tpu.memory_space<vmem_shared>>
      tpu.enqueue_dma source(%arg4 : memref<632x128xf32, #tpu.memory_space<hbm>>) target(%dma_start3A_438 : memref<632x128xf32, #tpu.memory_space<vmem_shared>>) target_semaphore(%run_scoped3A : memref<!tpu.dma_semaphore, #tpu.memory_space<semaphore_mem>>)
      %dma_wait3A_439 = arith.constant 0 : i32
      %dma_wait3A_440 = tpu.memref_slice %arg10[%mul3A_391, %dma_wait3A_439] : memref<10112x128xf32, #tpu.memory_space<vmem_shared>> -> memref<632x128xf32, #tpu.memory_space<vmem_shared>>
      tpu.wait_dma2 semaphore(%run_scoped3A : memref<!tpu.dma_semaphore, #tpu.memory_space<semaphore_mem>>) src(%arg4 : memref<632x128xf32, #tpu.memory_space<hbm>>) dst(%dma_wait3A_440 : memref<632x128xf32, #tpu.memory_space<vmem_shared>>)
      tpu.yield
    }) : () -> ()
    %barrier3A = arith.constant 0 : index
    tpu.barrier barrier_id(%barrier3A)
    %sub3A = arith.constant 0 : i32
    %sub3A_392 = arith.subi %select_n3A, %sub3A : i32
    %sub3A_393 = arith.constant 2 : i32
    %sub3A_394 = arith.constant 1 : i32
    %sub3A_395 = arith.subi %sub3A_393, %sub3A_394 : i32
    %add3A_396 = arith.addi %sub3A_392, %sub3A_395 : i32
    %div3A = arith.constant 2 : i32
    %div3A_397 = arith.divsi %add3A_396, %div3A : i32
    %while3A = arith.constant 2 : i32
    %while3A_398 = arith.constant 0 : i32
    %while3A_399 = arith.constant 32767 : i32
    %while3A_400 = arith.constant 0 : i32
    %while3A_401 = arith.subi %div3A_397, %while3A_400 : i32
    %while3A_402 = arith.addi %while3A_400, %while3A_401 : i32
    %while3A_403 = arith.constant 1 : i32
    %while3A_404 = arith.divsi %while3A_401, %while3A_403 : i32
    %while3A_405 = arith.muli %while3A_404, %while3A_403 : i32
    %while3A_406 = arith.addi %while3A_400, %while3A_405 : i32
    %while3A_407 = arith.constant 1 : i32
    scf.for %while3A_437 = %while3A_400 to %while3A_406 step %while3A_407  : i32 {
      %mul3A_438 = arith.muli %while3A_437, %while3A : i32
      %add3A_439 = arith.addi %while3A_398, %mul3A_438 : i32
      %add3A_440 = arith.constant 0 : i32
      %add3A_441 = arith.addi %add3A_439, %add3A_440 : i32
      %dma_wait3A_442 = arith.constant 0 : i32
      %dma_wait3A_443 = arith.constant 0 : i32
      %dma_wait3A_444 = arith.constant 0 : i32
      %dma_wait3A_445 = arith.constant 0 : i32
      %dma_wait3A_446 = tpu.memref_slice %arg9[%dma_wait3A_443, %dma_wait3A_444, %dma_wait3A_445] : memref<2x128x128xf32, #tpu.memory_space<vmem>> -> memref<1x128x128xf32, #tpu.memory_space<vmem>>
      %dma_wait3A_447 = tpu.memref_squeeze %dma_wait3A_446 : memref<1x128x128xf32, #tpu.memory_space<vmem>> -> memref<128x128xf32, #tpu.memory_space<vmem>>
      %dma_wait3A_448 = arith.constant 0 : i32
      %dma_wait3A_449 = tpu.memref_slice %arg7[%dma_wait3A_442, %dma_wait3A_448] : memref<2x128xi32, #tpu.memory_space<vmem>> -> memref<1x128xi32, #tpu.memory_space<vmem>>
      %dma_wait3A_450 = tpu.memref_squeeze %dma_wait3A_449 : memref<1x128xi32, #tpu.memory_space<vmem>> -> memref<128xi32, #tpu.memory_space<vmem>>
      %dma_wait3A_451 = arith.constant 0 : i32
      %dma_wait3A_452 = arith.constant 0 : i32
      %dma_wait3A_453 = tpu.memref_slice %arg2[%dma_wait3A_451, %dma_wait3A_452] : memref<10000x128xf32, #tpu.memory_space<hbm>> -> memref<10000x128xf32, #tpu.memory_space<hbm>>
      tpu.wait_indirect_dma semaphore(%arg11 : memref<!tpu.dma_semaphore, #tpu.memory_space<semaphore_mem>>) src(%dma_wait3A_453 : memref<10000x128xf32, #tpu.memory_space<hbm>>) dst(%dma_wait3A_447 : memref<128x128xf32, #tpu.memory_space<vmem>>)
      %run_scoped3A = arith.constant 0 : i32
      %run_scoped3A_454 = arith.constant 0 : i32
      "tpu.region"() ({
        %run_scoped3A_840 = tpu.sem_alloc : memref<!tpu.dma_semaphore, #tpu.memory_space<semaphore_mem>>
        %dma_start3A_841 = arith.constant 0 : i32
        %dma_start3A_842 = arith.constant 0 : i32
        %dma_start3A_843 = tpu.memref_slice %arg9[%run_scoped3A, %dma_start3A_841, %dma_start3A_842] : memref<2x128x128xf32, #tpu.memory_space<vmem>> -> memref<1x128x128xf32, #tpu.memory_space<vmem>>
        %dma_start3A_844 = tpu.memref_squeeze %dma_start3A_843 : memref<1x128x128xf32, #tpu.memory_space<vmem>> -> memref<128x128xf32, #tpu.memory_space<vmem>>
        %dma_start3A_845 = arith.constant 0 : i32
        %dma_start3A_846 = tpu.memref_slice %arg8[%run_scoped3A_454, %dma_start3A_845] : memref<2x128xi32, #tpu.memory_space<vmem>> -> memref<1x128xi32, #tpu.memory_space<vmem>>
        %dma_start3A_847 = tpu.memref_squeeze %dma_start3A_846 : memref<1x128xi32, #tpu.memory_space<vmem>> -> memref<128xi32, #tpu.memory_space<vmem>>
        %dma_start3A_848 = arith.constant 0 : i32
        %dma_start3A_849 = arith.constant 0 : i32
        %dma_start3A_850 = tpu.memref_slice %arg10[%dma_start3A_848, %dma_start3A_849] : memref<10112x128xf32, #tpu.memory_space<vmem_shared>> -> memref<10112x128xf32, #tpu.memory_space<vmem_shared>>
        tpu.enqueue_indirect_dma source(%dma_start3A_844 : memref<128x128xf32, #tpu.memory_space<vmem>>) target(%dma_start3A_850 : memref<10112x128xf32, #tpu.memory_space<vmem_shared>>) offsets(%dma_start3A_847 : memref<128xi32, #tpu.memory_space<vmem>>) semaphore(%run_scoped3A_840 : memref<!tpu.dma_semaphore, #tpu.memory_space<semaphore_mem>>) {add = true}
        %dma_wait3A_851 = arith.constant 0 : i32
        %dma_wait3A_852 = arith.constant 0 : i32
        %dma_wait3A_853 = tpu.memref_slice %arg9[%run_scoped3A, %dma_wait3A_851, %dma_wait3A_852] : memref<2x128x128xf32, #tpu.memory_space<vmem>> -> memref<1x128x128xf32, #tpu.memory_space<vmem>>
        %dma_wait3A_854 = tpu.memref_squeeze %dma_wait3A_853 : memref<1x128x128xf32, #tpu.memory_space<vmem>> -> memref<128x128xf32, #tpu.memory_space<vmem>>
        %dma_wait3A_855 = arith.constant 0 : i32
        %dma_wait3A_856 = tpu.memref_slice %arg8[%run_scoped3A_454, %dma_wait3A_855] : memref<2x128xi32, #tpu.memory_space<vmem>> -> memref<1x128xi32, #tpu.memory_space<vmem>>
        %dma_wait3A_857 = tpu.memref_squeeze %dma_wait3A_856 : memref<1x128xi32, #tpu.memory_space<vmem>> -> memref<128xi32, #tpu.memory_space<vmem>>
        %dma_wait3A_858 = arith.constant 0 : i32
        %dma_wait3A_859 = arith.constant 0 : i32
        %dma_wait3A_860 = tpu.memref_slice %arg10[%dma_wait3A_858, %dma_wait3A_859] : memref<10112x128xf32, #tpu.memory_space<vmem_shared>> -> memref<10112x128xf32, #tpu.memory_space<vmem_shared>>
        tpu.wait_indirect_dma semaphore(%run_scoped3A_840 : memref<!tpu.dma_semaphore, #tpu.memory_space<semaphore_mem>>) src(%dma_wait3A_854 : memref<128x128xf32, #tpu.memory_space<vmem>>) dst(%dma_wait3A_860 : memref<10112x128xf32, #tpu.memory_space<vmem_shared>>)
        tpu.yield
      }) : () -> ()
      %add3A_455 = arith.constant 2 : i32
      %add3A_456 = arith.addi %add3A_441, %add3A_455 : i32
      %sub3A_457 = arith.constant 1 : i32
      %sub3A_458 = arith.subi %select_n3A, %sub3A_457 : i32
      %min3A = arith.minsi %add3A_456, %sub3A_458 : i32
      %get3A_459 = arith.index_cast %min3A : i32 to index
      %get3A_460 = arith.constant 0 : index
      %get3A_461 = tpu.vector_load %arg6[%get3A_459, %get3A_460] {strides = array<i32>} : memref<124x128xi32, #tpu.memory_space<vmem>>, vector<1x16xi32>,
      %get3A_462 = vector.shape_cast %get3A_461 : vector<1x16xi32> to vector<16xi32>
      %shift_right_logical3A_463 = arith.constant 15 : i32
      %shift_right_logical3A_464 = vector.broadcast %shift_right_logical3A_463 : i32 to vector<16xi32>
      %shift_right_logical3A_465 = arith.shrui %get3A_462, %shift_right_logical3A_464 : vector<16xi32>
      %swap3A_466 = arith.constant 0 : i32
      %swap3A_467 = arith.index_cast %swap3A_466 : i32 to index
      %swap3A_468 = arith.constant 0 : index
      %swap3A_469 = tpu.vector_load %arg7[%swap3A_467, %swap3A_468] {strides = array<i32>} : memref<2x128xi32, #tpu.memory_space<vmem>>, vector<1x16xi32>,
      %swap3A_470 = vector.shape_cast %swap3A_469 : vector<1x16xi32> to vector<16xi32>
      %swap3A_471 = vector.shape_cast %shift_right_logical3A_465 : vector<16xi32> to vector<1x16xi32>
      tpu.vector_store %arg7[%swap3A_467, %swap3A_468], %swap3A_471 {strides = array<i32>} : memref<2x128xi32, #tpu.memory_space<vmem>>, vector<1x16xi32>,
      %and3A_472 = vector.broadcast %while3A_399 : i32 to vector<16xi32>
      %and3A_473 = arith.andi %get3A_462, %and3A_472 : vector<16xi32>
      %swap3A_474 = arith.constant 0 : i32
      %swap3A_475 = arith.index_cast %swap3A_474 : i32 to index
      %swap3A_476 = arith.constant 0 : index
      %swap3A_477 = tpu.vector_load %arg8[%swap3A_475, %swap3A_476] {strides = array<i32>} : memref<2x128xi32, #tpu.memory_space<vmem>>, vector<1x16xi32>,
      %swap3A_478 = vector.shape_cast %swap3A_477 : vector<1x16xi32> to vector<16xi32>
      %swap3A_479 = vector.shape_cast %and3A_473 : vector<16xi32> to vector<1x16xi32>
      tpu.vector_store %arg8[%swap3A_475, %swap3A_476], %swap3A_479 {strides = array<i32>} : memref<2x128xi32, #tpu.memory_space<vmem>>, vector<1x16xi32>,
      %get3A_480 = arith.index_cast %min3A : i32 to index
      %get3A_481 = arith.constant 16 : index
      %get3A_482 = tpu.vector_load %arg6[%get3A_480, %get3A_481] {strides = array<i32>} : memref<124x128xi32, #tpu.memory_space<vmem>>, vector<1x16xi32>,
      %get3A_483 = vector.shape_cast %get3A_482 : vector<1x16xi32> to vector<16xi32>
      %shift_right_logical3A_484 = arith.constant 15 : i32
      %shift_right_logical3A_485 = vector.broadcast %shift_right_logical3A_484 : i32 to vector<16xi32>
      %shift_right_logical3A_486 = arith.shrui %get3A_483, %shift_right_logical3A_485 : vector<16xi32>
      %swap3A_487 = arith.constant 0 : i32
      %swap3A_488 = arith.index_cast %swap3A_487 : i32 to index
      %swap3A_489 = arith.constant 16 : index
      %swap3A_490 = tpu.vector_load %arg7[%swap3A_488, %swap3A_489] {strides = array<i32>} : memref<2x128xi32, #tpu.memory_space<vmem>>, vector<1x16xi32>,
      %swap3A_491 = vector.shape_cast %swap3A_490 : vector<1x16xi32> to vector<16xi32>
      %swap3A_492 = vector.shape_cast %shift_right_logical3A_486 : vector<16xi32> to vector<1x16xi32>
      tpu.vector_store %arg7[%swap3A_488, %swap3A_489], %swap3A_492 {strides = array<i32>} : memref<2x128xi32, #tpu.memory_space<vmem>>, vector<1x16xi32>,
      %and3A_493 = vector.broadcast %while3A_399 : i32 to vector<16xi32>
      %and3A_494 = arith.andi %get3A_483, %and3A_493 : vector<16xi32>
      %swap3A_495 = arith.constant 0 : i32
      %swap3A_496 = arith.index_cast %swap3A_495 : i32 to index
      %swap3A_497 = arith.constant 16 : index
      %swap3A_498 = tpu.vector_load %arg8[%swap3A_496, %swap3A_497] {strides = array<i32>} : memref<2x128xi32, #tpu.memory_space<vmem>>, vector<1x16xi32>,
      %swap3A_499 = vector.shape_cast %swap3A_498 : vector<1x16xi32> to vector<16xi32>
      %swap3A_500 = vector.shape_cast %and3A_494 : vector<16xi32> to vector<1x16xi32>
      tpu.vector_store %arg8[%swap3A_496, %swap3A_497], %swap3A_500 {strides = array<i32>} : memref<2x128xi32, #tpu.memory_space<vmem>>, vector<1x16xi32>,
      %get3A_501 = arith.index_cast %min3A : i32 to index
      %get3A_502 = arith.constant 32 : index
      %get3A_503 = tpu.vector_load %arg6[%get3A_501, %get3A_502] {strides = array<i32>} : memref<124x128xi32, #tpu.memory_space<vmem>>, vector<1x16xi32>,
      %get3A_504 = vector.shape_cast %get3A_503 : vector<1x16xi32> to vector<16xi32>
      %shift_right_logical3A_505 = arith.constant 15 : i32
      %shift_right_logical3A_506 = vector.broadcast %shift_right_logical3A_505 : i32 to vector<16xi32>
      %shift_right_logical3A_507 = arith.shrui %get3A_504, %shift_right_logical3A_506 : vector<16xi32>
      %swap3A_508 = arith.constant 0 : i32
      %swap3A_509 = arith.index_cast %swap3A_508 : i32 to index
      %swap3A_510 = arith.constant 32 : index
      %swap3A_511 = tpu.vector_load %arg7[%swap3A_509, %swap3A_510] {strides = array<i32>} : memref<2x128xi32, #tpu.memory_space<vmem>>, vector<1x16xi32>,
      %swap3A_512 = vector.shape_cast %swap3A_511 : vector<1x16xi32> to vector<16xi32>
      %swap3A_513 = vector.shape_cast %shift_right_logical3A_507 : vector<16xi32> to vector<1x16xi32>
      tpu.vector_store %arg7[%swap3A_509, %swap3A_510], %swap3A_513 {strides = array<i32>} : memref<2x128xi32, #tpu.memory_space<vmem>>, vector<1x16xi32>,
      %and3A_514 = vector.broadcast %while3A_399 : i32 to vector<16xi32>
      %and3A_515 = arith.andi %get3A_504, %and3A_514 : vector<16xi32>
      %swap3A_516 = arith.constant 0 : i32
      %swap3A_517 = arith.index_cast %swap3A_516 : i32 to index
      %swap3A_518 = arith.constant 32 : index
      %swap3A_519 = tpu.vector_load %arg8[%swap3A_517, %swap3A_518] {strides = array<i32>} : memref<2x128xi32, #tpu.memory_space<vmem>>, vector<1x16xi32>,
      %swap3A_520 = vector.shape_cast %swap3A_519 : vector<1x16xi32> to vector<16xi32>
      %swap3A_521 = vector.shape_cast %and3A_515 : vector<16xi32> to vector<1x16xi32>
      tpu.vector_store %arg8[%swap3A_517, %swap3A_518], %swap3A_521 {strides = array<i32>} : memref<2x128xi32, #tpu.memory_space<vmem>>, vector<1x16xi32>,
      %get3A_522 = arith.index_cast %min3A : i32 to index
      %get3A_523 = arith.constant 48 : index
      %get3A_524 = tpu.vector_load %arg6[%get3A_522, %get3A_523] {strides = array<i32>} : memref<124x128xi32, #tpu.memory_space<vmem>>, vector<1x16xi32>,
      %get3A_525 = vector.shape_cast %get3A_524 : vector<1x16xi32> to vector<16xi32>
      %shift_right_logical3A_526 = arith.constant 15 : i32
      %shift_right_logical3A_527 = vector.broadcast %shift_right_logical3A_526 : i32 to vector<16xi32>
      %shift_right_logical3A_528 = arith.shrui %get3A_525, %shift_right_logical3A_527 : vector<16xi32>
      %swap3A_529 = arith.constant 0 : i32
      %swap3A_530 = arith.index_cast %swap3A_529 : i32 to index
      %swap3A_531 = arith.constant 48 : index
      %swap3A_532 = tpu.vector_load %arg7[%swap3A_530, %swap3A_531] {strides = array<i32>} : memref<2x128xi32, #tpu.memory_space<vmem>>, vector<1x16xi32>,
      %swap3A_533 = vector.shape_cast %swap3A_532 : vector<1x16xi32> to vector<16xi32>
      %swap3A_534 = vector.shape_cast %shift_right_logical3A_528 : vector<16xi32> to vector<1x16xi32>
      tpu.vector_store %arg7[%swap3A_530, %swap3A_531], %swap3A_534 {strides = array<i32>} : memref<2x128xi32, #tpu.memory_space<vmem>>, vector<1x16xi32>,
      %and3A_535 = vector.broadcast %while3A_399 : i32 to vector<16xi32>
      %and3A_536 = arith.andi %get3A_525, %and3A_535 : vector<16xi32>
      %swap3A_537 = arith.constant 0 : i32
      %swap3A_538 = arith.index_cast %swap3A_537 : i32 to index
      %swap3A_539 = arith.constant 48 : index
      %swap3A_540 = tpu.vector_load %arg8[%swap3A_538, %swap3A_539] {strides = array<i32>} : memref<2x128xi32, #tpu.memory_space<vmem>>, vector<1x16xi32>,
      %swap3A_541 = vector.shape_cast %swap3A_540 : vector<1x16xi32> to vector<16xi32>
      %swap3A_542 = vector.shape_cast %and3A_536 : vector<16xi32> to vector<1x16xi32>
      tpu.vector_store %arg8[%swap3A_538, %swap3A_539], %swap3A_542 {strides = array<i32>} : memref<2x128xi32, #tpu.memory_space<vmem>>, vector<1x16xi32>,
      %get3A_543 = arith.index_cast %min3A : i32 to index
      %get3A_544 = arith.constant 64 : index
      %get3A_545 = tpu.vector_load %arg6[%get3A_543, %get3A_544] {strides = array<i32>} : memref<124x128xi32, #tpu.memory_space<vmem>>, vector<1x16xi32>,
      %get3A_546 = vector.shape_cast %get3A_545 : vector<1x16xi32> to vector<16xi32>
      %shift_right_logical3A_547 = arith.constant 15 : i32
      %shift_right_logical3A_548 = vector.broadcast %shift_right_logical3A_547 : i32 to vector<16xi32>
      %shift_right_logical3A_549 = arith.shrui %get3A_546, %shift_right_logical3A_548 : vector<16xi32>
      %swap3A_550 = arith.constant 0 : i32
      %swap3A_551 = arith.index_cast %swap3A_550 : i32 to index
      %swap3A_552 = arith.constant 64 : index
      %swap3A_553 = tpu.vector_load %arg7[%swap3A_551, %swap3A_552] {strides = array<i32>} : memref<2x128xi32, #tpu.memory_space<vmem>>, vector<1x16xi32>,
      %swap3A_554 = vector.shape_cast %swap3A_553 : vector<1x16xi32> to vector<16xi32>
      %swap3A_555 = vector.shape_cast %shift_right_logical3A_549 : vector<16xi32> to vector<1x16xi32>
      tpu.vector_store %arg7[%swap3A_551, %swap3A_552], %swap3A_555 {strides = array<i32>} : memref<2x128xi32, #tpu.memory_space<vmem>>, vector<1x16xi32>,
      %and3A_556 = vector.broadcast %while3A_399 : i32 to vector<16xi32>
      %and3A_557 = arith.andi %get3A_546, %and3A_556 : vector<16xi32>
      %swap3A_558 = arith.constant 0 : i32
      %swap3A_559 = arith.index_cast %swap3A_558 : i32 to index
      %swap3A_560 = arith.constant 64 : index
      %swap3A_561 = tpu.vector_load %arg8[%swap3A_559, %swap3A_560] {strides = array<i32>} : memref<2x128xi32, #tpu.memory_space<vmem>>, vector<1x16xi32>,
      %swap3A_562 = vector.shape_cast %swap3A_561 : vector<1x16xi32> to vector<16xi32>
      %swap3A_563 = vector.shape_cast %and3A_557 : vector<16xi32> to vector<1x16xi32>
      tpu.vector_store %arg8[%swap3A_559, %swap3A_560], %swap3A_563 {strides = array<i32>} : memref<2x128xi32, #tpu.memory_space<vmem>>, vector<1x16xi32>,
      %get3A_564 = arith.index_cast %min3A : i32 to index
      %get3A_565 = arith.constant 80 : index
      %get3A_566 = tpu.vector_load %arg6[%get3A_564, %get3A_565] {strides = array<i32>} : memref<124x128xi32, #tpu.memory_space<vmem>>, vector<1x16xi32>,
      %get3A_567 = vector.shape_cast %get3A_566 : vector<1x16xi32> to vector<16xi32>
      %shift_right_logical3A_568 = arith.constant 15 : i32
      %shift_right_logical3A_569 = vector.broadcast %shift_right_logical3A_568 : i32 to vector<16xi32>
      %shift_right_logical3A_570 = arith.shrui %get3A_567, %shift_right_logical3A_569 : vector<16xi32>
      %swap3A_571 = arith.constant 0 : i32
      %swap3A_572 = arith.index_cast %swap3A_571 : i32 to index
      %swap3A_573 = arith.constant 80 : index
      %swap3A_574 = tpu.vector_load %arg7[%swap3A_572, %swap3A_573] {strides = array<i32>} : memref<2x128xi32, #tpu.memory_space<vmem>>, vector<1x16xi32>,
      %swap3A_575 = vector.shape_cast %swap3A_574 : vector<1x16xi32> to vector<16xi32>
      %swap3A_576 = vector.shape_cast %shift_right_logical3A_570 : vector<16xi32> to vector<1x16xi32>
      tpu.vector_store %arg7[%swap3A_572, %swap3A_573], %swap3A_576 {strides = array<i32>} : memref<2x128xi32, #tpu.memory_space<vmem>>, vector<1x16xi32>,
      %and3A_577 = vector.broadcast %while3A_399 : i32 to vector<16xi32>
      %and3A_578 = arith.andi %get3A_567, %and3A_577 : vector<16xi32>
      %swap3A_579 = arith.constant 0 : i32
      %swap3A_580 = arith.index_cast %swap3A_579 : i32 to index
      %swap3A_581 = arith.constant 80 : index
      %swap3A_582 = tpu.vector_load %arg8[%swap3A_580, %swap3A_581] {strides = array<i32>} : memref<2x128xi32, #tpu.memory_space<vmem>>, vector<1x16xi32>,
      %swap3A_583 = vector.shape_cast %swap3A_582 : vector<1x16xi32> to vector<16xi32>
      %swap3A_584 = vector.shape_cast %and3A_578 : vector<16xi32> to vector<1x16xi32>
      tpu.vector_store %arg8[%swap3A_580, %swap3A_581], %swap3A_584 {strides = array<i32>} : memref<2x128xi32, #tpu.memory_space<vmem>>, vector<1x16xi32>,
      %get3A_585 = arith.index_cast %min3A : i32 to index
      %get3A_586 = arith.constant 96 : index
      %get3A_587 = tpu.vector_load %arg6[%get3A_585, %get3A_586] {strides = array<i32>} : memref<124x128xi32, #tpu.memory_space<vmem>>, vector<1x16xi32>,
      %get3A_588 = vector.shape_cast %get3A_587 : vector<1x16xi32> to vector<16xi32>
      %shift_right_logical3A_589 = arith.constant 15 : i32
      %shift_right_logical3A_590 = vector.broadcast %shift_right_logical3A_589 : i32 to vector<16xi32>
      %shift_right_logical3A_591 = arith.shrui %get3A_588, %shift_right_logical3A_590 : vector<16xi32>
      %swap3A_592 = arith.constant 0 : i32
      %swap3A_593 = arith.index_cast %swap3A_592 : i32 to index
      %swap3A_594 = arith.constant 96 : index
      %swap3A_595 = tpu.vector_load %arg7[%swap3A_593, %swap3A_594] {strides = array<i32>} : memref<2x128xi32, #tpu.memory_space<vmem>>, vector<1x16xi32>,
      %swap3A_596 = vector.shape_cast %swap3A_595 : vector<1x16xi32> to vector<16xi32>
      %swap3A_597 = vector.shape_cast %shift_right_logical3A_591 : vector<16xi32> to vector<1x16xi32>
      tpu.vector_store %arg7[%swap3A_593, %swap3A_594], %swap3A_597 {strides = array<i32>} : memref<2x128xi32, #tpu.memory_space<vmem>>, vector<1x16xi32>,
      %and3A_598 = vector.broadcast %while3A_399 : i32 to vector<16xi32>
      %and3A_599 = arith.andi %get3A_588, %and3A_598 : vector<16xi32>
      %swap3A_600 = arith.constant 0 : i32
      %swap3A_601 = arith.index_cast %swap3A_600 : i32 to index
      %swap3A_602 = arith.constant 96 : index
      %swap3A_603 = tpu.vector_load %arg8[%swap3A_601, %swap3A_602] {strides = array<i32>} : memref<2x128xi32, #tpu.memory_space<vmem>>, vector<1x16xi32>,
      %swap3A_604 = vector.shape_cast %swap3A_603 : vector<1x16xi32> to vector<16xi32>
      %swap3A_605 = vector.shape_cast %and3A_599 : vector<16xi32> to vector<1x16xi32>
      tpu.vector_store %arg8[%swap3A_601, %swap3A_602], %swap3A_605 {strides = array<i32>} : memref<2x128xi32, #tpu.memory_space<vmem>>, vector<1x16xi32>,
      %get3A_606 = arith.index_cast %min3A : i32 to index
      %get3A_607 = arith.constant 112 : index
      %get3A_608 = tpu.vector_load %arg6[%get3A_606, %get3A_607] {strides = array<i32>} : memref<124x128xi32, #tpu.memory_space<vmem>>, vector<1x16xi32>,
      %get3A_609 = vector.shape_cast %get3A_608 : vector<1x16xi32> to vector<16xi32>
      %shift_right_logical3A_610 = arith.constant 15 : i32
      %shift_right_logical3A_611 = vector.broadcast %shift_right_logical3A_610 : i32 to vector<16xi32>
      %shift_right_logical3A_612 = arith.shrui %get3A_609, %shift_right_logical3A_611 : vector<16xi32>
      %swap3A_613 = arith.constant 0 : i32
      %swap3A_614 = arith.index_cast %swap3A_613 : i32 to index
      %swap3A_615 = arith.constant 112 : index
      %swap3A_616 = tpu.vector_load %arg7[%swap3A_614, %swap3A_615] {strides = array<i32>} : memref<2x128xi32, #tpu.memory_space<vmem>>, vector<1x16xi32>,
      %swap3A_617 = vector.shape_cast %swap3A_616 : vector<1x16xi32> to vector<16xi32>
      %swap3A_618 = vector.shape_cast %shift_right_logical3A_612 : vector<16xi32> to vector<1x16xi32>
      tpu.vector_store %arg7[%swap3A_614, %swap3A_615], %swap3A_618 {strides = array<i32>} : memref<2x128xi32, #tpu.memory_space<vmem>>, vector<1x16xi32>,
      %and3A_619 = vector.broadcast %while3A_399 : i32 to vector<16xi32>
      %and3A_620 = arith.andi %get3A_609, %and3A_619 : vector<16xi32>
      %swap3A_621 = arith.constant 0 : i32
      %swap3A_622 = arith.index_cast %swap3A_621 : i32 to index
      %swap3A_623 = arith.constant 112 : index
      %swap3A_624 = tpu.vector_load %arg8[%swap3A_622, %swap3A_623] {strides = array<i32>} : memref<2x128xi32, #tpu.memory_space<vmem>>, vector<1x16xi32>,
      %swap3A_625 = vector.shape_cast %swap3A_624 : vector<1x16xi32> to vector<16xi32>
      %swap3A_626 = vector.shape_cast %and3A_620 : vector<16xi32> to vector<1x16xi32>
      tpu.vector_store %arg8[%swap3A_622, %swap3A_623], %swap3A_626 {strides = array<i32>} : memref<2x128xi32, #tpu.memory_space<vmem>>, vector<1x16xi32>,
      %dma_start3A_627 = arith.constant 0 : i32
      %dma_start3A_628 = arith.constant 0 : i32
      %dma_start3A_629 = arith.constant 0 : i32
      %dma_start3A_630 = arith.constant 0 : i32
      %dma_start3A_631 = tpu.memref_slice %arg9[%dma_start3A_628, %dma_start3A_629, %dma_start3A_630] : memref<2x128x128xf32, #tpu.memory_space<vmem>> -> memref<1x128x128xf32, #tpu.memory_space<vmem>>
      %dma_start3A_632 = tpu.memref_squeeze %dma_start3A_631 : memref<1x128x128xf32, #tpu.memory_space<vmem>> -> memref<128x128xf32, #tpu.memory_space<vmem>>
      %dma_start3A_633 = arith.constant 0 : i32
      %dma_start3A_634 = tpu.memref_slice %arg7[%dma_start3A_627, %dma_start3A_633] : memref<2x128xi32, #tpu.memory_space<vmem>> -> memref<1x128xi32, #tpu.memory_space<vmem>>
      %dma_start3A_635 = tpu.memref_squeeze %dma_start3A_634 : memref<1x128xi32, #tpu.memory_space<vmem>> -> memref<128xi32, #tpu.memory_space<vmem>>
      %dma_start3A_636 = arith.constant 0 : i32
      %dma_start3A_637 = arith.constant 0 : i32
      %dma_start3A_638 = tpu.memref_slice %arg2[%dma_start3A_636, %dma_start3A_637] : memref<10000x128xf32, #tpu.memory_space<hbm>> -> memref<10000x128xf32, #tpu.memory_space<hbm>>
      tpu.enqueue_indirect_dma source(%dma_start3A_638 : memref<10000x128xf32, #tpu.memory_space<hbm>>) target(%dma_start3A_632 : memref<128x128xf32, #tpu.memory_space<vmem>>) offsets(%dma_start3A_635 : memref<128xi32, #tpu.memory_space<vmem>>) semaphore(%arg11 : memref<!tpu.dma_semaphore, #tpu.memory_space<semaphore_mem>>)
      %add3A_639 = arith.constant 1 : i32
      %add3A_640 = arith.addi %add3A_439, %add3A_639 : i32
      %dma_wait3A_641 = arith.constant 1 : i32
      %dma_wait3A_642 = arith.constant 1 : i32
      %dma_wait3A_643 = arith.constant 0 : i32
      %dma_wait3A_644 = arith.constant 0 : i32
      %dma_wait3A_645 = tpu.memref_slice %arg9[%dma_wait3A_642, %dma_wait3A_643, %dma_wait3A_644] : memref<2x128x128xf32, #tpu.memory_space<vmem>> -> memref<1x128x128xf32, #tpu.memory_space<vmem>>
      %dma_wait3A_646 = tpu.memref_squeeze %dma_wait3A_645 : memref<1x128x128xf32, #tpu.memory_space<vmem>> -> memref<128x128xf32, #tpu.memory_space<vmem>>
      %dma_wait3A_647 = arith.constant 0 : i32
      %dma_wait3A_648 = tpu.memref_slice %arg7[%dma_wait3A_641, %dma_wait3A_647] : memref<2x128xi32, #tpu.memory_space<vmem>> -> memref<1x128xi32, #tpu.memory_space<vmem>>
      %dma_wait3A_649 = tpu.memref_squeeze %dma_wait3A_648 : memref<1x128xi32, #tpu.memory_space<vmem>> -> memref<128xi32, #tpu.memory_space<vmem>>
      %dma_wait3A_650 = arith.constant 0 : i32
      %dma_wait3A_651 = arith.constant 0 : i32
      %dma_wait3A_652 = tpu.memref_slice %arg2[%dma_wait3A_650, %dma_wait3A_651] : memref<10000x128xf32, #tpu.memory_space<hbm>> -> memref<10000x128xf32, #tpu.memory_space<hbm>>
      tpu.wait_indirect_dma semaphore(%arg12 : memref<!tpu.dma_semaphore, #tpu.memory_space<semaphore_mem>>) src(%dma_wait3A_652 : memref<10000x128xf32, #tpu.memory_space<hbm>>) dst(%dma_wait3A_646 : memref<128x128xf32, #tpu.memory_space<vmem>>)
      %run_scoped3A_653 = arith.constant 1 : i32
      %run_scoped3A_654 = arith.constant 1 : i32
      "tpu.region"() ({
        %run_scoped3A_840 = tpu.sem_alloc : memref<!tpu.dma_semaphore, #tpu.memory_space<semaphore_mem>>
        %dma_start3A_841 = arith.constant 0 : i32
        %dma_start3A_842 = arith.constant 0 : i32
        %dma_start3A_843 = tpu.memref_slice %arg9[%run_scoped3A_653, %dma_start3A_841, %dma_start3A_842] : memref<2x128x128xf32, #tpu.memory_space<vmem>> -> memref<1x128x128xf32, #tpu.memory_space<vmem>>
        %dma_start3A_844 = tpu.memref_squeeze %dma_start3A_843 : memref<1x128x128xf32, #tpu.memory_space<vmem>> -> memref<128x128xf32, #tpu.memory_space<vmem>>
        %dma_start3A_845 = arith.constant 0 : i32
        %dma_start3A_846 = tpu.memref_slice %arg8[%run_scoped3A_654, %dma_start3A_845] : memref<2x128xi32, #tpu.memory_space<vmem>> -> memref<1x128xi32, #tpu.memory_space<vmem>>
        %dma_start3A_847 = tpu.memref_squeeze %dma_start3A_846 : memref<1x128xi32, #tpu.memory_space<vmem>> -> memref<128xi32, #tpu.memory_space<vmem>>
        %dma_start3A_848 = arith.constant 0 : i32
        %dma_start3A_849 = arith.constant 0 : i32
        %dma_start3A_850 = tpu.memref_slice %arg10[%dma_start3A_848, %dma_start3A_849] : memref<10112x128xf32, #tpu.memory_space<vmem_shared>> -> memref<10112x128xf32, #tpu.memory_space<vmem_shared>>
        tpu.enqueue_indirect_dma source(%dma_start3A_844 : memref<128x128xf32, #tpu.memory_space<vmem>>) target(%dma_start3A_850 : memref<10112x128xf32, #tpu.memory_space<vmem_shared>>) offsets(%dma_start3A_847 : memref<128xi32, #tpu.memory_space<vmem>>) semaphore(%run_scoped3A_840 : memref<!tpu.dma_semaphore, #tpu.memory_space<semaphore_mem>>) {add = true}
        %dma_wait3A_851 = arith.constant 0 : i32
        %dma_wait3A_852 = arith.constant 0 : i32
        %dma_wait3A_853 = tpu.memref_slice %arg9[%run_scoped3A_653, %dma_wait3A_851, %dma_wait3A_852] : memref<2x128x128xf32, #tpu.memory_space<vmem>> -> memref<1x128x128xf32, #tpu.memory_space<vmem>>
        %dma_wait3A_854 = tpu.memref_squeeze %dma_wait3A_853 : memref<1x128x128xf32, #tpu.memory_space<vmem>> -> memref<128x128xf32, #tpu.memory_space<vmem>>
        %dma_wait3A_855 = arith.constant 0 : i32
        %dma_wait3A_856 = tpu.memref_slice %arg8[%run_scoped3A_654, %dma_wait3A_855] : memref<2x128xi32, #tpu.memory_space<vmem>> -> memref<1x128xi32, #tpu.memory_space<vmem>>
        %dma_wait3A_857 = tpu.memref_squeeze %dma_wait3A_856 : memref<1x128xi32, #tpu.memory_space<vmem>> -> memref<128xi32, #tpu.memory_space<vmem>>
        %dma_wait3A_858 = arith.constant 0 : i32
        %dma_wait3A_859 = arith.constant 0 : i32
        %dma_wait3A_860 = tpu.memref_slice %arg10[%dma_wait3A_858, %dma_wait3A_859] : memref<10112x128xf32, #tpu.memory_space<vmem_shared>> -> memref<10112x128xf32, #tpu.memory_space<vmem_shared>>
        tpu.wait_indirect_dma semaphore(%run_scoped3A_840 : memref<!tpu.dma_semaphore, #tpu.memory_space<semaphore_mem>>) src(%dma_wait3A_854 : memref<128x128xf32, #tpu.memory_space<vmem>>) dst(%dma_wait3A_860 : memref<10112x128xf32, #tpu.memory_space<vmem_shared>>)
        tpu.yield
      }) : () -> ()
      %add3A_655 = arith.constant 2 : i32
      %add3A_656 = arith.addi %add3A_640, %add3A_655 : i32
      %sub3A_657 = arith.constant 1 : i32
      %sub3A_658 = arith.subi %select_n3A, %sub3A_657 : i32
      %min3A_659 = arith.minsi %add3A_656, %sub3A_658 : i32
      %get3A_660 = arith.index_cast %min3A_659 : i32 to index
      %get3A_661 = arith.constant 0 : index
      %get3A_662 = tpu.vector_load %arg6[%get3A_660, %get3A_661] {strides = array<i32>} : memref<124x128xi32, #tpu.memory_space<vmem>>, vector<1x16xi32>,
      %get3A_663 = vector.shape_cast %get3A_662 : vector<1x16xi32> to vector<16xi32>
      %shift_right_logical3A_664 = arith.constant 15 : i32
      %shift_right_logical3A_665 = vector.broadcast %shift_right_logical3A_664 : i32 to vector<16xi32>
      %shift_right_logical3A_666 = arith.shrui %get3A_663, %shift_right_logical3A_665 : vector<16xi32>
      %swap3A_667 = arith.constant 1 : i32
      %swap3A_668 = arith.index_cast %swap3A_667 : i32 to index
      %swap3A_669 = arith.constant 0 : index
      %swap3A_670 = tpu.vector_load %arg7[%swap3A_668, %swap3A_669] {strides = array<i32>} : memref<2x128xi32, #tpu.memory_space<vmem>>, vector<1x16xi32>,
      %swap3A_671 = vector.shape_cast %swap3A_670 : vector<1x16xi32> to vector<16xi32>
      %swap3A_672 = vector.shape_cast %shift_right_logical3A_666 : vector<16xi32> to vector<1x16xi32>
      tpu.vector_store %arg7[%swap3A_668, %swap3A_669], %swap3A_672 {strides = array<i32>} : memref<2x128xi32, #tpu.memory_space<vmem>>, vector<1x16xi32>,
      %and3A_673 = vector.broadcast %while3A_399 : i32 to vector<16xi32>
      %and3A_674 = arith.andi %get3A_663, %and3A_673 : vector<16xi32>
      %swap3A_675 = arith.constant 1 : i32
      %swap3A_676 = arith.index_cast %swap3A_675 : i32 to index
      %swap3A_677 = arith.constant 0 : index
      %swap3A_678 = tpu.vector_load %arg8[%swap3A_676, %swap3A_677] {strides = array<i32>} : memref<2x128xi32, #tpu.memory_space<vmem>>, vector<1x16xi32>,
      %swap3A_679 = vector.shape_cast %swap3A_678 : vector<1x16xi32> to vector<16xi32>
      %swap3A_680 = vector.shape_cast %and3A_674 : vector<16xi32> to vector<1x16xi32>
      tpu.vector_store %arg8[%swap3A_676, %swap3A_677], %swap3A_680 {strides = array<i32>} : memref<2x128xi32, #tpu.memory_space<vmem>>, vector<1x16xi32>,
      %get3A_681 = arith.index_cast %min3A_659 : i32 to index
      %get3A_682 = arith.constant 16 : index
      %get3A_683 = tpu.vector_load %arg6[%get3A_681, %get3A_682] {strides = array<i32>} : memref<124x128xi32, #tpu.memory_space<vmem>>, vector<1x16xi32>,
      %get3A_684 = vector.shape_cast %get3A_683 : vector<1x16xi32> to vector<16xi32>
      %shift_right_logical3A_685 = arith.constant 15 : i32
      %shift_right_logical3A_686 = vector.broadcast %shift_right_logical3A_685 : i32 to vector<16xi32>
      %shift_right_logical3A_687 = arith.shrui %get3A_684, %shift_right_logical3A_686 : vector<16xi32>
      %swap3A_688 = arith.constant 1 : i32
      %swap3A_689 = arith.index_cast %swap3A_688 : i32 to index
      %swap3A_690 = arith.constant 16 : index
      %swap3A_691 = tpu.vector_load %arg7[%swap3A_689, %swap3A_690] {strides = array<i32>} : memref<2x128xi32, #tpu.memory_space<vmem>>, vector<1x16xi32>,
      %swap3A_692 = vector.shape_cast %swap3A_691 : vector<1x16xi32> to vector<16xi32>
      %swap3A_693 = vector.shape_cast %shift_right_logical3A_687 : vector<16xi32> to vector<1x16xi32>
      tpu.vector_store %arg7[%swap3A_689, %swap3A_690], %swap3A_693 {strides = array<i32>} : memref<2x128xi32, #tpu.memory_space<vmem>>, vector<1x16xi32>,
      %and3A_694 = vector.broadcast %while3A_399 : i32 to vector<16xi32>
      %and3A_695 = arith.andi %get3A_684, %and3A_694 : vector<16xi32>
      %swap3A_696 = arith.constant 1 : i32
      %swap3A_697 = arith.index_cast %swap3A_696 : i32 to index
      %swap3A_698 = arith.constant 16 : index
      %swap3A_699 = tpu.vector_load %arg8[%swap3A_697, %swap3A_698] {strides = array<i32>} : memref<2x128xi32, #tpu.memory_space<vmem>>, vector<1x16xi32>,
      %swap3A_700 = vector.shape_cast %swap3A_699 : vector<1x16xi32> to vector<16xi32>
      %swap3A_701 = vector.shape_cast %and3A_695 : vector<16xi32> to vector<1x16xi32>
      tpu.vector_store %arg8[%swap3A_697, %swap3A_698], %swap3A_701 {strides = array<i32>} : memref<2x128xi32, #tpu.memory_space<vmem>>, vector<1x16xi32>,
      %get3A_702 = arith.index_cast %min3A_659 : i32 to index
      %get3A_703 = arith.constant 32 : index
      %get3A_704 = tpu.vector_load %arg6[%get3A_702, %get3A_703] {strides = array<i32>} : memref<124x128xi32, #tpu.memory_space<vmem>>, vector<1x16xi32>,
      %get3A_705 = vector.shape_cast %get3A_704 : vector<1x16xi32> to vector<16xi32>
      %shift_right_logical3A_706 = arith.constant 15 : i32
      %shift_right_logical3A_707 = vector.broadcast %shift_right_logical3A_706 : i32 to vector<16xi32>
      %shift_right_logical3A_708 = arith.shrui %get3A_705, %shift_right_logical3A_707 : vector<16xi32>
      %swap3A_709 = arith.constant 1 : i32
      %swap3A_710 = arith.index_cast %swap3A_709 : i32 to index
      %swap3A_711 = arith.constant 32 : index
      %swap3A_712 = tpu.vector_load %arg7[%swap3A_710, %swap3A_711] {strides = array<i32>} : memref<2x128xi32, #tpu.memory_space<vmem>>, vector<1x16xi32>,
      %swap3A_713 = vector.shape_cast %swap3A_712 : vector<1x16xi32> to vector<16xi32>
      %swap3A_714 = vector.shape_cast %shift_right_logical3A_708 : vector<16xi32> to vector<1x16xi32>
      tpu.vector_store %arg7[%swap3A_710, %swap3A_711], %swap3A_714 {strides = array<i32>} : memref<2x128xi32, #tpu.memory_space<vmem>>, vector<1x16xi32>,
      %and3A_715 = vector.broadcast %while3A_399 : i32 to vector<16xi32>
      %and3A_716 = arith.andi %get3A_705, %and3A_715 : vector<16xi32>
      %swap3A_717 = arith.constant 1 : i32
      %swap3A_718 = arith.index_cast %swap3A_717 : i32 to index
      %swap3A_719 = arith.constant 32 : index
      %swap3A_720 = tpu.vector_load %arg8[%swap3A_718, %swap3A_719] {strides = array<i32>} : memref<2x128xi32, #tpu.memory_space<vmem>>, vector<1x16xi32>,
      %swap3A_721 = vector.shape_cast %swap3A_720 : vector<1x16xi32> to vector<16xi32>
      %swap3A_722 = vector.shape_cast %and3A_716 : vector<16xi32> to vector<1x16xi32>
      tpu.vector_store %arg8[%swap3A_718, %swap3A_719], %swap3A_722 {strides = array<i32>} : memref<2x128xi32, #tpu.memory_space<vmem>>, vector<1x16xi32>,
      %get3A_723 = arith.index_cast %min3A_659 : i32 to index
      %get3A_724 = arith.constant 48 : index
      %get3A_725 = tpu.vector_load %arg6[%get3A_723, %get3A_724] {strides = array<i32>} : memref<124x128xi32, #tpu.memory_space<vmem>>, vector<1x16xi32>,
      %get3A_726 = vector.shape_cast %get3A_725 : vector<1x16xi32> to vector<16xi32>
      %shift_right_logical3A_727 = arith.constant 15 : i32
      %shift_right_logical3A_728 = vector.broadcast %shift_right_logical3A_727 : i32 to vector<16xi32>
      %shift_right_logical3A_729 = arith.shrui %get3A_726, %shift_right_logical3A_728 : vector<16xi32>
      %swap3A_730 = arith.constant 1 : i32
      %swap3A_731 = arith.index_cast %swap3A_730 : i32 to index
      %swap3A_732 = arith.constant 48 : index
      %swap3A_733 = tpu.vector_load %arg7[%swap3A_731, %swap3A_732] {strides = array<i32>} : memref<2x128xi32, #tpu.memory_space<vmem>>, vector<1x16xi32>,
      %swap3A_734 = vector.shape_cast %swap3A_733 : vector<1x16xi32> to vector<16xi32>
      %swap3A_735 = vector.shape_cast %shift_right_logical3A_729 : vector<16xi32> to vector<1x16xi32>
      tpu.vector_store %arg7[%swap3A_731, %swap3A_732], %swap3A_735 {strides = array<i32>} : memref<2x128xi32, #tpu.memory_space<vmem>>, vector<1x16xi32>,
      %and3A_736 = vector.broadcast %while3A_399 : i32 to vector<16xi32>
      %and3A_737 = arith.andi %get3A_726, %and3A_736 : vector<16xi32>
      %swap3A_738 = arith.constant 1 : i32
      %swap3A_739 = arith.index_cast %swap3A_738 : i32 to index
      %swap3A_740 = arith.constant 48 : index
      %swap3A_741 = tpu.vector_load %arg8[%swap3A_739, %swap3A_740] {strides = array<i32>} : memref<2x128xi32, #tpu.memory_space<vmem>>, vector<1x16xi32>,
      %swap3A_742 = vector.shape_cast %swap3A_741 : vector<1x16xi32> to vector<16xi32>
      %swap3A_743 = vector.shape_cast %and3A_737 : vector<16xi32> to vector<1x16xi32>
      tpu.vector_store %arg8[%swap3A_739, %swap3A_740], %swap3A_743 {strides = array<i32>} : memref<2x128xi32, #tpu.memory_space<vmem>>, vector<1x16xi32>,
      %get3A_744 = arith.index_cast %min3A_659 : i32 to index
      %get3A_745 = arith.constant 64 : index
      %get3A_746 = tpu.vector_load %arg6[%get3A_744, %get3A_745] {strides = array<i32>} : memref<124x128xi32, #tpu.memory_space<vmem>>, vector<1x16xi32>,
      %get3A_747 = vector.shape_cast %get3A_746 : vector<1x16xi32> to vector<16xi32>
      %shift_right_logical3A_748 = arith.constant 15 : i32
      %shift_right_logical3A_749 = vector.broadcast %shift_right_logical3A_748 : i32 to vector<16xi32>
      %shift_right_logical3A_750 = arith.shrui %get3A_747, %shift_right_logical3A_749 : vector<16xi32>
      %swap3A_751 = arith.constant 1 : i32
      %swap3A_752 = arith.index_cast %swap3A_751 : i32 to index
      %swap3A_753 = arith.constant 64 : index
      %swap3A_754 = tpu.vector_load %arg7[%swap3A_752, %swap3A_753] {strides = array<i32>} : memref<2x128xi32, #tpu.memory_space<vmem>>, vector<1x16xi32>,
      %swap3A_755 = vector.shape_cast %swap3A_754 : vector<1x16xi32> to vector<16xi32>
      %swap3A_756 = vector.shape_cast %shift_right_logical3A_750 : vector<16xi32> to vector<1x16xi32>
      tpu.vector_store %arg7[%swap3A_752, %swap3A_753], %swap3A_756 {strides = array<i32>} : memref<2x128xi32, #tpu.memory_space<vmem>>, vector<1x16xi32>,
      %and3A_757 = vector.broadcast %while3A_399 : i32 to vector<16xi32>
      %and3A_758 = arith.andi %get3A_747, %and3A_757 : vector<16xi32>
      %swap3A_759 = arith.constant 1 : i32
      %swap3A_760 = arith.index_cast %swap3A_759 : i32 to index
      %swap3A_761 = arith.constant 64 : index
      %swap3A_762 = tpu.vector_load %arg8[%swap3A_760, %swap3A_761] {strides = array<i32>} : memref<2x128xi32, #tpu.memory_space<vmem>>, vector<1x16xi32>,
      %swap3A_763 = vector.shape_cast %swap3A_762 : vector<1x16xi32> to vector<16xi32>
      %swap3A_764 = vector.shape_cast %and3A_758 : vector<16xi32> to vector<1x16xi32>
      tpu.vector_store %arg8[%swap3A_760, %swap3A_761], %swap3A_764 {strides = array<i32>} : memref<2x128xi32, #tpu.memory_space<vmem>>, vector<1x16xi32>,
      %get3A_765 = arith.index_cast %min3A_659 : i32 to index
      %get3A_766 = arith.constant 80 : index
      %get3A_767 = tpu.vector_load %arg6[%get3A_765, %get3A_766] {strides = array<i32>} : memref<124x128xi32, #tpu.memory_space<vmem>>, vector<1x16xi32>,
      %get3A_768 = vector.shape_cast %get3A_767 : vector<1x16xi32> to vector<16xi32>
      %shift_right_logical3A_769 = arith.constant 15 : i32
      %shift_right_logical3A_770 = vector.broadcast %shift_right_logical3A_769 : i32 to vector<16xi32>
      %shift_right_logical3A_771 = arith.shrui %get3A_768, %shift_right_logical3A_770 : vector<16xi32>
      %swap3A_772 = arith.constant 1 : i32
      %swap3A_773 = arith.index_cast %swap3A_772 : i32 to index
      %swap3A_774 = arith.constant 80 : index
      %swap3A_775 = tpu.vector_load %arg7[%swap3A_773, %swap3A_774] {strides = array<i32>} : memref<2x128xi32, #tpu.memory_space<vmem>>, vector<1x16xi32>,
      %swap3A_776 = vector.shape_cast %swap3A_775 : vector<1x16xi32> to vector<16xi32>
      %swap3A_777 = vector.shape_cast %shift_right_logical3A_771 : vector<16xi32> to vector<1x16xi32>
      tpu.vector_store %arg7[%swap3A_773, %swap3A_774], %swap3A_777 {strides = array<i32>} : memref<2x128xi32, #tpu.memory_space<vmem>>, vector<1x16xi32>,
      %and3A_778 = vector.broadcast %while3A_399 : i32 to vector<16xi32>
      %and3A_779 = arith.andi %get3A_768, %and3A_778 : vector<16xi32>
      %swap3A_780 = arith.constant 1 : i32
      %swap3A_781 = arith.index_cast %swap3A_780 : i32 to index
      %swap3A_782 = arith.constant 80 : index
      %swap3A_783 = tpu.vector_load %arg8[%swap3A_781, %swap3A_782] {strides = array<i32>} : memref<2x128xi32, #tpu.memory_space<vmem>>, vector<1x16xi32>,
      %swap3A_784 = vector.shape_cast %swap3A_783 : vector<1x16xi32> to vector<16xi32>
      %swap3A_785 = vector.shape_cast %and3A_779 : vector<16xi32> to vector<1x16xi32>
      tpu.vector_store %arg8[%swap3A_781, %swap3A_782], %swap3A_785 {strides = array<i32>} : memref<2x128xi32, #tpu.memory_space<vmem>>, vector<1x16xi32>,
      %get3A_786 = arith.index_cast %min3A_659 : i32 to index
      %get3A_787 = arith.constant 96 : index
      %get3A_788 = tpu.vector_load %arg6[%get3A_786, %get3A_787] {strides = array<i32>} : memref<124x128xi32, #tpu.memory_space<vmem>>, vector<1x16xi32>,
      %get3A_789 = vector.shape_cast %get3A_788 : vector<1x16xi32> to vector<16xi32>
      %shift_right_logical3A_790 = arith.constant 15 : i32
      %shift_right_logical3A_791 = vector.broadcast %shift_right_logical3A_790 : i32 to vector<16xi32>
      %shift_right_logical3A_792 = arith.shrui %get3A_789, %shift_right_logical3A_791 : vector<16xi32>
      %swap3A_793 = arith.constant 1 : i32
      %swap3A_794 = arith.index_cast %swap3A_793 : i32 to index
      %swap3A_795 = arith.constant 96 : index
      %swap3A_796 = tpu.vector_load %arg7[%swap3A_794, %swap3A_795] {strides = array<i32>} : memref<2x128xi32, #tpu.memory_space<vmem>>, vector<1x16xi32>,
      %swap3A_797 = vector.shape_cast %swap3A_796 : vector<1x16xi32> to vector<16xi32>
      %swap3A_798 = vector.shape_cast %shift_right_logical3A_792 : vector<16xi32> to vector<1x16xi32>
      tpu.vector_store %arg7[%swap3A_794, %swap3A_795], %swap3A_798 {strides = array<i32>} : memref<2x128xi32, #tpu.memory_space<vmem>>, vector<1x16xi32>,
      %and3A_799 = vector.broadcast %while3A_399 : i32 to vector<16xi32>
      %and3A_800 = arith.andi %get3A_789, %and3A_799 : vector<16xi32>
      %swap3A_801 = arith.constant 1 : i32
      %swap3A_802 = arith.index_cast %swap3A_801 : i32 to index
      %swap3A_803 = arith.constant 96 : index
      %swap3A_804 = tpu.vector_load %arg8[%swap3A_802, %swap3A_803] {strides = array<i32>} : memref<2x128xi32, #tpu.memory_space<vmem>>, vector<1x16xi32>,
      %swap3A_805 = vector.shape_cast %swap3A_804 : vector<1x16xi32> to vector<16xi32>
      %swap3A_806 = vector.shape_cast %and3A_800 : vector<16xi32> to vector<1x16xi32>
      tpu.vector_store %arg8[%swap3A_802, %swap3A_803], %swap3A_806 {strides = array<i32>} : memref<2x128xi32, #tpu.memory_space<vmem>>, vector<1x16xi32>,
      %get3A_807 = arith.index_cast %min3A_659 : i32 to index
      %get3A_808 = arith.constant 112 : index
      %get3A_809 = tpu.vector_load %arg6[%get3A_807, %get3A_808] {strides = array<i32>} : memref<124x128xi32, #tpu.memory_space<vmem>>, vector<1x16xi32>,
      %get3A_810 = vector.shape_cast %get3A_809 : vector<1x16xi32> to vector<16xi32>
      %shift_right_logical3A_811 = arith.constant 15 : i32
      %shift_right_logical3A_812 = vector.broadcast %shift_right_logical3A_811 : i32 to vector<16xi32>
      %shift_right_logical3A_813 = arith.shrui %get3A_810, %shift_right_logical3A_812 : vector<16xi32>
      %swap3A_814 = arith.constant 1 : i32
      %swap3A_815 = arith.index_cast %swap3A_814 : i32 to index
      %swap3A_816 = arith.constant 112 : index
      %swap3A_817 = tpu.vector_load %arg7[%swap3A_815, %swap3A_816] {strides = array<i32>} : memref<2x128xi32, #tpu.memory_space<vmem>>, vector<1x16xi32>,
      %swap3A_818 = vector.shape_cast %swap3A_817 : vector<1x16xi32> to vector<16xi32>
      %swap3A_819 = vector.shape_cast %shift_right_logical3A_813 : vector<16xi32> to vector<1x16xi32>
      tpu.vector_store %arg7[%swap3A_815, %swap3A_816], %swap3A_819 {strides = array<i32>} : memref<2x128xi32, #tpu.memory_space<vmem>>, vector<1x16xi32>,
      %and3A_820 = vector.broadcast %while3A_399 : i32 to vector<16xi32>
      %and3A_821 = arith.andi %get3A_810, %and3A_820 : vector<16xi32>
      %swap3A_822 = arith.constant 1 : i32
      %swap3A_823 = arith.index_cast %swap3A_822 : i32 to index
      %swap3A_824 = arith.constant 112 : index
      %swap3A_825 = tpu.vector_load %arg8[%swap3A_823, %swap3A_824] {strides = array<i32>} : memref<2x128xi32, #tpu.memory_space<vmem>>, vector<1x16xi32>,
      %swap3A_826 = vector.shape_cast %swap3A_825 : vector<1x16xi32> to vector<16xi32>
      %swap3A_827 = vector.shape_cast %and3A_821 : vector<16xi32> to vector<1x16xi32>
      tpu.vector_store %arg8[%swap3A_823, %swap3A_824], %swap3A_827 {strides = array<i32>} : memref<2x128xi32, #tpu.memory_space<vmem>>, vector<1x16xi32>,
      %dma_start3A_828 = arith.constant 1 : i32
      %dma_start3A_829 = arith.constant 1 : i32
      %dma_start3A_830 = arith.constant 0 : i32
      %dma_start3A_831 = arith.constant 0 : i32
      %dma_start3A_832 = tpu.memref_slice %arg9[%dma_start3A_829, %dma_start3A_830, %dma_start3A_831] : memref<2x128x128xf32, #tpu.memory_space<vmem>> -> memref<1x128x128xf32, #tpu.memory_space<vmem>>
      %dma_start3A_833 = tpu.memref_squeeze %dma_start3A_832 : memref<1x128x128xf32, #tpu.memory_space<vmem>> -> memref<128x128xf32, #tpu.memory_space<vmem>>
      %dma_start3A_834 = arith.constant 0 : i32
      %dma_start3A_835 = tpu.memref_slice %arg7[%dma_start3A_828, %dma_start3A_834] : memref<2x128xi32, #tpu.memory_space<vmem>> -> memref<1x128xi32, #tpu.memory_space<vmem>>
      %dma_start3A_836 = tpu.memref_squeeze %dma_start3A_835 : memref<1x128xi32, #tpu.memory_space<vmem>> -> memref<128xi32, #tpu.memory_space<vmem>>
      %dma_start3A_837 = arith.constant 0 : i32
      %dma_start3A_838 = arith.constant 0 : i32
      %dma_start3A_839 = tpu.memref_slice %arg2[%dma_start3A_837, %dma_start3A_838] : memref<10000x128xf32, #tpu.memory_space<hbm>> -> memref<10000x128xf32, #tpu.memory_space<hbm>>
      tpu.enqueue_indirect_dma source(%dma_start3A_839 : memref<10000x128xf32, #tpu.memory_space<hbm>>) target(%dma_start3A_833 : memref<128x128xf32, #tpu.memory_space<vmem>>) offsets(%dma_start3A_836 : memref<128xi32, #tpu.memory_space<vmem>>) semaphore(%arg12 : memref<!tpu.dma_semaphore, #tpu.memory_space<semaphore_mem>>)
    }
    %while3A_408 = arith.constant 1 : i32
    scf.for %while3A_437 = %while3A_406 to %while3A_402 step %while3A_408  : i32 {
      %mul3A_438 = arith.muli %while3A_437, %while3A : i32
      %add3A_439 = arith.addi %while3A_398, %mul3A_438 : i32
      %add3A_440 = arith.constant 0 : i32
      %add3A_441 = arith.addi %add3A_439, %add3A_440 : i32
      %dma_wait3A_442 = arith.constant 0 : i32
      %dma_wait3A_443 = arith.constant 0 : i32
      %dma_wait3A_444 = arith.constant 0 : i32
      %dma_wait3A_445 = arith.constant 0 : i32
      %dma_wait3A_446 = tpu.memref_slice %arg9[%dma_wait3A_443, %dma_wait3A_444, %dma_wait3A_445] : memref<2x128x128xf32, #tpu.memory_space<vmem>> -> memref<1x128x128xf32, #tpu.memory_space<vmem>>
      %dma_wait3A_447 = tpu.memref_squeeze %dma_wait3A_446 : memref<1x128x128xf32, #tpu.memory_space<vmem>> -> memref<128x128xf32, #tpu.memory_space<vmem>>
      %dma_wait3A_448 = arith.constant 0 : i32
      %dma_wait3A_449 = tpu.memref_slice %arg7[%dma_wait3A_442, %dma_wait3A_448] : memref<2x128xi32, #tpu.memory_space<vmem>> -> memref<1x128xi32, #tpu.memory_space<vmem>>
      %dma_wait3A_450 = tpu.memref_squeeze %dma_wait3A_449 : memref<1x128xi32, #tpu.memory_space<vmem>> -> memref<128xi32, #tpu.memory_space<vmem>>
      %dma_wait3A_451 = arith.constant 0 : i32
      %dma_wait3A_452 = arith.constant 0 : i32
      %dma_wait3A_453 = tpu.memref_slice %arg2[%dma_wait3A_451, %dma_wait3A_452] : memref<10000x128xf32, #tpu.memory_space<hbm>> -> memref<10000x128xf32, #tpu.memory_space<hbm>>
      tpu.wait_indirect_dma semaphore(%arg11 : memref<!tpu.dma_semaphore, #tpu.memory_space<semaphore_mem>>) src(%dma_wait3A_453 : memref<10000x128xf32, #tpu.memory_space<hbm>>) dst(%dma_wait3A_447 : memref<128x128xf32, #tpu.memory_space<vmem>>)
      %run_scoped3A = arith.constant 0 : i32
      %run_scoped3A_454 = arith.constant 0 : i32
      "tpu.region"() ({
        %run_scoped3A_840 = tpu.sem_alloc : memref<!tpu.dma_semaphore, #tpu.memory_space<semaphore_mem>>
        %dma_start3A_841 = arith.constant 0 : i32
        %dma_start3A_842 = arith.constant 0 : i32
        %dma_start3A_843 = tpu.memref_slice %arg9[%run_scoped3A, %dma_start3A_841, %dma_start3A_842] : memref<2x128x128xf32, #tpu.memory_space<vmem>> -> memref<1x128x128xf32, #tpu.memory_space<vmem>>
        %dma_start3A_844 = tpu.memref_squeeze %dma_start3A_843 : memref<1x128x128xf32, #tpu.memory_space<vmem>> -> memref<128x128xf32, #tpu.memory_space<vmem>>
        %dma_start3A_845 = arith.constant 0 : i32
        %dma_start3A_846 = tpu.memref_slice %arg8[%run_scoped3A_454, %dma_start3A_845] : memref<2x128xi32, #tpu.memory_space<vmem>> -> memref<1x128xi32, #tpu.memory_space<vmem>>
        %dma_start3A_847 = tpu.memref_squeeze %dma_start3A_846 : memref<1x128xi32, #tpu.memory_space<vmem>> -> memref<128xi32, #tpu.memory_space<vmem>>
        %dma_start3A_848 = arith.constant 0 : i32
        %dma_start3A_849 = arith.constant 0 : i32
        %dma_start3A_850 = tpu.memref_slice %arg10[%dma_start3A_848, %dma_start3A_849] : memref<10112x128xf32, #tpu.memory_space<vmem_shared>> -> memref<10112x128xf32, #tpu.memory_space<vmem_shared>>
        tpu.enqueue_indirect_dma source(%dma_start3A_844 : memref<128x128xf32, #tpu.memory_space<vmem>>) target(%dma_start3A_850 : memref<10112x128xf32, #tpu.memory_space<vmem_shared>>) offsets(%dma_start3A_847 : memref<128xi32, #tpu.memory_space<vmem>>) semaphore(%run_scoped3A_840 : memref<!tpu.dma_semaphore, #tpu.memory_space<semaphore_mem>>) {add = true}
        %dma_wait3A_851 = arith.constant 0 : i32
        %dma_wait3A_852 = arith.constant 0 : i32
        %dma_wait3A_853 = tpu.memref_slice %arg9[%run_scoped3A, %dma_wait3A_851, %dma_wait3A_852] : memref<2x128x128xf32, #tpu.memory_space<vmem>> -> memref<1x128x128xf32, #tpu.memory_space<vmem>>
        %dma_wait3A_854 = tpu.memref_squeeze %dma_wait3A_853 : memref<1x128x128xf32, #tpu.memory_space<vmem>> -> memref<128x128xf32, #tpu.memory_space<vmem>>
        %dma_wait3A_855 = arith.constant 0 : i32
        %dma_wait3A_856 = tpu.memref_slice %arg8[%run_scoped3A_454, %dma_wait3A_855] : memref<2x128xi32, #tpu.memory_space<vmem>> -> memref<1x128xi32, #tpu.memory_space<vmem>>
        %dma_wait3A_857 = tpu.memref_squeeze %dma_wait3A_856 : memref<1x128xi32, #tpu.memory_space<vmem>> -> memref<128xi32, #tpu.memory_space<vmem>>
        %dma_wait3A_858 = arith.constant 0 : i32
        %dma_wait3A_859 = arith.constant 0 : i32
        %dma_wait3A_860 = tpu.memref_slice %arg10[%dma_wait3A_858, %dma_wait3A_859] : memref<10112x128xf32, #tpu.memory_space<vmem_shared>> -> memref<10112x128xf32, #tpu.memory_space<vmem_shared>>
        tpu.wait_indirect_dma semaphore(%run_scoped3A_840 : memref<!tpu.dma_semaphore, #tpu.memory_space<semaphore_mem>>) src(%dma_wait3A_854 : memref<128x128xf32, #tpu.memory_space<vmem>>) dst(%dma_wait3A_860 : memref<10112x128xf32, #tpu.memory_space<vmem_shared>>)
        tpu.yield
      }) : () -> ()
      %add3A_455 = arith.constant 2 : i32
      %add3A_456 = arith.addi %add3A_441, %add3A_455 : i32
      %sub3A_457 = arith.constant 1 : i32
      %sub3A_458 = arith.subi %select_n3A, %sub3A_457 : i32
      %min3A = arith.minsi %add3A_456, %sub3A_458 : i32
      %get3A_459 = arith.index_cast %min3A : i32 to index
      %get3A_460 = arith.constant 0 : index
      %get3A_461 = tpu.vector_load %arg6[%get3A_459, %get3A_460] {strides = array<i32>} : memref<124x128xi32, #tpu.memory_space<vmem>>, vector<1x16xi32>,
      %get3A_462 = vector.shape_cast %get3A_461 : vector<1x16xi32> to vector<16xi32>
      %shift_right_logical3A_463 = arith.constant 15 : i32
      %shift_right_logical3A_464 = vector.broadcast %shift_right_logical3A_463 : i32 to vector<16xi32>
      %shift_right_logical3A_465 = arith.shrui %get3A_462, %shift_right_logical3A_464 : vector<16xi32>
      %swap3A_466 = arith.constant 0 : i32
      %swap3A_467 = arith.index_cast %swap3A_466 : i32 to index
      %swap3A_468 = arith.constant 0 : index
      %swap3A_469 = tpu.vector_load %arg7[%swap3A_467, %swap3A_468] {strides = array<i32>} : memref<2x128xi32, #tpu.memory_space<vmem>>, vector<1x16xi32>,
      %swap3A_470 = vector.shape_cast %swap3A_469 : vector<1x16xi32> to vector<16xi32>
      %swap3A_471 = vector.shape_cast %shift_right_logical3A_465 : vector<16xi32> to vector<1x16xi32>
      tpu.vector_store %arg7[%swap3A_467, %swap3A_468], %swap3A_471 {strides = array<i32>} : memref<2x128xi32, #tpu.memory_space<vmem>>, vector<1x16xi32>,
      %and3A_472 = vector.broadcast %while3A_399 : i32 to vector<16xi32>
      %and3A_473 = arith.andi %get3A_462, %and3A_472 : vector<16xi32>
      %swap3A_474 = arith.constant 0 : i32
      %swap3A_475 = arith.index_cast %swap3A_474 : i32 to index
      %swap3A_476 = arith.constant 0 : index
      %swap3A_477 = tpu.vector_load %arg8[%swap3A_475, %swap3A_476] {strides = array<i32>} : memref<2x128xi32, #tpu.memory_space<vmem>>, vector<1x16xi32>,
      %swap3A_478 = vector.shape_cast %swap3A_477 : vector<1x16xi32> to vector<16xi32>
      %swap3A_479 = vector.shape_cast %and3A_473 : vector<16xi32> to vector<1x16xi32>
      tpu.vector_store %arg8[%swap3A_475, %swap3A_476], %swap3A_479 {strides = array<i32>} : memref<2x128xi32, #tpu.memory_space<vmem>>, vector<1x16xi32>,
      %get3A_480 = arith.index_cast %min3A : i32 to index
      %get3A_481 = arith.constant 16 : index
      %get3A_482 = tpu.vector_load %arg6[%get3A_480, %get3A_481] {strides = array<i32>} : memref<124x128xi32, #tpu.memory_space<vmem>>, vector<1x16xi32>,
      %get3A_483 = vector.shape_cast %get3A_482 : vector<1x16xi32> to vector<16xi32>
      %shift_right_logical3A_484 = arith.constant 15 : i32
      %shift_right_logical3A_485 = vector.broadcast %shift_right_logical3A_484 : i32 to vector<16xi32>
      %shift_right_logical3A_486 = arith.shrui %get3A_483, %shift_right_logical3A_485 : vector<16xi32>
      %swap3A_487 = arith.constant 0 : i32
      %swap3A_488 = arith.index_cast %swap3A_487 : i32 to index
      %swap3A_489 = arith.constant 16 : index
      %swap3A_490 = tpu.vector_load %arg7[%swap3A_488, %swap3A_489] {strides = array<i32>} : memref<2x128xi32, #tpu.memory_space<vmem>>, vector<1x16xi32>,
      %swap3A_491 = vector.shape_cast %swap3A_490 : vector<1x16xi32> to vector<16xi32>
      %swap3A_492 = vector.shape_cast %shift_right_logical3A_486 : vector<16xi32> to vector<1x16xi32>
      tpu.vector_store %arg7[%swap3A_488, %swap3A_489], %swap3A_492 {strides = array<i32>} : memref<2x128xi32, #tpu.memory_space<vmem>>, vector<1x16xi32>,
      %and3A_493 = vector.broadcast %while3A_399 : i32 to vector<16xi32>
      %and3A_494 = arith.andi %get3A_483, %and3A_493 : vector<16xi32>
      %swap3A_495 = arith.constant 0 : i32
      %swap3A_496 = arith.index_cast %swap3A_495 : i32 to index
      %swap3A_497 = arith.constant 16 : index
      %swap3A_498 = tpu.vector_load %arg8[%swap3A_496, %swap3A_497] {strides = array<i32>} : memref<2x128xi32, #tpu.memory_space<vmem>>, vector<1x16xi32>,
      %swap3A_499 = vector.shape_cast %swap3A_498 : vector<1x16xi32> to vector<16xi32>
      %swap3A_500 = vector.shape_cast %and3A_494 : vector<16xi32> to vector<1x16xi32>
      tpu.vector_store %arg8[%swap3A_496, %swap3A_497], %swap3A_500 {strides = array<i32>} : memref<2x128xi32, #tpu.memory_space<vmem>>, vector<1x16xi32>,
      %get3A_501 = arith.index_cast %min3A : i32 to index
      %get3A_502 = arith.constant 32 : index
      %get3A_503 = tpu.vector_load %arg6[%get3A_501, %get3A_502] {strides = array<i32>} : memref<124x128xi32, #tpu.memory_space<vmem>>, vector<1x16xi32>,
      %get3A_504 = vector.shape_cast %get3A_503 : vector<1x16xi32> to vector<16xi32>
      %shift_right_logical3A_505 = arith.constant 15 : i32
      %shift_right_logical3A_506 = vector.broadcast %shift_right_logical3A_505 : i32 to vector<16xi32>
      %shift_right_logical3A_507 = arith.shrui %get3A_504, %shift_right_logical3A_506 : vector<16xi32>
      %swap3A_508 = arith.constant 0 : i32
      %swap3A_509 = arith.index_cast %swap3A_508 : i32 to index
      %swap3A_510 = arith.constant 32 : index
      %swap3A_511 = tpu.vector_load %arg7[%swap3A_509, %swap3A_510] {strides = array<i32>} : memref<2x128xi32, #tpu.memory_space<vmem>>, vector<1x16xi32>,
      %swap3A_512 = vector.shape_cast %swap3A_511 : vector<1x16xi32> to vector<16xi32>
      %swap3A_513 = vector.shape_cast %shift_right_logical3A_507 : vector<16xi32> to vector<1x16xi32>
      tpu.vector_store %arg7[%swap3A_509, %swap3A_510], %swap3A_513 {strides = array<i32>} : memref<2x128xi32, #tpu.memory_space<vmem>>, vector<1x16xi32>,
      %and3A_514 = vector.broadcast %while3A_399 : i32 to vector<16xi32>
      %and3A_515 = arith.andi %get3A_504, %and3A_514 : vector<16xi32>
      %swap3A_516 = arith.constant 0 : i32
      %swap3A_517 = arith.index_cast %swap3A_516 : i32 to index
      %swap3A_518 = arith.constant 32 : index
      %swap3A_519 = tpu.vector_load %arg8[%swap3A_517, %swap3A_518] {strides = array<i32>} : memref<2x128xi32, #tpu.memory_space<vmem>>, vector<1x16xi32>,
      %swap3A_520 = vector.shape_cast %swap3A_519 : vector<1x16xi32> to vector<16xi32>
      %swap3A_521 = vector.shape_cast %and3A_515 : vector<16xi32> to vector<1x16xi32>
      tpu.vector_store %arg8[%swap3A_517, %swap3A_518], %swap3A_521 {strides = array<i32>} : memref<2x128xi32, #tpu.memory_space<vmem>>, vector<1x16xi32>,
      %get3A_522 = arith.index_cast %min3A : i32 to index
      %get3A_523 = arith.constant 48 : index
      %get3A_524 = tpu.vector_load %arg6[%get3A_522, %get3A_523] {strides = array<i32>} : memref<124x128xi32, #tpu.memory_space<vmem>>, vector<1x16xi32>,
      %get3A_525 = vector.shape_cast %get3A_524 : vector<1x16xi32> to vector<16xi32>
      %shift_right_logical3A_526 = arith.constant 15 : i32
      %shift_right_logical3A_527 = vector.broadcast %shift_right_logical3A_526 : i32 to vector<16xi32>
      %shift_right_logical3A_528 = arith.shrui %get3A_525, %shift_right_logical3A_527 : vector<16xi32>
      %swap3A_529 = arith.constant 0 : i32
      %swap3A_530 = arith.index_cast %swap3A_529 : i32 to index
      %swap3A_531 = arith.constant 48 : index
      %swap3A_532 = tpu.vector_load %arg7[%swap3A_530, %swap3A_531] {strides = array<i32>} : memref<2x128xi32, #tpu.memory_space<vmem>>, vector<1x16xi32>,
      %swap3A_533 = vector.shape_cast %swap3A_532 : vector<1x16xi32> to vector<16xi32>
      %swap3A_534 = vector.shape_cast %shift_right_logical3A_528 : vector<16xi32> to vector<1x16xi32>
      tpu.vector_store %arg7[%swap3A_530, %swap3A_531], %swap3A_534 {strides = array<i32>} : memref<2x128xi32, #tpu.memory_space<vmem>>, vector<1x16xi32>,
      %and3A_535 = vector.broadcast %while3A_399 : i32 to vector<16xi32>
      %and3A_536 = arith.andi %get3A_525, %and3A_535 : vector<16xi32>
      %swap3A_537 = arith.constant 0 : i32
      %swap3A_538 = arith.index_cast %swap3A_537 : i32 to index
      %swap3A_539 = arith.constant 48 : index
      %swap3A_540 = tpu.vector_load %arg8[%swap3A_538, %swap3A_539] {strides = array<i32>} : memref<2x128xi32, #tpu.memory_space<vmem>>, vector<1x16xi32>,
      %swap3A_541 = vector.shape_cast %swap3A_540 : vector<1x16xi32> to vector<16xi32>
      %swap3A_542 = vector.shape_cast %and3A_536 : vector<16xi32> to vector<1x16xi32>
      tpu.vector_store %arg8[%swap3A_538, %swap3A_539], %swap3A_542 {strides = array<i32>} : memref<2x128xi32, #tpu.memory_space<vmem>>, vector<1x16xi32>,
      %get3A_543 = arith.index_cast %min3A : i32 to index
      %get3A_544 = arith.constant 64 : index
      %get3A_545 = tpu.vector_load %arg6[%get3A_543, %get3A_544] {strides = array<i32>} : memref<124x128xi32, #tpu.memory_space<vmem>>, vector<1x16xi32>,
      %get3A_546 = vector.shape_cast %get3A_545 : vector<1x16xi32> to vector<16xi32>
      %shift_right_logical3A_547 = arith.constant 15 : i32
      %shift_right_logical3A_548 = vector.broadcast %shift_right_logical3A_547 : i32 to vector<16xi32>
      %shift_right_logical3A_549 = arith.shrui %get3A_546, %shift_right_logical3A_548 : vector<16xi32>
      %swap3A_550 = arith.constant 0 : i32
      %swap3A_551 = arith.index_cast %swap3A_550 : i32 to index
      %swap3A_552 = arith.constant 64 : index
      %swap3A_553 = tpu.vector_load %arg7[%swap3A_551, %swap3A_552] {strides = array<i32>} : memref<2x128xi32, #tpu.memory_space<vmem>>, vector<1x16xi32>,
      %swap3A_554 = vector.shape_cast %swap3A_553 : vector<1x16xi32> to vector<16xi32>
      %swap3A_555 = vector.shape_cast %shift_right_logical3A_549 : vector<16xi32> to vector<1x16xi32>
      tpu.vector_store %arg7[%swap3A_551, %swap3A_552], %swap3A_555 {strides = array<i32>} : memref<2x128xi32, #tpu.memory_space<vmem>>, vector<1x16xi32>,
      %and3A_556 = vector.broadcast %while3A_399 : i32 to vector<16xi32>
      %and3A_557 = arith.andi %get3A_546, %and3A_556 : vector<16xi32>
      %swap3A_558 = arith.constant 0 : i32
      %swap3A_559 = arith.index_cast %swap3A_558 : i32 to index
      %swap3A_560 = arith.constant 64 : index
      %swap3A_561 = tpu.vector_load %arg8[%swap3A_559, %swap3A_560] {strides = array<i32>} : memref<2x128xi32, #tpu.memory_space<vmem>>, vector<1x16xi32>,
      %swap3A_562 = vector.shape_cast %swap3A_561 : vector<1x16xi32> to vector<16xi32>
      %swap3A_563 = vector.shape_cast %and3A_557 : vector<16xi32> to vector<1x16xi32>
      tpu.vector_store %arg8[%swap3A_559, %swap3A_560], %swap3A_563 {strides = array<i32>} : memref<2x128xi32, #tpu.memory_space<vmem>>, vector<1x16xi32>,
      %get3A_564 = arith.index_cast %min3A : i32 to index
      %get3A_565 = arith.constant 80 : index
      %get3A_566 = tpu.vector_load %arg6[%get3A_564, %get3A_565] {strides = array<i32>} : memref<124x128xi32, #tpu.memory_space<vmem>>, vector<1x16xi32>,
      %get3A_567 = vector.shape_cast %get3A_566 : vector<1x16xi32> to vector<16xi32>
      %shift_right_logical3A_568 = arith.constant 15 : i32
      %shift_right_logical3A_569 = vector.broadcast %shift_right_logical3A_568 : i32 to vector<16xi32>
      %shift_right_logical3A_570 = arith.shrui %get3A_567, %shift_right_logical3A_569 : vector<16xi32>
      %swap3A_571 = arith.constant 0 : i32
      %swap3A_572 = arith.index_cast %swap3A_571 : i32 to index
      %swap3A_573 = arith.constant 80 : index
      %swap3A_574 = tpu.vector_load %arg7[%swap3A_572, %swap3A_573] {strides = array<i32>} : memref<2x128xi32, #tpu.memory_space<vmem>>, vector<1x16xi32>,
      %swap3A_575 = vector.shape_cast %swap3A_574 : vector<1x16xi32> to vector<16xi32>
      %swap3A_576 = vector.shape_cast %shift_right_logical3A_570 : vector<16xi32> to vector<1x16xi32>
      tpu.vector_store %arg7[%swap3A_572, %swap3A_573], %swap3A_576 {strides = array<i32>} : memref<2x128xi32, #tpu.memory_space<vmem>>, vector<1x16xi32>,
      %and3A_577 = vector.broadcast %while3A_399 : i32 to vector<16xi32>
      %and3A_578 = arith.andi %get3A_567, %and3A_577 : vector<16xi32>
      %swap3A_579 = arith.constant 0 : i32
      %swap3A_580 = arith.index_cast %swap3A_579 : i32 to index
      %swap3A_581 = arith.constant 80 : index
      %swap3A_582 = tpu.vector_load %arg8[%swap3A_580, %swap3A_581] {strides = array<i32>} : memref<2x128xi32, #tpu.memory_space<vmem>>, vector<1x16xi32>,
      %swap3A_583 = vector.shape_cast %swap3A_582 : vector<1x16xi32> to vector<16xi32>
      %swap3A_584 = vector.shape_cast %and3A_578 : vector<16xi32> to vector<1x16xi32>
      tpu.vector_store %arg8[%swap3A_580, %swap3A_581], %swap3A_584 {strides = array<i32>} : memref<2x128xi32, #tpu.memory_space<vmem>>, vector<1x16xi32>,
      %get3A_585 = arith.index_cast %min3A : i32 to index
      %get3A_586 = arith.constant 96 : index
      %get3A_587 = tpu.vector_load %arg6[%get3A_585, %get3A_586] {strides = array<i32>} : memref<124x128xi32, #tpu.memory_space<vmem>>, vector<1x16xi32>,
      %get3A_588 = vector.shape_cast %get3A_587 : vector<1x16xi32> to vector<16xi32>
      %shift_right_logical3A_589 = arith.constant 15 : i32
      %shift_right_logical3A_590 = vector.broadcast %shift_right_logical3A_589 : i32 to vector<16xi32>
      %shift_right_logical3A_591 = arith.shrui %get3A_588, %shift_right_logical3A_590 : vector<16xi32>
      %swap3A_592 = arith.constant 0 : i32
      %swap3A_593 = arith.index_cast %swap3A_592 : i32 to index
      %swap3A_594 = arith.constant 96 : index
      %swap3A_595 = tpu.vector_load %arg7[%swap3A_593, %swap3A_594] {strides = array<i32>} : memref<2x128xi32, #tpu.memory_space<vmem>>, vector<1x16xi32>,
      %swap3A_596 = vector.shape_cast %swap3A_595 : vector<1x16xi32> to vector<16xi32>
      %swap3A_597 = vector.shape_cast %shift_right_logical3A_591 : vector<16xi32> to vector<1x16xi32>
      tpu.vector_store %arg7[%swap3A_593, %swap3A_594], %swap3A_597 {strides = array<i32>} : memref<2x128xi32, #tpu.memory_space<vmem>>, vector<1x16xi32>,
      %and3A_598 = vector.broadcast %while3A_399 : i32 to vector<16xi32>
      %and3A_599 = arith.andi %get3A_588, %and3A_598 : vector<16xi32>
      %swap3A_600 = arith.constant 0 : i32
      %swap3A_601 = arith.index_cast %swap3A_600 : i32 to index
      %swap3A_602 = arith.constant 96 : index
      %swap3A_603 = tpu.vector_load %arg8[%swap3A_601, %swap3A_602] {strides = array<i32>} : memref<2x128xi32, #tpu.memory_space<vmem>>, vector<1x16xi32>,
      %swap3A_604 = vector.shape_cast %swap3A_603 : vector<1x16xi32> to vector<16xi32>
      %swap3A_605 = vector.shape_cast %and3A_599 : vector<16xi32> to vector<1x16xi32>
      tpu.vector_store %arg8[%swap3A_601, %swap3A_602], %swap3A_605 {strides = array<i32>} : memref<2x128xi32, #tpu.memory_space<vmem>>, vector<1x16xi32>,
      %get3A_606 = arith.index_cast %min3A : i32 to index
      %get3A_607 = arith.constant 112 : index
      %get3A_608 = tpu.vector_load %arg6[%get3A_606, %get3A_607] {strides = array<i32>} : memref<124x128xi32, #tpu.memory_space<vmem>>, vector<1x16xi32>,
      %get3A_609 = vector.shape_cast %get3A_608 : vector<1x16xi32> to vector<16xi32>
      %shift_right_logical3A_610 = arith.constant 15 : i32
      %shift_right_logical3A_611 = vector.broadcast %shift_right_logical3A_610 : i32 to vector<16xi32>
      %shift_right_logical3A_612 = arith.shrui %get3A_609, %shift_right_logical3A_611 : vector<16xi32>
      %swap3A_613 = arith.constant 0 : i32
      %swap3A_614 = arith.index_cast %swap3A_613 : i32 to index
      %swap3A_615 = arith.constant 112 : index
      %swap3A_616 = tpu.vector_load %arg7[%swap3A_614, %swap3A_615] {strides = array<i32>} : memref<2x128xi32, #tpu.memory_space<vmem>>, vector<1x16xi32>,
      %swap3A_617 = vector.shape_cast %swap3A_616 : vector<1x16xi32> to vector<16xi32>
      %swap3A_618 = vector.shape_cast %shift_right_logical3A_612 : vector<16xi32> to vector<1x16xi32>
      tpu.vector_store %arg7[%swap3A_614, %swap3A_615], %swap3A_618 {strides = array<i32>} : memref<2x128xi32, #tpu.memory_space<vmem>>, vector<1x16xi32>,
      %and3A_619 = vector.broadcast %while3A_399 : i32 to vector<16xi32>
      %and3A_620 = arith.andi %get3A_609, %and3A_619 : vector<16xi32>
      %swap3A_621 = arith.constant 0 : i32
      %swap3A_622 = arith.index_cast %swap3A_621 : i32 to index
      %swap3A_623 = arith.constant 112 : index
      %swap3A_624 = tpu.vector_load %arg8[%swap3A_622, %swap3A_623] {strides = array<i32>} : memref<2x128xi32, #tpu.memory_space<vmem>>, vector<1x16xi32>,
      %swap3A_625 = vector.shape_cast %swap3A_624 : vector<1x16xi32> to vector<16xi32>
      %swap3A_626 = vector.shape_cast %and3A_620 : vector<16xi32> to vector<1x16xi32>
      tpu.vector_store %arg8[%swap3A_622, %swap3A_623], %swap3A_626 {strides = array<i32>} : memref<2x128xi32, #tpu.memory_space<vmem>>, vector<1x16xi32>,
      %dma_start3A_627 = arith.constant 0 : i32
      %dma_start3A_628 = arith.constant 0 : i32
      %dma_start3A_629 = arith.constant 0 : i32
      %dma_start3A_630 = arith.constant 0 : i32
      %dma_start3A_631 = tpu.memref_slice %arg9[%dma_start3A_628, %dma_start3A_629, %dma_start3A_630] : memref<2x128x128xf32, #tpu.memory_space<vmem>> -> memref<1x128x128xf32, #tpu.memory_space<vmem>>
      %dma_start3A_632 = tpu.memref_squeeze %dma_start3A_631 : memref<1x128x128xf32, #tpu.memory_space<vmem>> -> memref<128x128xf32, #tpu.memory_space<vmem>>
      %dma_start3A_633 = arith.constant 0 : i32
      %dma_start3A_634 = tpu.memref_slice %arg7[%dma_start3A_627, %dma_start3A_633] : memref<2x128xi32, #tpu.memory_space<vmem>> -> memref<1x128xi32, #tpu.memory_space<vmem>>
      %dma_start3A_635 = tpu.memref_squeeze %dma_start3A_634 : memref<1x128xi32, #tpu.memory_space<vmem>> -> memref<128xi32, #tpu.memory_space<vmem>>
      %dma_start3A_636 = arith.constant 0 : i32
      %dma_start3A_637 = arith.constant 0 : i32
      %dma_start3A_638 = tpu.memref_slice %arg2[%dma_start3A_636, %dma_start3A_637] : memref<10000x128xf32, #tpu.memory_space<hbm>> -> memref<10000x128xf32, #tpu.memory_space<hbm>>
      tpu.enqueue_indirect_dma source(%dma_start3A_638 : memref<10000x128xf32, #tpu.memory_space<hbm>>) target(%dma_start3A_632 : memref<128x128xf32, #tpu.memory_space<vmem>>) offsets(%dma_start3A_635 : memref<128xi32, #tpu.memory_space<vmem>>) semaphore(%arg11 : memref<!tpu.dma_semaphore, #tpu.memory_space<semaphore_mem>>)
      %add3A_639 = arith.constant 1 : i32
      %add3A_640 = arith.addi %add3A_439, %add3A_639 : i32
      %dma_wait3A_641 = arith.constant 1 : i32
      %dma_wait3A_642 = arith.constant 1 : i32
      %dma_wait3A_643 = arith.constant 0 : i32
      %dma_wait3A_644 = arith.constant 0 : i32
      %dma_wait3A_645 = tpu.memref_slice %arg9[%dma_wait3A_642, %dma_wait3A_643, %dma_wait3A_644] : memref<2x128x128xf32, #tpu.memory_space<vmem>> -> memref<1x128x128xf32, #tpu.memory_space<vmem>>
      %dma_wait3A_646 = tpu.memref_squeeze %dma_wait3A_645 : memref<1x128x128xf32, #tpu.memory_space<vmem>> -> memref<128x128xf32, #tpu.memory_space<vmem>>
      %dma_wait3A_647 = arith.constant 0 : i32
      %dma_wait3A_648 = tpu.memref_slice %arg7[%dma_wait3A_641, %dma_wait3A_647] : memref<2x128xi32, #tpu.memory_space<vmem>> -> memref<1x128xi32, #tpu.memory_space<vmem>>
      %dma_wait3A_649 = tpu.memref_squeeze %dma_wait3A_648 : memref<1x128xi32, #tpu.memory_space<vmem>> -> memref<128xi32, #tpu.memory_space<vmem>>
      %dma_wait3A_650 = arith.constant 0 : i32
      %dma_wait3A_651 = arith.constant 0 : i32
      %dma_wait3A_652 = tpu.memref_slice %arg2[%dma_wait3A_650, %dma_wait3A_651] : memref<10000x128xf32, #tpu.memory_space<hbm>> -> memref<10000x128xf32, #tpu.memory_space<hbm>>
      tpu.wait_indirect_dma semaphore(%arg12 : memref<!tpu.dma_semaphore, #tpu.memory_space<semaphore_mem>>) src(%dma_wait3A_652 : memref<10000x128xf32, #tpu.memory_space<hbm>>) dst(%dma_wait3A_646 : memref<128x128xf32, #tpu.memory_space<vmem>>)
      %run_scoped3A_653 = arith.constant 1 : i32
      %run_scoped3A_654 = arith.constant 1 : i32
      "tpu.region"() ({
        %run_scoped3A_840 = tpu.sem_alloc : memref<!tpu.dma_semaphore, #tpu.memory_space<semaphore_mem>>
        %dma_start3A_841 = arith.constant 0 : i32
        %dma_start3A_842 = arith.constant 0 : i32
        %dma_start3A_843 = tpu.memref_slice %arg9[%run_scoped3A_653, %dma_start3A_841, %dma_start3A_842] : memref<2x128x128xf32, #tpu.memory_space<vmem>> -> memref<1x128x128xf32, #tpu.memory_space<vmem>>
        %dma_start3A_844 = tpu.memref_squeeze %dma_start3A_843 : memref<1x128x128xf32, #tpu.memory_space<vmem>> -> memref<128x128xf32, #tpu.memory_space<vmem>>
        %dma_start3A_845 = arith.constant 0 : i32
        %dma_start3A_846 = tpu.memref_slice %arg8[%run_scoped3A_654, %dma_start3A_845] : memref<2x128xi32, #tpu.memory_space<vmem>> -> memref<1x128xi32, #tpu.memory_space<vmem>>
        %dma_start3A_847 = tpu.memref_squeeze %dma_start3A_846 : memref<1x128xi32, #tpu.memory_space<vmem>> -> memref<128xi32, #tpu.memory_space<vmem>>
        %dma_start3A_848 = arith.constant 0 : i32
        %dma_start3A_849 = arith.constant 0 : i32
        %dma_start3A_850 = tpu.memref_slice %arg10[%dma_start3A_848, %dma_start3A_849] : memref<10112x128xf32, #tpu.memory_space<vmem_shared>> -> memref<10112x128xf32, #tpu.memory_space<vmem_shared>>
        tpu.enqueue_indirect_dma source(%dma_start3A_844 : memref<128x128xf32, #tpu.memory_space<vmem>>) target(%dma_start3A_850 : memref<10112x128xf32, #tpu.memory_space<vmem_shared>>) offsets(%dma_start3A_847 : memref<128xi32, #tpu.memory_space<vmem>>) semaphore(%run_scoped3A_840 : memref<!tpu.dma_semaphore, #tpu.memory_space<semaphore_mem>>) {add = true}
        %dma_wait3A_851 = arith.constant 0 : i32
        %dma_wait3A_852 = arith.constant 0 : i32
        %dma_wait3A_853 = tpu.memref_slice %arg9[%run_scoped3A_653, %dma_wait3A_851, %dma_wait3A_852] : memref<2x128x128xf32, #tpu.memory_space<vmem>> -> memref<1x128x128xf32, #tpu.memory_space<vmem>>
        %dma_wait3A_854 = tpu.memref_squeeze %dma_wait3A_853 : memref<1x128x128xf32, #tpu.memory_space<vmem>> -> memref<128x128xf32, #tpu.memory_space<vmem>>
        %dma_wait3A_855 = arith.constant 0 : i32
        %dma_wait3A_856 = tpu.memref_slice %arg8[%run_scoped3A_654, %dma_wait3A_855] : memref<2x128xi32, #tpu.memory_space<vmem>> -> memref<1x128xi32, #tpu.memory_space<vmem>>
        %dma_wait3A_857 = tpu.memref_squeeze %dma_wait3A_856 : memref<1x128xi32, #tpu.memory_space<vmem>> -> memref<128xi32, #tpu.memory_space<vmem>>
        %dma_wait3A_858 = arith.constant 0 : i32
        %dma_wait3A_859 = arith.constant 0 : i32
        %dma_wait3A_860 = tpu.memref_slice %arg10[%dma_wait3A_858, %dma_wait3A_859] : memref<10112x128xf32, #tpu.memory_space<vmem_shared>> -> memref<10112x128xf32, #tpu.memory_space<vmem_shared>>
        tpu.wait_indirect_dma semaphore(%run_scoped3A_840 : memref<!tpu.dma_semaphore, #tpu.memory_space<semaphore_mem>>) src(%dma_wait3A_854 : memref<128x128xf32, #tpu.memory_space<vmem>>) dst(%dma_wait3A_860 : memref<10112x128xf32, #tpu.memory_space<vmem_shared>>)
        tpu.yield
      }) : () -> ()
      %add3A_655 = arith.constant 2 : i32
      %add3A_656 = arith.addi %add3A_640, %add3A_655 : i32
      %sub3A_657 = arith.constant 1 : i32
      %sub3A_658 = arith.subi %select_n3A, %sub3A_657 : i32
      %min3A_659 = arith.minsi %add3A_656, %sub3A_658 : i32
      %get3A_660 = arith.index_cast %min3A_659 : i32 to index
      %get3A_661 = arith.constant 0 : index
      %get3A_662 = tpu.vector_load %arg6[%get3A_660, %get3A_661] {strides = array<i32>} : memref<124x128xi32, #tpu.memory_space<vmem>>, vector<1x16xi32>,
      %get3A_663 = vector.shape_cast %get3A_662 : vector<1x16xi32> to vector<16xi32>
      %shift_right_logical3A_664 = arith.constant 15 : i32
      %shift_right_logical3A_665 = vector.broadcast %shift_right_logical3A_664 : i32 to vector<16xi32>
      %shift_right_logical3A_666 = arith.shrui %get3A_663, %shift_right_logical3A_665 : vector<16xi32>
      %swap3A_667 = arith.constant 1 : i32
      %swap3A_668 = arith.index_cast %swap3A_667 : i32 to index
      %swap3A_669 = arith.constant 0 : index
      %swap3A_670 = tpu.vector_load %arg7[%swap3A_668, %swap3A_669] {strides = array<i32>} : memref<2x128xi32, #tpu.memory_space<vmem>>, vector<1x16xi32>,
      %swap3A_671 = vector.shape_cast %swap3A_670 : vector<1x16xi32> to vector<16xi32>
      %swap3A_672 = vector.shape_cast %shift_right_logical3A_666 : vector<16xi32> to vector<1x16xi32>
      tpu.vector_store %arg7[%swap3A_668, %swap3A_669], %swap3A_672 {strides = array<i32>} : memref<2x128xi32, #tpu.memory_space<vmem>>, vector<1x16xi32>,
      %and3A_673 = vector.broadcast %while3A_399 : i32 to vector<16xi32>
      %and3A_674 = arith.andi %get3A_663, %and3A_673 : vector<16xi32>
      %swap3A_675 = arith.constant 1 : i32
      %swap3A_676 = arith.index_cast %swap3A_675 : i32 to index
      %swap3A_677 = arith.constant 0 : index
      %swap3A_678 = tpu.vector_load %arg8[%swap3A_676, %swap3A_677] {strides = array<i32>} : memref<2x128xi32, #tpu.memory_space<vmem>>, vector<1x16xi32>,
      %swap3A_679 = vector.shape_cast %swap3A_678 : vector<1x16xi32> to vector<16xi32>
      %swap3A_680 = vector.shape_cast %and3A_674 : vector<16xi32> to vector<1x16xi32>
      tpu.vector_store %arg8[%swap3A_676, %swap3A_677], %swap3A_680 {strides = array<i32>} : memref<2x128xi32, #tpu.memory_space<vmem>>, vector<1x16xi32>,
      %get3A_681 = arith.index_cast %min3A_659 : i32 to index
      %get3A_682 = arith.constant 16 : index
      %get3A_683 = tpu.vector_load %arg6[%get3A_681, %get3A_682] {strides = array<i32>} : memref<124x128xi32, #tpu.memory_space<vmem>>, vector<1x16xi32>,
      %get3A_684 = vector.shape_cast %get3A_683 : vector<1x16xi32> to vector<16xi32>
      %shift_right_logical3A_685 = arith.constant 15 : i32
      %shift_right_logical3A_686 = vector.broadcast %shift_right_logical3A_685 : i32 to vector<16xi32>
      %shift_right_logical3A_687 = arith.shrui %get3A_684, %shift_right_logical3A_686 : vector<16xi32>
      %swap3A_688 = arith.constant 1 : i32
      %swap3A_689 = arith.index_cast %swap3A_688 : i32 to index
      %swap3A_690 = arith.constant 16 : index
      %swap3A_691 = tpu.vector_load %arg7[%swap3A_689, %swap3A_690] {strides = array<i32>} : memref<2x128xi32, #tpu.memory_space<vmem>>, vector<1x16xi32>,
      %swap3A_692 = vector.shape_cast %swap3A_691 : vector<1x16xi32> to vector<16xi32>
      %swap3A_693 = vector.shape_cast %shift_right_logical3A_687 : vector<16xi32> to vector<1x16xi32>
      tpu.vector_store %arg7[%swap3A_689, %swap3A_690], %swap3A_693 {strides = array<i32>} : memref<2x128xi32, #tpu.memory_space<vmem>>, vector<1x16xi32>,
      %and3A_694 = vector.broadcast %while3A_399 : i32 to vector<16xi32>
      %and3A_695 = arith.andi %get3A_684, %and3A_694 : vector<16xi32>
      %swap3A_696 = arith.constant 1 : i32
      %swap3A_697 = arith.index_cast %swap3A_696 : i32 to index
      %swap3A_698 = arith.constant 16 : index
      %swap3A_699 = tpu.vector_load %arg8[%swap3A_697, %swap3A_698] {strides = array<i32>} : memref<2x128xi32, #tpu.memory_space<vmem>>, vector<1x16xi32>,
      %swap3A_700 = vector.shape_cast %swap3A_699 : vector<1x16xi32> to vector<16xi32>
      %swap3A_701 = vector.shape_cast %and3A_695 : vector<16xi32> to vector<1x16xi32>
      tpu.vector_store %arg8[%swap3A_697, %swap3A_698], %swap3A_701 {strides = array<i32>} : memref<2x128xi32, #tpu.memory_space<vmem>>, vector<1x16xi32>,
      %get3A_702 = arith.index_cast %min3A_659 : i32 to index
      %get3A_703 = arith.constant 32 : index
      %get3A_704 = tpu.vector_load %arg6[%get3A_702, %get3A_703] {strides = array<i32>} : memref<124x128xi32, #tpu.memory_space<vmem>>, vector<1x16xi32>,
      %get3A_705 = vector.shape_cast %get3A_704 : vector<1x16xi32> to vector<16xi32>
      %shift_right_logical3A_706 = arith.constant 15 : i32
      %shift_right_logical3A_707 = vector.broadcast %shift_right_logical3A_706 : i32 to vector<16xi32>
      %shift_right_logical3A_708 = arith.shrui %get3A_705, %shift_right_logical3A_707 : vector<16xi32>
      %swap3A_709 = arith.constant 1 : i32
      %swap3A_710 = arith.index_cast %swap3A_709 : i32 to index
      %swap3A_711 = arith.constant 32 : index
      %swap3A_712 = tpu.vector_load %arg7[%swap3A_710, %swap3A_711] {strides = array<i32>} : memref<2x128xi32, #tpu.memory_space<vmem>>, vector<1x16xi32>,
      %swap3A_713 = vector.shape_cast %swap3A_712 : vector<1x16xi32> to vector<16xi32>
      %swap3A_714 = vector.shape_cast %shift_right_logical3A_708 : vector<16xi32> to vector<1x16xi32>
      tpu.vector_store %arg7[%swap3A_710, %swap3A_711], %swap3A_714 {strides = array<i32>} : memref<2x128xi32, #tpu.memory_space<vmem>>, vector<1x16xi32>,
      %and3A_715 = vector.broadcast %while3A_399 : i32 to vector<16xi32>
      %and3A_716 = arith.andi %get3A_705, %and3A_715 : vector<16xi32>
      %swap3A_717 = arith.constant 1 : i32
      %swap3A_718 = arith.index_cast %swap3A_717 : i32 to index
      %swap3A_719 = arith.constant 32 : index
      %swap3A_720 = tpu.vector_load %arg8[%swap3A_718, %swap3A_719] {strides = array<i32>} : memref<2x128xi32, #tpu.memory_space<vmem>>, vector<1x16xi32>,
      %swap3A_721 = vector.shape_cast %swap3A_720 : vector<1x16xi32> to vector<16xi32>
      %swap3A_722 = vector.shape_cast %and3A_716 : vector<16xi32> to vector<1x16xi32>
      tpu.vector_store %arg8[%swap3A_718, %swap3A_719], %swap3A_722 {strides = array<i32>} : memref<2x128xi32, #tpu.memory_space<vmem>>, vector<1x16xi32>,
      %get3A_723 = arith.index_cast %min3A_659 : i32 to index
      %get3A_724 = arith.constant 48 : index
      %get3A_725 = tpu.vector_load %arg6[%get3A_723, %get3A_724] {strides = array<i32>} : memref<124x128xi32, #tpu.memory_space<vmem>>, vector<1x16xi32>,
      %get3A_726 = vector.shape_cast %get3A_725 : vector<1x16xi32> to vector<16xi32>
      %shift_right_logical3A_727 = arith.constant 15 : i32
      %shift_right_logical3A_728 = vector.broadcast %shift_right_logical3A_727 : i32 to vector<16xi32>
      %shift_right_logical3A_729 = arith.shrui %get3A_726, %shift_right_logical3A_728 : vector<16xi32>
      %swap3A_730 = arith.constant 1 : i32
      %swap3A_731 = arith.index_cast %swap3A_730 : i32 to index
      %swap3A_732 = arith.constant 48 : index
      %swap3A_733 = tpu.vector_load %arg7[%swap3A_731, %swap3A_732] {strides = array<i32>} : memref<2x128xi32, #tpu.memory_space<vmem>>, vector<1x16xi32>,
      %swap3A_734 = vector.shape_cast %swap3A_733 : vector<1x16xi32> to vector<16xi32>
      %swap3A_735 = vector.shape_cast %shift_right_logical3A_729 : vector<16xi32> to vector<1x16xi32>
      tpu.vector_store %arg7[%swap3A_731, %swap3A_732], %swap3A_735 {strides = array<i32>} : memref<2x128xi32, #tpu.memory_space<vmem>>, vector<1x16xi32>,
      %and3A_736 = vector.broadcast %while3A_399 : i32 to vector<16xi32>
      %and3A_737 = arith.andi %get3A_726, %and3A_736 : vector<16xi32>
      %swap3A_738 = arith.constant 1 : i32
      %swap3A_739 = arith.index_cast %swap3A_738 : i32 to index
      %swap3A_740 = arith.constant 48 : index
      %swap3A_741 = tpu.vector_load %arg8[%swap3A_739, %swap3A_740] {strides = array<i32>} : memref<2x128xi32, #tpu.memory_space<vmem>>, vector<1x16xi32>,
      %swap3A_742 = vector.shape_cast %swap3A_741 : vector<1x16xi32> to vector<16xi32>
      %swap3A_743 = vector.shape_cast %and3A_737 : vector<16xi32> to vector<1x16xi32>
      tpu.vector_store %arg8[%swap3A_739, %swap3A_740], %swap3A_743 {strides = array<i32>} : memref<2x128xi32, #tpu.memory_space<vmem>>, vector<1x16xi32>,
      %get3A_744 = arith.index_cast %min3A_659 : i32 to index
      %get3A_745 = arith.constant 64 : index
      %get3A_746 = tpu.vector_load %arg6[%get3A_744, %get3A_745] {strides = array<i32>} : memref<124x128xi32, #tpu.memory_space<vmem>>, vector<1x16xi32>,
      %get3A_747 = vector.shape_cast %get3A_746 : vector<1x16xi32> to vector<16xi32>
      %shift_right_logical3A_748 = arith.constant 15 : i32
      %shift_right_logical3A_749 = vector.broadcast %shift_right_logical3A_748 : i32 to vector<16xi32>
      %shift_right_logical3A_750 = arith.shrui %get3A_747, %shift_right_logical3A_749 : vector<16xi32>
      %swap3A_751 = arith.constant 1 : i32
      %swap3A_752 = arith.index_cast %swap3A_751 : i32 to index
      %swap3A_753 = arith.constant 64 : index
      %swap3A_754 = tpu.vector_load %arg7[%swap3A_752, %swap3A_753] {strides = array<i32>} : memref<2x128xi32, #tpu.memory_space<vmem>>, vector<1x16xi32>,
      %swap3A_755 = vector.shape_cast %swap3A_754 : vector<1x16xi32> to vector<16xi32>
      %swap3A_756 = vector.shape_cast %shift_right_logical3A_750 : vector<16xi32> to vector<1x16xi32>
      tpu.vector_store %arg7[%swap3A_752, %swap3A_753], %swap3A_756 {strides = array<i32>} : memref<2x128xi32, #tpu.memory_space<vmem>>, vector<1x16xi32>,
      %and3A_757 = vector.broadcast %while3A_399 : i32 to vector<16xi32>
      %and3A_758 = arith.andi %get3A_747, %and3A_757 : vector<16xi32>
      %swap3A_759 = arith.constant 1 : i32
      %swap3A_760 = arith.index_cast %swap3A_759 : i32 to index
      %swap3A_761 = arith.constant 64 : index
      %swap3A_762 = tpu.vector_load %arg8[%swap3A_760, %swap3A_761] {strides = array<i32>} : memref<2x128xi32, #tpu.memory_space<vmem>>, vector<1x16xi32>,
      %swap3A_763 = vector.shape_cast %swap3A_762 : vector<1x16xi32> to vector<16xi32>
      %swap3A_764 = vector.shape_cast %and3A_758 : vector<16xi32> to vector<1x16xi32>
      tpu.vector_store %arg8[%swap3A_760, %swap3A_761], %swap3A_764 {strides = array<i32>} : memref<2x128xi32, #tpu.memory_space<vmem>>, vector<1x16xi32>,
      %get3A_765 = arith.index_cast %min3A_659 : i32 to index
      %get3A_766 = arith.constant 80 : index
      %get3A_767 = tpu.vector_load %arg6[%get3A_765, %get3A_766] {strides = array<i32>} : memref<124x128xi32, #tpu.memory_space<vmem>>, vector<1x16xi32>,
      %get3A_768 = vector.shape_cast %get3A_767 : vector<1x16xi32> to vector<16xi32>
      %shift_right_logical3A_769 = arith.constant 15 : i32
      %shift_right_logical3A_770 = vector.broadcast %shift_right_logical3A_769 : i32 to vector<16xi32>
      %shift_right_logical3A_771 = arith.shrui %get3A_768, %shift_right_logical3A_770 : vector<16xi32>
      %swap3A_772 = arith.constant 1 : i32
      %swap3A_773 = arith.index_cast %swap3A_772 : i32 to index
      %swap3A_774 = arith.constant 80 : index
      %swap3A_775 = tpu.vector_load %arg7[%swap3A_773, %swap3A_774] {strides = array<i32>} : memref<2x128xi32, #tpu.memory_space<vmem>>, vector<1x16xi32>,
      %swap3A_776 = vector.shape_cast %swap3A_775 : vector<1x16xi32> to vector<16xi32>
      %swap3A_777 = vector.shape_cast %shift_right_logical3A_771 : vector<16xi32> to vector<1x16xi32>
      tpu.vector_store %arg7[%swap3A_773, %swap3A_774], %swap3A_777 {strides = array<i32>} : memref<2x128xi32, #tpu.memory_space<vmem>>, vector<1x16xi32>,
      %and3A_778 = vector.broadcast %while3A_399 : i32 to vector<16xi32>
      %and3A_779 = arith.andi %get3A_768, %and3A_778 : vector<16xi32>
      %swap3A_780 = arith.constant 1 : i32
      %swap3A_781 = arith.index_cast %swap3A_780 : i32 to index
      %swap3A_782 = arith.constant 80 : index
      %swap3A_783 = tpu.vector_load %arg8[%swap3A_781, %swap3A_782] {strides = array<i32>} : memref<2x128xi32, #tpu.memory_space<vmem>>, vector<1x16xi32>,
      %swap3A_784 = vector.shape_cast %swap3A_783 : vector<1x16xi32> to vector<16xi32>
      %swap3A_785 = vector.shape_cast %and3A_779 : vector<16xi32> to vector<1x16xi32>
      tpu.vector_store %arg8[%swap3A_781, %swap3A_782], %swap3A_785 {strides = array<i32>} : memref<2x128xi32, #tpu.memory_space<vmem>>, vector<1x16xi32>,
      %get3A_786 = arith.index_cast %min3A_659 : i32 to index
      %get3A_787 = arith.constant 96 : index
      %get3A_788 = tpu.vector_load %arg6[%get3A_786, %get3A_787] {strides = array<i32>} : memref<124x128xi32, #tpu.memory_space<vmem>>, vector<1x16xi32>,
      %get3A_789 = vector.shape_cast %get3A_788 : vector<1x16xi32> to vector<16xi32>
      %shift_right_logical3A_790 = arith.constant 15 : i32
      %shift_right_logical3A_791 = vector.broadcast %shift_right_logical3A_790 : i32 to vector<16xi32>
      %shift_right_logical3A_792 = arith.shrui %get3A_789, %shift_right_logical3A_791 : vector<16xi32>
      %swap3A_793 = arith.constant 1 : i32
      %swap3A_794 = arith.index_cast %swap3A_793 : i32 to index
      %swap3A_795 = arith.constant 96 : index
      %swap3A_796 = tpu.vector_load %arg7[%swap3A_794, %swap3A_795] {strides = array<i32>} : memref<2x128xi32, #tpu.memory_space<vmem>>, vector<1x16xi32>,
      %swap3A_797 = vector.shape_cast %swap3A_796 : vector<1x16xi32> to vector<16xi32>
      %swap3A_798 = vector.shape_cast %shift_right_logical3A_792 : vector<16xi32> to vector<1x16xi32>
      tpu.vector_store %arg7[%swap3A_794, %swap3A_795], %swap3A_798 {strides = array<i32>} : memref<2x128xi32, #tpu.memory_space<vmem>>, vector<1x16xi32>,
      %and3A_799 = vector.broadcast %while3A_399 : i32 to vector<16xi32>
      %and3A_800 = arith.andi %get3A_789, %and3A_799 : vector<16xi32>
      %swap3A_801 = arith.constant 1 : i32
      %swap3A_802 = arith.index_cast %swap3A_801 : i32 to index
      %swap3A_803 = arith.constant 96 : index
      %swap3A_804 = tpu.vector_load %arg8[%swap3A_802, %swap3A_803] {strides = array<i32>} : memref<2x128xi32, #tpu.memory_space<vmem>>, vector<1x16xi32>,
      %swap3A_805 = vector.shape_cast %swap3A_804 : vector<1x16xi32> to vector<16xi32>
      %swap3A_806 = vector.shape_cast %and3A_800 : vector<16xi32> to vector<1x16xi32>
      tpu.vector_store %arg8[%swap3A_802, %swap3A_803], %swap3A_806 {strides = array<i32>} : memref<2x128xi32, #tpu.memory_space<vmem>>, vector<1x16xi32>,
      %get3A_807 = arith.index_cast %min3A_659 : i32 to index
      %get3A_808 = arith.constant 112 : index
      %get3A_809 = tpu.vector_load %arg6[%get3A_807, %get3A_808] {strides = array<i32>} : memref<124x128xi32, #tpu.memory_space<vmem>>, vector<1x16xi32>,
      %get3A_810 = vector.shape_cast %get3A_809 : vector<1x16xi32> to vector<16xi32>
      %shift_right_logical3A_811 = arith.constant 15 : i32
      %shift_right_logical3A_812 = vector.broadcast %shift_right_logical3A_811 : i32 to vector<16xi32>
      %shift_right_logical3A_813 = arith.shrui %get3A_810, %shift_right_logical3A_812 : vector<16xi32>
      %swap3A_814 = arith.constant 1 : i32
      %swap3A_815 = arith.index_cast %swap3A_814 : i32 to index
      %swap3A_816 = arith.constant 112 : index
      %swap3A_817 = tpu.vector_load %arg7[%swap3A_815, %swap3A_816] {strides = array<i32>} : memref<2x128xi32, #tpu.memory_space<vmem>>, vector<1x16xi32>,
      %swap3A_818 = vector.shape_cast %swap3A_817 : vector<1x16xi32> to vector<16xi32>
      %swap3A_819 = vector.shape_cast %shift_right_logical3A_813 : vector<16xi32> to vector<1x16xi32>
      tpu.vector_store %arg7[%swap3A_815, %swap3A_816], %swap3A_819 {strides = array<i32>} : memref<2x128xi32, #tpu.memory_space<vmem>>, vector<1x16xi32>,
      %and3A_820 = vector.broadcast %while3A_399 : i32 to vector<16xi32>
      %and3A_821 = arith.andi %get3A_810, %and3A_820 : vector<16xi32>
      %swap3A_822 = arith.constant 1 : i32
      %swap3A_823 = arith.index_cast %swap3A_822 : i32 to index
      %swap3A_824 = arith.constant 112 : index
      %swap3A_825 = tpu.vector_load %arg8[%swap3A_823, %swap3A_824] {strides = array<i32>} : memref<2x128xi32, #tpu.memory_space<vmem>>, vector<1x16xi32>,
      %swap3A_826 = vector.shape_cast %swap3A_825 : vector<1x16xi32> to vector<16xi32>
      %swap3A_827 = vector.shape_cast %and3A_821 : vector<16xi32> to vector<1x16xi32>
      tpu.vector_store %arg8[%swap3A_823, %swap3A_824], %swap3A_827 {strides = array<i32>} : memref<2x128xi32, #tpu.memory_space<vmem>>, vector<1x16xi32>,
      %dma_start3A_828 = arith.constant 1 : i32
      %dma_start3A_829 = arith.constant 1 : i32
      %dma_start3A_830 = arith.constant 0 : i32
      %dma_start3A_831 = arith.constant 0 : i32
      %dma_start3A_832 = tpu.memref_slice %arg9[%dma_start3A_829, %dma_start3A_830, %dma_start3A_831] : memref<2x128x128xf32, #tpu.memory_space<vmem>> -> memref<1x128x128xf32, #tpu.memory_space<vmem>>
      %dma_start3A_833 = tpu.memref_squeeze %dma_start3A_832 : memref<1x128x128xf32, #tpu.memory_space<vmem>> -> memref<128x128xf32, #tpu.memory_space<vmem>>
      %dma_start3A_834 = arith.constant 0 : i32
      %dma_start3A_835 = tpu.memref_slice %arg7[%dma_start3A_828, %dma_start3A_834] : memref<2x128xi32, #tpu.memory_space<vmem>> -> memref<1x128xi32, #tpu.memory_space<vmem>>
      %dma_start3A_836 = tpu.memref_squeeze %dma_start3A_835 : memref<1x128xi32, #tpu.memory_space<vmem>> -> memref<128xi32, #tpu.memory_space<vmem>>
      %dma_start3A_837 = arith.constant 0 : i32
      %dma_start3A_838 = arith.constant 0 : i32
      %dma_start3A_839 = tpu.memref_slice %arg2[%dma_start3A_837, %dma_start3A_838] : memref<10000x128xf32, #tpu.memory_space<hbm>> -> memref<10000x128xf32, #tpu.memory_space<hbm>>
      tpu.enqueue_indirect_dma source(%dma_start3A_839 : memref<10000x128xf32, #tpu.memory_space<hbm>>) target(%dma_start3A_833 : memref<128x128xf32, #tpu.memory_space<vmem>>) offsets(%dma_start3A_836 : memref<128xi32, #tpu.memory_space<vmem>>) semaphore(%arg12 : memref<!tpu.dma_semaphore, #tpu.memory_space<semaphore_mem>>)
    }
    %dma_wait3A = arith.constant 0 : i32
    %dma_wait3A_409 = arith.constant 0 : i32
    %dma_wait3A_410 = arith.constant 0 : i32
    %dma_wait3A_411 = arith.constant 0 : i32
    %dma_wait3A_412 = tpu.memref_slice %arg9[%dma_wait3A_409, %dma_wait3A_410, %dma_wait3A_411] : memref<2x128x128xf32, #tpu.memory_space<vmem>> -> memref<1x128x128xf32, #tpu.memory_space<vmem>>
    %dma_wait3A_413 = tpu.memref_squeeze %dma_wait3A_412 : memref<1x128x128xf32, #tpu.memory_space<vmem>> -> memref<128x128xf32, #tpu.memory_space<vmem>>
    %dma_wait3A_414 = arith.constant 0 : i32
    %dma_wait3A_415 = tpu.memref_slice %arg7[%dma_wait3A, %dma_wait3A_414] : memref<2x128xi32, #tpu.memory_space<vmem>> -> memref<1x128xi32, #tpu.memory_space<vmem>>
    %dma_wait3A_416 = tpu.memref_squeeze %dma_wait3A_415 : memref<1x128xi32, #tpu.memory_space<vmem>> -> memref<128xi32, #tpu.memory_space<vmem>>
    %dma_wait3A_417 = arith.constant 0 : i32
    %dma_wait3A_418 = arith.constant 0 : i32
    %dma_wait3A_419 = tpu.memref_slice %arg2[%dma_wait3A_417, %dma_wait3A_418] : memref<10000x128xf32, #tpu.memory_space<hbm>> -> memref<10000x128xf32, #tpu.memory_space<hbm>>
    tpu.wait_indirect_dma semaphore(%arg11 : memref<!tpu.dma_semaphore, #tpu.memory_space<semaphore_mem>>) src(%dma_wait3A_419 : memref<10000x128xf32, #tpu.memory_space<hbm>>) dst(%dma_wait3A_413 : memref<128x128xf32, #tpu.memory_space<vmem>>)
    %dma_wait3A_420 = arith.constant 1 : i32
    %dma_wait3A_421 = arith.constant 1 : i32
    %dma_wait3A_422 = arith.constant 0 : i32
    %dma_wait3A_423 = arith.constant 0 : i32
    %dma_wait3A_424 = tpu.memref_slice %arg9[%dma_wait3A_421, %dma_wait3A_422, %dma_wait3A_423] : memref<2x128x128xf32, #tpu.memory_space<vmem>> -> memref<1x128x128xf32, #tpu.memory_space<vmem>>
    %dma_wait3A_425 = tpu.memref_squeeze %dma_wait3A_424 : memref<1x128x128xf32, #tpu.memory_space<vmem>> -> memref<128x128xf32, #tpu.memory_space<vmem>>
    %dma_wait3A_426 = arith.constant 0 : i32
    %dma_wait3A_427 = tpu.memref_slice %arg7[%dma_wait3A_420, %dma_wait3A_426] : memref<2x128xi32, #tpu.memory_space<vmem>> -> memref<1x128xi32, #tpu.memory_space<vmem>>
    %dma_wait3A_428 = tpu.memref_squeeze %dma_wait3A_427 : memref<1x128xi32, #tpu.memory_space<vmem>> -> memref<128xi32, #tpu.memory_space<vmem>>
    %dma_wait3A_429 = arith.constant 0 : i32
    %dma_wait3A_430 = arith.constant 0 : i32
    %dma_wait3A_431 = tpu.memref_slice %arg2[%dma_wait3A_429, %dma_wait3A_430] : memref<10000x128xf32, #tpu.memory_space<hbm>> -> memref<10000x128xf32, #tpu.memory_space<hbm>>
    tpu.wait_indirect_dma semaphore(%arg12 : memref<!tpu.dma_semaphore, #tpu.memory_space<semaphore_mem>>) src(%dma_wait3A_431 : memref<10000x128xf32, #tpu.memory_space<hbm>>) dst(%dma_wait3A_425 : memref<128x128xf32, #tpu.memory_space<vmem>>)
    %barrier3A_432 = arith.constant 0 : index
    tpu.barrier barrier_id(%barrier3A_432)
    %mul3A_433 = arith.constant 632 : i32
    %mul3A_434 = arith.muli %arg1, %mul3A_433 : i32
    %mul3A_435 = arith.constant 632 : i32
    %mul3A_436 = arith.muli %arg1, %mul3A_435 : i32
    "tpu.region"() ({
      %run_scoped3A = tpu.sem_alloc : memref<!tpu.dma_semaphore, #tpu.memory_space<semaphore_mem>>
      %dma_start3A_437 = arith.constant 0 : i32
      %dma_start3A_438 = tpu.memref_slice %arg5[%arg0, %mul3A_436, %dma_start3A_437] : memref<2x10112x128xf32, #tpu.memory_space<hbm>> -> memref<1x632x128xf32, #tpu.memory_space<hbm>>
      %dma_start3A_439 = tpu.memref_squeeze %dma_start3A_438 : memref<1x632x128xf32, #tpu.memory_space<hbm>> -> memref<632x128xf32, #tpu.memory_space<hbm>>
      %dma_start3A_440 = arith.constant 0 : i32
      %dma_start3A_441 = tpu.memref_slice %arg10[%mul3A_434, %dma_start3A_440] : memref<10112x128xf32, #tpu.memory_space<vmem_shared>> -> memref<632x128xf32, #tpu.memory_space<vmem_shared>>
      tpu.enqueue_dma source(%dma_start3A_441 : memref<632x128xf32, #tpu.memory_space<vmem_shared>>) target(%dma_start3A_439 : memref<632x128xf32, #tpu.memory_space<hbm>>) target_semaphore(%run_scoped3A : memref<!tpu.dma_semaphore, #tpu.memory_space<semaphore_mem>>)
      %dma_wait3A_442 = arith.constant 0 : i32
      %dma_wait3A_443 = tpu.memref_slice %arg5[%arg0, %mul3A_436, %dma_wait3A_442] : memref<2x10112x128xf32, #tpu.memory_space<hbm>> -> memref<1x632x128xf32, #tpu.memory_space<hbm>>
      %dma_wait3A_444 = tpu.memref_squeeze %dma_wait3A_443 : memref<1x632x128xf32, #tpu.memory_space<hbm>> -> memref<632x128xf32, #tpu.memory_space<hbm>>
      %dma_wait3A_445 = arith.constant 0 : i32
      %dma_wait3A_446 = tpu.memref_slice %arg10[%mul3A_434, %dma_wait3A_445] : memref<10112x128xf32, #tpu.memory_space<vmem_shared>> -> memref<632x128xf32, #tpu.memory_space<vmem_shared>>
      tpu.wait_dma2 semaphore(%run_scoped3A : memref<!tpu.dma_semaphore, #tpu.memory_space<semaphore_mem>>) src(%dma_wait3A_446 : memref<632x128xf32, #tpu.memory_space<vmem_shared>>) dst(%dma_wait3A_444 : memref<632x128xf32, #tpu.memory_space<hbm>>)
      tpu.yield
    }) : () -> ()
    return
  }
}

#map = affine_map<(d0, d1) -> (0, 0, 0)>
#map1 = affine_map<(d0, d1) -> (0, 0)>
module attributes {stable_mosaic.version = 14 : i64} {
  func.func @_deg_body(%arg0: i32, %arg1: i32, %arg2: memref<32x80x128xi32, #tpu.memory_space<hbm>>, %arg3: memref<128x128xf32, #tpu.memory_space<hbm>>, %arg4: memref<632x128xf32, #tpu.memory_space<hbm>>, %arg5: memref<2x10112x128xf32, #tpu.memory_space<hbm>>, %arg6: memref<80x128xi32, #tpu.memory_space<vmem>>, %arg7: memref<128x128xf32, #tpu.memory_space<vmem>>, %arg8: memref<10112x128xf32, #tpu.memory_space<vmem_shared>>, %arg9: memref<!tpu.dma_semaphore, #tpu.memory_space<semaphore_mem>>) attributes {dimension_semantics = [#tpu.dimension_semantics<core_parallel>, #tpu.dimension_semantics<subcore_parallel>], iteration_bounds = array<i64: 2, 16>, scalar_prefetch = 0 : i64, scratch_operands = 4 : i64, tpu.core_type = #tpu.core_type<sc_vector_subcore>, window_params = [{transform_indices = #map}, {transform_indices = #map1}, {transform_indices = #map1}, {transform_indices = #map}]} {
    %mul3A = arith.constant 16 : i32
    %mul3A_0 = arith.muli %arg0, %mul3A : i32
    %add3A = arith.addi %mul3A_0, %arg1 : i32
    "tpu.region"() ({
      %run_scoped3A = tpu.sem_alloc : memref<!tpu.dma_semaphore, #tpu.memory_space<semaphore_mem>>
      %dma_start3A = arith.constant 0 : i32
      %dma_start3A_12 = arith.constant 0 : i32
      %dma_start3A_13 = tpu.memref_slice %arg2[%add3A, %dma_start3A, %dma_start3A_12] : memref<32x80x128xi32, #tpu.memory_space<hbm>> -> memref<1x80x128xi32, #tpu.memory_space<hbm>>
      %dma_start3A_14 = tpu.memref_squeeze %dma_start3A_13 : memref<1x80x128xi32, #tpu.memory_space<hbm>> -> memref<80x128xi32, #tpu.memory_space<hbm>>
      %dma_start3A_15 = arith.constant 0 : i32
      %dma_start3A_16 = arith.constant 0 : i32
      %dma_start3A_17 = tpu.memref_slice %arg2[%add3A, %dma_start3A_15, %dma_start3A_16] : memref<32x80x128xi32, #tpu.memory_space<hbm>> -> memref<1x80x128xi32, #tpu.memory_space<hbm>>
      %dma_start3A_18 = tpu.memref_squeeze %dma_start3A_17 : memref<1x80x128xi32, #tpu.memory_space<hbm>> -> memref<80x128xi32, #tpu.memory_space<hbm>>
      tpu.enqueue_dma source(%dma_start3A_18 : memref<80x128xi32, #tpu.memory_space<hbm>>) target(%arg6 : memref<80x128xi32, #tpu.memory_space<vmem>>) target_semaphore(%run_scoped3A : memref<!tpu.dma_semaphore, #tpu.memory_space<semaphore_mem>>)
      %dma_wait3A = arith.constant 0 : i32
      %dma_wait3A_19 = arith.constant 0 : i32
      %dma_wait3A_20 = tpu.memref_slice %arg2[%add3A, %dma_wait3A, %dma_wait3A_19] : memref<32x80x128xi32, #tpu.memory_space<hbm>> -> memref<1x80x128xi32, #tpu.memory_space<hbm>>
      %dma_wait3A_21 = tpu.memref_squeeze %dma_wait3A_20 : memref<1x80x128xi32, #tpu.memory_space<hbm>> -> memref<80x128xi32, #tpu.memory_space<hbm>>
      %dma_wait3A_22 = arith.constant 0 : i32
      %dma_wait3A_23 = arith.constant 0 : i32
      %dma_wait3A_24 = tpu.memref_slice %arg2[%add3A, %dma_wait3A_22, %dma_wait3A_23] : memref<32x80x128xi32, #tpu.memory_space<hbm>> -> memref<1x80x128xi32, #tpu.memory_space<hbm>>
      %dma_wait3A_25 = tpu.memref_squeeze %dma_wait3A_24 : memref<1x80x128xi32, #tpu.memory_space<hbm>> -> memref<80x128xi32, #tpu.memory_space<hbm>>
      tpu.wait_dma2 semaphore(%run_scoped3A : memref<!tpu.dma_semaphore, #tpu.memory_space<semaphore_mem>>) src(%dma_wait3A_25 : memref<80x128xi32, #tpu.memory_space<hbm>>) dst(%arg6 : memref<80x128xi32, #tpu.memory_space<vmem>>)
      tpu.yield
    }) : () -> ()
    "tpu.region"() ({
      %run_scoped3A = tpu.sem_alloc : memref<!tpu.dma_semaphore, #tpu.memory_space<semaphore_mem>>
      tpu.enqueue_dma source(%arg3 : memref<128x128xf32, #tpu.memory_space<hbm>>) target(%arg7 : memref<128x128xf32, #tpu.memory_space<vmem>>) target_semaphore(%run_scoped3A : memref<!tpu.dma_semaphore, #tpu.memory_space<semaphore_mem>>)
      tpu.wait_dma2 semaphore(%run_scoped3A : memref<!tpu.dma_semaphore, #tpu.memory_space<semaphore_mem>>) src(%arg3 : memref<128x128xf32, #tpu.memory_space<hbm>>) dst(%arg7 : memref<128x128xf32, #tpu.memory_space<vmem>>)
      tpu.yield
    }) : () -> ()
    %mul3A_1 = arith.constant 632 : i32
    %mul3A_2 = arith.muli %arg1, %mul3A_1 : i32
    "tpu.region"() ({
      %run_scoped3A = tpu.sem_alloc : memref<!tpu.dma_semaphore, #tpu.memory_space<semaphore_mem>>
      %dma_start3A = arith.constant 0 : i32
      %dma_start3A_12 = tpu.memref_slice %arg8[%mul3A_2, %dma_start3A] : memref<10112x128xf32, #tpu.memory_space<vmem_shared>> -> memref<632x128xf32, #tpu.memory_space<vmem_shared>>
      tpu.enqueue_dma source(%arg4 : memref<632x128xf32, #tpu.memory_space<hbm>>) target(%dma_start3A_12 : memref<632x128xf32, #tpu.memory_space<vmem_shared>>) target_semaphore(%run_scoped3A : memref<!tpu.dma_semaphore, #tpu.memory_space<semaphore_mem>>)
      %dma_wait3A = arith.constant 0 : i32
      %dma_wait3A_13 = tpu.memref_slice %arg8[%mul3A_2, %dma_wait3A] : memref<10112x128xf32, #tpu.memory_space<vmem_shared>> -> memref<632x128xf32, #tpu.memory_space<vmem_shared>>
      tpu.wait_dma2 semaphore(%run_scoped3A : memref<!tpu.dma_semaphore, #tpu.memory_space<semaphore_mem>>) src(%arg4 : memref<632x128xf32, #tpu.memory_space<hbm>>) dst(%dma_wait3A_13 : memref<632x128xf32, #tpu.memory_space<vmem_shared>>)
      tpu.yield
    }) : () -> ()
    %barrier3A = arith.constant 0 : index
    tpu.barrier barrier_id(%barrier3A)
    %scan3A = arith.constant 0 : i32
    %scan3A_3 = arith.constant 20 : i32
    %scan3A_4 = arith.addi %scan3A, %scan3A_3 : i32
    %scan3A_5 = arith.constant 1 : i32
    scf.for %scan3A_12 = %scan3A to %scan3A_4 step %scan3A_5  : i32 {
      %mul3A_13 = arith.constant 4 : i32
      %mul3A_14 = arith.muli %scan3A_12, %mul3A_13 : i32
      %add3A_15 = arith.constant 0 : i32
      %add3A_16 = arith.addi %add3A_15, %mul3A_14 : i32
      %add3A_17 = arith.constant 0 : i32
      %add3A_18 = arith.addi %add3A_16, %add3A_17 : i32
      %dma_start3A = arith.constant 0 : i32
      %dma_start3A_19 = tpu.memref_slice %arg6[%add3A_18, %dma_start3A] : memref<80x128xi32, #tpu.memory_space<vmem>> -> memref<1x128xi32, #tpu.memory_space<vmem>>
      %dma_start3A_20 = tpu.memref_squeeze %dma_start3A_19 : memref<1x128xi32, #tpu.memory_space<vmem>> -> memref<128xi32, #tpu.memory_space<vmem>>
      %dma_start3A_21 = arith.constant 0 : i32
      %dma_start3A_22 = arith.constant 0 : i32
      %dma_start3A_23 = tpu.memref_slice %arg8[%dma_start3A_21, %dma_start3A_22] : memref<10112x128xf32, #tpu.memory_space<vmem_shared>> -> memref<10112x128xf32, #tpu.memory_space<vmem_shared>>
      tpu.enqueue_indirect_dma source(%arg7 : memref<128x128xf32, #tpu.memory_space<vmem>>) target(%dma_start3A_23 : memref<10112x128xf32, #tpu.memory_space<vmem_shared>>) offsets(%dma_start3A_20 : memref<128xi32, #tpu.memory_space<vmem>>) semaphore(%arg9 : memref<!tpu.dma_semaphore, #tpu.memory_space<semaphore_mem>>) {add = true}
      %add3A_24 = arith.constant 1 : i32
      %add3A_25 = arith.addi %add3A_16, %add3A_24 : i32
      %dma_start3A_26 = arith.constant 0 : i32
      %dma_start3A_27 = tpu.memref_slice %arg6[%add3A_25, %dma_start3A_26] : memref<80x128xi32, #tpu.memory_space<vmem>> -> memref<1x128xi32, #tpu.memory_space<vmem>>
      %dma_start3A_28 = tpu.memref_squeeze %dma_start3A_27 : memref<1x128xi32, #tpu.memory_space<vmem>> -> memref<128xi32, #tpu.memory_space<vmem>>
      %dma_start3A_29 = arith.constant 0 : i32
      %dma_start3A_30 = arith.constant 0 : i32
      %dma_start3A_31 = tpu.memref_slice %arg8[%dma_start3A_29, %dma_start3A_30] : memref<10112x128xf32, #tpu.memory_space<vmem_shared>> -> memref<10112x128xf32, #tpu.memory_space<vmem_shared>>
      tpu.enqueue_indirect_dma source(%arg7 : memref<128x128xf32, #tpu.memory_space<vmem>>) target(%dma_start3A_31 : memref<10112x128xf32, #tpu.memory_space<vmem_shared>>) offsets(%dma_start3A_28 : memref<128xi32, #tpu.memory_space<vmem>>) semaphore(%arg9 : memref<!tpu.dma_semaphore, #tpu.memory_space<semaphore_mem>>) {add = true}
      %add3A_32 = arith.constant 2 : i32
      %add3A_33 = arith.addi %add3A_16, %add3A_32 : i32
      %dma_start3A_34 = arith.constant 0 : i32
      %dma_start3A_35 = tpu.memref_slice %arg6[%add3A_33, %dma_start3A_34] : memref<80x128xi32, #tpu.memory_space<vmem>> -> memref<1x128xi32, #tpu.memory_space<vmem>>
      %dma_start3A_36 = tpu.memref_squeeze %dma_start3A_35 : memref<1x128xi32, #tpu.memory_space<vmem>> -> memref<128xi32, #tpu.memory_space<vmem>>
      %dma_start3A_37 = arith.constant 0 : i32
      %dma_start3A_38 = arith.constant 0 : i32
      %dma_start3A_39 = tpu.memref_slice %arg8[%dma_start3A_37, %dma_start3A_38] : memref<10112x128xf32, #tpu.memory_space<vmem_shared>> -> memref<10112x128xf32, #tpu.memory_space<vmem_shared>>
      tpu.enqueue_indirect_dma source(%arg7 : memref<128x128xf32, #tpu.memory_space<vmem>>) target(%dma_start3A_39 : memref<10112x128xf32, #tpu.memory_space<vmem_shared>>) offsets(%dma_start3A_36 : memref<128xi32, #tpu.memory_space<vmem>>) semaphore(%arg9 : memref<!tpu.dma_semaphore, #tpu.memory_space<semaphore_mem>>) {add = true}
      %add3A_40 = arith.constant 3 : i32
      %add3A_41 = arith.addi %add3A_16, %add3A_40 : i32
      %dma_start3A_42 = arith.constant 0 : i32
      %dma_start3A_43 = tpu.memref_slice %arg6[%add3A_41, %dma_start3A_42] : memref<80x128xi32, #tpu.memory_space<vmem>> -> memref<1x128xi32, #tpu.memory_space<vmem>>
      %dma_start3A_44 = tpu.memref_squeeze %dma_start3A_43 : memref<1x128xi32, #tpu.memory_space<vmem>> -> memref<128xi32, #tpu.memory_space<vmem>>
      %dma_start3A_45 = arith.constant 0 : i32
      %dma_start3A_46 = arith.constant 0 : i32
      %dma_start3A_47 = tpu.memref_slice %arg8[%dma_start3A_45, %dma_start3A_46] : memref<10112x128xf32, #tpu.memory_space<vmem_shared>> -> memref<10112x128xf32, #tpu.memory_space<vmem_shared>>
      tpu.enqueue_indirect_dma source(%arg7 : memref<128x128xf32, #tpu.memory_space<vmem>>) target(%dma_start3A_47 : memref<10112x128xf32, #tpu.memory_space<vmem_shared>>) offsets(%dma_start3A_44 : memref<128xi32, #tpu.memory_space<vmem>>) semaphore(%arg9 : memref<!tpu.dma_semaphore, #tpu.memory_space<semaphore_mem>>) {add = true}
      %add3A_48 = arith.constant 0 : i32
      %add3A_49 = arith.addi %add3A_16, %add3A_48 : i32
      %dma_wait3A = arith.constant 0 : i32
      %dma_wait3A_50 = tpu.memref_slice %arg6[%add3A_49, %dma_wait3A] : memref<80x128xi32, #tpu.memory_space<vmem>> -> memref<1x128xi32, #tpu.memory_space<vmem>>
      %dma_wait3A_51 = tpu.memref_squeeze %dma_wait3A_50 : memref<1x128xi32, #tpu.memory_space<vmem>> -> memref<128xi32, #tpu.memory_space<vmem>>
      %dma_wait3A_52 = arith.constant 0 : i32
      %dma_wait3A_53 = arith.constant 0 : i32
      %dma_wait3A_54 = tpu.memref_slice %arg8[%dma_wait3A_52, %dma_wait3A_53] : memref<10112x128xf32, #tpu.memory_space<vmem_shared>> -> memref<10112x128xf32, #tpu.memory_space<vmem_shared>>
      tpu.wait_indirect_dma semaphore(%arg9 : memref<!tpu.dma_semaphore, #tpu.memory_space<semaphore_mem>>) src(%arg7 : memref<128x128xf32, #tpu.memory_space<vmem>>) dst(%dma_wait3A_54 : memref<10112x128xf32, #tpu.memory_space<vmem_shared>>)
      %add3A_55 = arith.constant 1 : i32
      %add3A_56 = arith.addi %add3A_16, %add3A_55 : i32
      %dma_wait3A_57 = arith.constant 0 : i32
      %dma_wait3A_58 = tpu.memref_slice %arg6[%add3A_56, %dma_wait3A_57] : memref<80x128xi32, #tpu.memory_space<vmem>> -> memref<1x128xi32, #tpu.memory_space<vmem>>
      %dma_wait3A_59 = tpu.memref_squeeze %dma_wait3A_58 : memref<1x128xi32, #tpu.memory_space<vmem>> -> memref<128xi32, #tpu.memory_space<vmem>>
      %dma_wait3A_60 = arith.constant 0 : i32
      %dma_wait3A_61 = arith.constant 0 : i32
      %dma_wait3A_62 = tpu.memref_slice %arg8[%dma_wait3A_60, %dma_wait3A_61] : memref<10112x128xf32, #tpu.memory_space<vmem_shared>> -> memref<10112x128xf32, #tpu.memory_space<vmem_shared>>
      tpu.wait_indirect_dma semaphore(%arg9 : memref<!tpu.dma_semaphore, #tpu.memory_space<semaphore_mem>>) src(%arg7 : memref<128x128xf32, #tpu.memory_space<vmem>>) dst(%dma_wait3A_62 : memref<10112x128xf32, #tpu.memory_space<vmem_shared>>)
      %add3A_63 = arith.constant 2 : i32
      %add3A_64 = arith.addi %add3A_16, %add3A_63 : i32
      %dma_wait3A_65 = arith.constant 0 : i32
      %dma_wait3A_66 = tpu.memref_slice %arg6[%add3A_64, %dma_wait3A_65] : memref<80x128xi32, #tpu.memory_space<vmem>> -> memref<1x128xi32, #tpu.memory_space<vmem>>
      %dma_wait3A_67 = tpu.memref_squeeze %dma_wait3A_66 : memref<1x128xi32, #tpu.memory_space<vmem>> -> memref<128xi32, #tpu.memory_space<vmem>>
      %dma_wait3A_68 = arith.constant 0 : i32
      %dma_wait3A_69 = arith.constant 0 : i32
      %dma_wait3A_70 = tpu.memref_slice %arg8[%dma_wait3A_68, %dma_wait3A_69] : memref<10112x128xf32, #tpu.memory_space<vmem_shared>> -> memref<10112x128xf32, #tpu.memory_space<vmem_shared>>
      tpu.wait_indirect_dma semaphore(%arg9 : memref<!tpu.dma_semaphore, #tpu.memory_space<semaphore_mem>>) src(%arg7 : memref<128x128xf32, #tpu.memory_space<vmem>>) dst(%dma_wait3A_70 : memref<10112x128xf32, #tpu.memory_space<vmem_shared>>)
      %add3A_71 = arith.constant 3 : i32
      %add3A_72 = arith.addi %add3A_16, %add3A_71 : i32
      %dma_wait3A_73 = arith.constant 0 : i32
      %dma_wait3A_74 = tpu.memref_slice %arg6[%add3A_72, %dma_wait3A_73] : memref<80x128xi32, #tpu.memory_space<vmem>> -> memref<1x128xi32, #tpu.memory_space<vmem>>
      %dma_wait3A_75 = tpu.memref_squeeze %dma_wait3A_74 : memref<1x128xi32, #tpu.memory_space<vmem>> -> memref<128xi32, #tpu.memory_space<vmem>>
      %dma_wait3A_76 = arith.constant 0 : i32
      %dma_wait3A_77 = arith.constant 0 : i32
      %dma_wait3A_78 = tpu.memref_slice %arg8[%dma_wait3A_76, %dma_wait3A_77] : memref<10112x128xf32, #tpu.memory_space<vmem_shared>> -> memref<10112x128xf32, #tpu.memory_space<vmem_shared>>
      tpu.wait_indirect_dma semaphore(%arg9 : memref<!tpu.dma_semaphore, #tpu.memory_space<semaphore_mem>>) src(%arg7 : memref<128x128xf32, #tpu.memory_space<vmem>>) dst(%dma_wait3A_78 : memref<10112x128xf32, #tpu.memory_space<vmem_shared>>)
    }
    %scan3A_6 = arith.constant 20 : i32
    %barrier3A_7 = arith.constant 0 : index
    tpu.barrier barrier_id(%barrier3A_7)
    %mul3A_8 = arith.constant 632 : i32
    %mul3A_9 = arith.muli %arg1, %mul3A_8 : i32
    %mul3A_10 = arith.constant 632 : i32
    %mul3A_11 = arith.muli %arg1, %mul3A_10 : i32
    "tpu.region"() ({
      %run_scoped3A = tpu.sem_alloc : memref<!tpu.dma_semaphore, #tpu.memory_space<semaphore_mem>>
      %dma_start3A = arith.constant 0 : i32
      %dma_start3A_12 = tpu.memref_slice %arg5[%arg0, %mul3A_11, %dma_start3A] : memref<2x10112x128xf32, #tpu.memory_space<hbm>> -> memref<1x632x128xf32, #tpu.memory_space<hbm>>
      %dma_start3A_13 = tpu.memref_squeeze %dma_start3A_12 : memref<1x632x128xf32, #tpu.memory_space<hbm>> -> memref<632x128xf32, #tpu.memory_space<hbm>>
      %dma_start3A_14 = arith.constant 0 : i32
      %dma_start3A_15 = tpu.memref_slice %arg8[%mul3A_9, %dma_start3A_14] : memref<10112x128xf32, #tpu.memory_space<vmem_shared>> -> memref<632x128xf32, #tpu.memory_space<vmem_shared>>
      tpu.enqueue_dma source(%dma_start3A_15 : memref<632x128xf32, #tpu.memory_space<vmem_shared>>) target(%dma_start3A_13 : memref<632x128xf32, #tpu.memory_space<hbm>>) target_semaphore(%run_scoped3A : memref<!tpu.dma_semaphore, #tpu.memory_space<semaphore_mem>>)
      %dma_wait3A = arith.constant 0 : i32
      %dma_wait3A_16 = tpu.memref_slice %arg5[%arg0, %mul3A_11, %dma_wait3A] : memref<2x10112x128xf32, #tpu.memory_space<hbm>> -> memref<1x632x128xf32, #tpu.memory_space<hbm>>
      %dma_wait3A_17 = tpu.memref_squeeze %dma_wait3A_16 : memref<1x632x128xf32, #tpu.memory_space<hbm>> -> memref<632x128xf32, #tpu.memory_space<hbm>>
      %dma_wait3A_18 = arith.constant 0 : i32
      %dma_wait3A_19 = tpu.memref_slice %arg8[%mul3A_9, %dma_wait3A_18] : memref<10112x128xf32, #tpu.memory_space<vmem_shared>> -> memref<632x128xf32, #tpu.memory_space<vmem_shared>>
      tpu.wait_dma2 semaphore(%run_scoped3A : memref<!tpu.dma_semaphore, #tpu.memory_space<semaphore_mem>>) src(%dma_wait3A_19 : memref<632x128xf32, #tpu.memory_space<vmem_shared>>) dst(%dma_wait3A_17 : memref<632x128xf32, #tpu.memory_space<hbm>>)
      tpu.yield
    }) : () -> ()
    return
  }
}

module attributes {stable_mosaic.version = 14 : i64} {
  func.func @_y_body(%arg0: i32, %arg1: memref<400x128xf32, #tpu.memory_space<vmem>>, %arg2: memref<128x128xf32, #tpu.memory_space<vmem>>, %arg3: memref<2x400x128xf32, #tpu.memory_space<vmem>>, %arg4: memref<400x128xf32, #tpu.memory_space<vmem>>, %arg5: memref<400x8xf32, #tpu.memory_space<vmem>>) attributes {dimension_semantics = [#tpu.dimension_semantics<arbitrary>], iteration_bounds = array<i64: 25>, scalar_prefetch = 0 : i64, scratch_operands = 0 : i64, tpu.core_type = #tpu.core_type<tc>, window_params = [{transform_indices = @transform_0, window_bounds = array<i64: 400, 128>}, {pipeline_mode = #tpu.pipeline_mode<synchronous>, transform_indices = @transform_1, window_bounds = array<i64: 128, 128>}, {transform_indices = @transform_2, window_bounds = array<i64: 2, 400, 128>}, {transform_indices = @transform_3, window_bounds = array<i64: 400, 128>}, {transform_indices = @transform_4, window_bounds = array<i64: 400, 8>}]} {
    %get3A = arith.constant 0 : index
    %get3A_0 = arith.constant 0 : index
    %get3A_1 = arith.constant 0 : index
    %get3A_2 = vector.load %arg3[%get3A, %get3A_0, %get3A_1] : memref<2x400x128xf32, #tpu.memory_space<vmem>>, vector<1x400x1xf32>
    %get3A_3 = vector.shape_cast %get3A_2 : vector<1x400x1xf32> to vector<400x1xf32>
    %get3A_4 = arith.constant 1 : index
    %get3A_5 = arith.constant 0 : index
    %get3A_6 = arith.constant 0 : index
    %get3A_7 = vector.load %arg3[%get3A_4, %get3A_5, %get3A_6] : memref<2x400x128xf32, #tpu.memory_space<vmem>>, vector<1x400x1xf32>
    %get3A_8 = vector.shape_cast %get3A_7 : vector<1x400x1xf32> to vector<400x1xf32>
    %add3A = arith.addf %get3A_3, %get3A_8 : vector<400x1xf32>
    %add3A_9 = arith.constant 1.000000e+00 : f32
    %add3A_10 = vector.broadcast %add3A_9 : f32 to vector<400x1xf32>
    %add3A_11 = arith.addf %add3A, %add3A_10 : vector<400x1xf32>
    %rsqrt3A = math.rsqrt %add3A_11 : vector<400x1xf32>
    %get3A_12 = arith.constant 0 : index
    %get3A_13 = arith.constant 0 : index
    %get3A_14 = vector.load %arg1[%get3A_12, %get3A_13] : memref<400x128xf32, #tpu.memory_space<vmem>>, vector<400x128xf32>
    %get3A_15 = arith.constant 0 : index
    %get3A_16 = arith.constant 0 : index
    %get3A_17 = vector.load %arg2[%get3A_15, %get3A_16] : memref<128x128xf32, #tpu.memory_space<vmem>>, vector<128x128xf32>
    %dot_general3A = arith.constant dense<0.000000e+00> : vector<400x128xf32>
    %dot_general3A_18 = tpu.matmul %get3A_14, %get3A_17, %dot_general3A {dimension_numbers = #tpu.dot_dimension_numbers<[1], [0], [0], [1], [0, 0, 1, 1], [], []>, transpose_lhs_hint = false} : vector<400x128xf32>, vector<128x128xf32>, vector<400x128xf32> -> vector<400x128xf32>
    %mul3A = vector.broadcast %rsqrt3A : vector<400x1xf32> to vector<400x128xf32>
    %mul3A_19 = arith.mulf %mul3A, %dot_general3A_18 : vector<400x128xf32>
    %swap3A = arith.constant 0 : index
    %swap3A_20 = arith.constant 0 : index
    %swap3A_21 = vector.load %arg4[%swap3A, %swap3A_20] : memref<400x128xf32, #tpu.memory_space<vmem>>, vector<400x128xf32>
    tpu.vector_store %arg4[%swap3A, %swap3A_20], %mul3A_19 {strides = array<i32>} : memref<400x128xf32, #tpu.memory_space<vmem>>, vector<400x128xf32>,
    %broadcast_in_dim3A = vector.shape_cast %rsqrt3A : vector<400x1xf32> to vector<400x1xf32>
    %broadcast_in_dim3A_22 = vector.broadcast %broadcast_in_dim3A : vector<400x1xf32> to vector<400x8xf32>
    %swap3A_23 = arith.constant 0 : index
    %swap3A_24 = arith.constant 0 : index
    %swap3A_25 = vector.load %arg5[%swap3A_23, %swap3A_24] : memref<400x8xf32, #tpu.memory_space<vmem>>, vector<400x8xf32>
    tpu.vector_store %arg5[%swap3A_23, %swap3A_24], %broadcast_in_dim3A_22 {strides = array<i32>} : memref<400x8xf32, #tpu.memory_space<vmem>>, vector<400x8xf32>,
    return
  }
  func.func @transform_0(%arg0: i32) -> (i32, i32) {
    %c0_i32 = arith.constant 0 : i32
    %c0_i32_0 = arith.constant 0 : i32
    return %arg0, %c0_i32 : i32, i32
  }
  func.func @transform_1(%arg0: i32) -> (i32, i32) {
    %c0_i32 = arith.constant 0 : i32
    %c0_i32_0 = arith.constant 0 : i32
    %c0_i32_1 = arith.constant 0 : i32
    return %c0_i32, %c0_i32_0 : i32, i32
  }
  func.func @transform_2(%arg0: i32) -> (i32, i32, i32) {
    %c0_i32 = arith.constant 0 : i32
    %c0_i32_0 = arith.constant 0 : i32
    %c0_i32_1 = arith.constant 0 : i32
    return %c0_i32, %arg0, %c0_i32_0 : i32, i32, i32
  }
  func.func @transform_3(%arg0: i32) -> (i32, i32) {
    %c0_i32 = arith.constant 0 : i32
    %c0_i32_0 = arith.constant 0 : i32
    return %arg0, %c0_i32 : i32, i32
  }
  func.func @transform_4(%arg0: i32) -> (i32, i32) {
    %c0_i32 = arith.constant 0 : i32
    %c0_i32_0 = arith.constant 0 : i32
    return %arg0, %c0_i32 : i32, i32
  }
}

module attributes {stable_mosaic.version = 14 : i64} {
  func.func @_combine_body(%arg0: i32, %arg1: memref<2x400x128xf32, #tpu.memory_space<vmem>>, %arg2: memref<400x128xf32, #tpu.memory_space<vmem>>, %arg3: memref<400x8xf32, #tpu.memory_space<vmem>>, %arg4: memref<1x128xf32, #tpu.memory_space<vmem>>, %arg5: memref<400x128xf32, #tpu.memory_space<vmem>>) attributes {dimension_semantics = [#tpu.dimension_semantics<arbitrary>], iteration_bounds = array<i64: 25>, scalar_prefetch = 0 : i64, scratch_operands = 0 : i64, tpu.core_type = #tpu.core_type<tc>, window_params = [{transform_indices = @transform_0, window_bounds = array<i64: 2, 400, 128>}, {transform_indices = @transform_1, window_bounds = array<i64: 400, 128>}, {transform_indices = @transform_2, window_bounds = array<i64: 400, 8>}, {pipeline_mode = #tpu.pipeline_mode<synchronous>, transform_indices = @transform_3, window_bounds = array<i64: 1, 128>}, {transform_indices = @transform_4, window_bounds = array<i64: 400, 128>}]} {
    %get3A = arith.constant 0 : index
    %get3A_0 = arith.constant 0 : index
    %get3A_1 = vector.load %arg3[%get3A, %get3A_0] : memref<400x8xf32, #tpu.memory_space<vmem>>, vector<400x1xf32>
    %get3A_2 = arith.constant 0 : index
    %get3A_3 = arith.constant 0 : index
    %get3A_4 = arith.constant 0 : index
    %get3A_5 = vector.load %arg1[%get3A_2, %get3A_3, %get3A_4] : memref<2x400x128xf32, #tpu.memory_space<vmem>>, vector<1x400x128xf32>
    %get3A_6 = vector.shape_cast %get3A_5 : vector<1x400x128xf32> to vector<400x128xf32>
    %get3A_7 = arith.constant 1 : index
    %get3A_8 = arith.constant 0 : index
    %get3A_9 = arith.constant 0 : index
    %get3A_10 = vector.load %arg1[%get3A_7, %get3A_8, %get3A_9] : memref<2x400x128xf32, #tpu.memory_space<vmem>>, vector<1x400x128xf32>
    %get3A_11 = vector.shape_cast %get3A_10 : vector<1x400x128xf32> to vector<400x128xf32>
    %add3A = arith.addf %get3A_6, %get3A_11 : vector<400x128xf32>
    %get3A_12 = arith.constant 0 : index
    %get3A_13 = arith.constant 0 : index
    %get3A_14 = vector.load %arg2[%get3A_12, %get3A_13] : memref<400x128xf32, #tpu.memory_space<vmem>>, vector<400x128xf32>
    %add3A_15 = arith.addf %add3A, %get3A_14 : vector<400x128xf32>
    %mul3A = vector.broadcast %get3A_1 : vector<400x1xf32> to vector<400x128xf32>
    %mul3A_16 = arith.mulf %mul3A, %add3A_15 : vector<400x128xf32>
    %get3A_17 = arith.constant 0 : index
    %get3A_18 = arith.constant 0 : index
    %get3A_19 = vector.load %arg4[%get3A_17, %get3A_18] : memref<1x128xf32, #tpu.memory_space<vmem>>, vector<1x128xf32>
    %add3A_20 = vector.broadcast %get3A_19 : vector<1x128xf32> to vector<400x128xf32>
    %add3A_21 = arith.addf %mul3A_16, %add3A_20 : vector<400x128xf32>
    %swap3A = arith.constant 0 : index
    %swap3A_22 = arith.constant 0 : index
    %swap3A_23 = vector.load %arg5[%swap3A, %swap3A_22] : memref<400x128xf32, #tpu.memory_space<vmem>>, vector<400x128xf32>
    tpu.vector_store %arg5[%swap3A, %swap3A_22], %add3A_21 {strides = array<i32>} : memref<400x128xf32, #tpu.memory_space<vmem>>, vector<400x128xf32>,
    return
  }
  func.func @transform_0(%arg0: i32) -> (i32, i32, i32) {
    %c0_i32 = arith.constant 0 : i32
    %c0_i32_0 = arith.constant 0 : i32
    %c0_i32_1 = arith.constant 0 : i32
    return %c0_i32, %arg0, %c0_i32_0 : i32, i32, i32
  }
  func.func @transform_1(%arg0: i32) -> (i32, i32) {
    %c0_i32 = arith.constant 0 : i32
    %c0_i32_0 = arith.constant 0 : i32
    return %arg0, %c0_i32 : i32, i32
  }
  func.func @transform_2(%arg0: i32) -> (i32, i32) {
    %c0_i32 = arith.constant 0 : i32
    %c0_i32_0 = arith.constant 0 : i32
    return %arg0, %c0_i32 : i32, i32
  }
  func.func @transform_3(%arg0: i32) -> (i32, i32) {
    %c0_i32 = arith.constant 0 : i32
    %c0_i32_0 = arith.constant 0 : i32
    %c0_i32_1 = arith.constant 0 : i32
    return %c0_i32, %c0_i32_0 : i32, i32
  }
  func.func @transform_4(%arg0: i32) -> (i32, i32) {
    %c0_i32 = arith.constant 0 : i32
    %c0_i32_0 = arith.constant 0 : i32
    return %arg0, %c0_i32 : i32, i32
  }
}

</mosaic_0001>

<sc_bundles>
// kernel: kernel.6.cloned.1.call-start
scs
__scs_entry_jumppad:
0x0: {  	(pc) =	sbr.rel $0x88, $3  }
0x1: {  	(tag) =	ssettag $0x0;
	lr =	simm.s32 $0x1  }
0x2: {  	[smem:$0x3F9D] =	sst lr;
	_ =	strace $0xD0000000  }
0x3: {  	_ = 	snop  }
0x4: {  	_ = 	snop  }
0x5: {  	_ = 	snop  }
0x6: {  	_ = 	snop  }
0x7: {  	_ = 	snop  }
__scs_overlays_trampoline_lowered:
0x8: {  	[smem:$0x3FAC] =	sst s0  }
0x9: {  	[smem:$0x3FAD] =	sst s1  }
0xa: {  	[smem:$0x3FAE] =	sst s2  }
0xb: {  	[smem:$0x3FAF] =	sst s3  }
0xc: {  	[smem:$0x3FB0] =	sst s4  }
0xd: {  	[smem:$0x3FB1] =	sst s5  }
0xe: {  	[smem:$0x3FB2] =	sst s6  }
0xf: {  	[smem:$0x3FB3] =	sst s7  }
0x10: {  	[smem:$0x3FB4] =	sst s8  }
0x11: {  	[smem:$0x3FB5] =	sst s9;
	s0 =	simm.s32 @!p0 $0x0  }
0x12: {  	s1 =	sld [smem:$0x3F9B];
	s0 =	simm.s32 @p0 $0x1  }
0x13: {  	[smem:$0x3FB6] =	sst s0;
	s0 =	simm.s32 @!p1 $0x0  }
0x14: {  	s2 =	sld [smem:$0x3F9A];
	s0 =	simm.s32 @p1 $0x1  }
0x15: {  	[smem:$0x3FB7] =	sst s0;
	s0 =	simm.s32 @!p2 $0x0  }
0x16: {  	s3 =	sld [smem:$0x3FDB];
	s0 =	simm.s32 @p2 $0x1  }
0x17: {  	s4 =	simm.s32 $0x1BF5;
	[smem:$0x3FB9] =	sst s0  }
0x18: {  	s0 =	sld [smem:$0x3F9C];
	_ =	swait.ge [sflag:s4], $0x0  }
0x19: {  	s7 =	sld [smem:$0x3F9D]  }
0x1a: {  	s8 =	sadd.s32 $0xFFFFE003, lr  }
0x1b: {  	s9 =	sadd.s32 $0xFFFFFEF7, lr;
	s5 =	simm.s32 $0xFFFFFFFF;
	p2 =	slt.u32 s8, $0xFFFFF086  }
0x1c: {  	p1 =	slt.u32 s9, $0xF7A;
	s5 =	simm.s32 @!p2 $0x0  }
0x1d: {  	s5 =	simm.s32 @p1 $0x1;
	p0 =	seq.s32 s7, s2  }
0x1e: {  	s7 =	smul.u32 @!p0 $0xF7A, s2;
	p2 =	seq.s32 @!p0 s5, $0x0  }
0x1f: {  	s9 =	smul.u32 $0xF7A, s1;
	s8 =	simm.s32 @!p0 $0x1BF5;
	p2 =	por !p2, p0  }
0x20: {  	[sflag:s8] =	ssyncset.s32 @!p0 $0xFFFFF086;
	s6 =	sadd.s32 @!p0 s3, s7;
	s7 =	simm.s32 @!p0 $0x108  }
0x21: {  	s3 =	sadd.s32 s3, s9;
	s6 =	sadd.s32 @!p0 $0x88, s6;
	s7 =	simm.s32 @p2 $0x1082  }
0x22: {  	[simem:s7], [sflag:s8] =	dma.local @!p0 [hbm:s6], $0xF7A  }
0x23: {  	s9 =	sor.u32 $0xD0000000, s2;
	s6 =	simm.s32 $0x108;
	_ =	swait.ge @!p0 [sflag:s8], $0x0  }
0x24: {  	s3 =	sadd.s32 $0x88, s3;
	s6 =	simm.s32 @!p1 $0x1082;
	[sflag:s4] =	ssyncset.s32 $0xFFFFF086  }
0x25: {  	[simem:s6], [sflag:s4] =	dma.local [hbm:s3], $0xF7A  }
0x26: {  	[smem:$0x3F9D] =	sst s1;
	(tag) =	ssettag s2;
	_ =	strace s9  }
0x27: {  	s1 =	sld [smem:$0x3FAD]  }
0x28: {  	s2 =	sld [smem:$0x3FAE]  }
0x29: {  	s4 =	sld [smem:$0x3FB0]  }
0x2a: {  	p0 =	seq.s32 s5, $0x0;
	s5 =	sld [smem:$0x3FB1]  }
0x2b: {  	s6 =	sld [smem:$0x3FB2]  }
0x2c: {  	s7 =	sld [smem:$0x3FB3]  }
0x2d: {  	s3 =	simm.s32 $0x108;
	s8 =	sld [smem:$0x3FB4]  }
0x2e: {  	s3 =	simm.s32 @!p0 $0x1082;
	s9 =	sld [smem:$0x3FB5]  }
0x2f: {  	lr =	sadd.s32 s0, s3;
	s0 =	sld [smem:$0x3FAC]  }
0x30: {  	s3 =	sld [smem:$0x3FAF]  }
0x31: {  	[smem:$0x3FB8] =	sst s10  }
0x32: {  	s10 =	sld [smem:$0x3FB6];
	_ =	sdelay $0x3  }
0x33: {  	p0 =	seq.s32 s10, $0x1;
	s10 =	sld [smem:$0x3FB8];
	_ =	sdelay $0x3  }
0x34: {  	[smem:$0x3FB8] =	sst s10  }
0x35: {  	s10 =	sld [smem:$0x3FB7];
	_ =	sdelay $0x3  }
0x36: {  	p1 =	seq.s32 s10, $0x1;
	s10 =	sld [smem:$0x3FB8];
	_ =	sdelay $0x3  }
0x37: {  	[smem:$0x3FB8] =	sst s10  }
0x38: {  	s10 =	sld [smem:$0x3FB9]  }
0x39: {  	_ = 	snop;
	(pc) =	sbr.ind lr, $3  }
0x3a: {  	_ = 	snop  }
0x3b: {  	_ = 	snop  }
0x3c: {  	p2 =	seq.s32 s10, $0x1;
	s10 =	sld [smem:$0x3FB8]  }
0x3d: {  	_ =	shalt  }
0x3e: {  	_ =	shalt  }
0x3f: {  	_ =	shalt  }
0x40: {  	_ =	shalt  }
0x41: {  	_ =	shalt  }
0x42: {  	_ =	shalt  }
0x43: {  	_ =	shalt  }
0x44: {  	_ =	shalt  }
0x45: {  	_ =	shalt  }
0x46: {  	_ =	shalt  }
0x47: {  	_ =	shalt  }
0x48: {  	_ =	shalt  }
0x49: {  	_ =	shalt  }
0x4a: {  	_ =	shalt  }
0x4b: {  	_ =	shalt  }
0x4c: {  	_ =	shalt  }
0x4d: {  	_ =	shalt  }
0x4e: {  	_ =	shalt  }
0x4f: {  	_ =	shalt  }
0x50: {  	_ =	shalt  }
0x51: {  	_ =	shalt  }
0x52: {  	_ =	shalt  }
0x53: {  	_ =	shalt  }
0x54: {  	_ =	shalt  }
0x55: {  	_ =	shalt  }
0x56: {  	_ =	shalt  }
0x57: {  	_ =	shalt  }
0x58: {  	_ =	shalt  }
0x59: {  	_ =	shalt  }
0x5a: {  	_ =	shalt  }
0x5b: {  	_ =	shalt  }
0x5c: {  	_ =	shalt  }
0x5d: {  	_ =	shalt  }
0x5e: {  	_ =	shalt  }
0x5f: {  	_ =	shalt  }
0x60: {  	_ =	shalt  }
0x61: {  	_ =	shalt  }
0x62: {  	_ =	shalt  }
0x63: {  	_ =	shalt  }
0x64: {  	_ =	shalt  }
0x65: {  	_ =	shalt  }
0x66: {  	_ =	shalt  }
0x67: {  	_ =	shalt  }
0x68: {  	_ =	shalt  }
0x69: {  	_ =	shalt  }
0x6a: {  	_ =	shalt  }
0x6b: {  	_ =	shalt  }
0x6c: {  	_ =	shalt  }
0x6d: {  	_ =	shalt  }
0x6e: {  	_ =	shalt  }
0x6f: {  	_ =	shalt  }
0x70: {  	_ =	shalt  }
0x71: {  	_ =	shalt  }
0x72: {  	_ =	shalt  }
0x73: {  	_ =	shalt  }
0x74: {  	_ =	shalt  }
0x75: {  	_ =	shalt  }
0x76: {  	_ =	shalt  }
0x77: {  	_ =	shalt  }
0x78: {  	_ =	shalt  }
0x79: {  	_ =	shalt  }
0x7a: {  	_ =	shalt  }
0x7b: {  	_ =	shalt  }
0x7c: {  	_ =	shalt  }
0x7d: {  	_ =	shalt  }
0x7e: {  	_ =	shalt  }
0x7f: {  	_ =	shalt  }
0x80: {  	_ =	shalt  }
0x81: {  	_ =	shalt  }
0x82: {  	_ =	shalt  }
0x83: {  	_ =	shalt  }
0x84: {  	_ =	shalt  }
0x85: {  	_ =	shalt  }
0x86: {  	_ =	shalt  }
0x87: {  	_ =	shalt  }
.Lfunc_end0:
.L_simem_size_0:
called_computation_lowered:
.L_overlay_start_0:
0x88: {  	s2 =	sld [smem:$0x3FD9]  }
0x89: {  	s3 =	sld [smem:$0x3FFE];
	_ =	sdelay $0x1  }
0x8a: {  	s1 =	srdreg.scid  }
0x8b: {  	s0 =	sand.u32 $0x1, s1  }
0x8c: {  	s17 =	sshll.u32 s0, $0xA;
	s2 =	sadd.s32 s3, s2  }
0x8d: {  	s2 =	sadd.s32 s2, s17  }
0x8e: {  	[smem:$0x3FC4] =	sst s2  }
0x8f: {  	_ = 	snop  }
0x90: {  	s2 =	sld [smem:$0x3FD0];
	(tm) =	ssettm $0x1  }
0x91: {  	s18 =	sld [smem:$0x3FFB];
	_ =	sdelay $0x3  }
0x92: {  	_ =	strace s18  }
0x93: {  	s3 =	sld [smem:$0x3FFC];
	_ =	sdelay $0x3  }
0x94: {  	_ =	strace s3  }
0x95: {  	s3 =	sld [smem:$0x3FFD];
	_ =	sdelay $0x3  }
0x96: {  	_ =	strace s3  }
0x97: {  	_ =	strace $0x8FFFFFFF  }
0x98: {  	s19 =	sld [smem:$0x3FDB];
	_ =	sdelay $0x1  }
0x99: {  	s4 =	simm.s32 $_scs_section_size  }
0x9a: {  	s5 =	simm.s32 $_size__tile_overlayer_lowered;
	s6 =	simm.s32 $_tile_overlayer_lowered  }
0x9b: {  	s22 =	simm.s32 $0x1BFF;
	s21 =	sshll.u32 s6, $0x1;
	s3 =	sadd.s32 s4, s19  }
0x9c: {  	s7 =	simm.s32 $0x0;
	s20 =	sshll.u32 s5, $0x1;
	s5 =	sadd.s32 s21, s3  }
0x9d: {  	[timem:s7], [sflag:s22] =	dma.local [hbm:s5], s20  }
0x9e: {  	_ =	swait.ge [sflag:s22], s20  }
0x9f: {  	s4 =	ssub.s32 $0x0, s20;
	[sflag:s22] =	ssyncset.done $0x0  }
0xa0: {  	[sflag:s22] =	ssyncadd.s32 s4;
	_ =	sdelay $0x1  }
0xa1: {  	s23 =	simm.s32 $0x1B8B  }
0xa2: {  	_ =	swait.ge [sflag:s23], $0x1  }
0xa3: {  	[sflag:s23] =	ssyncset.done $0x0  }
0xa4: {  	s25 =	simm.s32 $0x1B8E;
	s24 =	sld [smem:$0x3FFE];
	[sflag:s23] =	ssyncadd.s32 $0xFFFFFFFF  }
0xa5: {  	s26 =	simm.s32 $execute0_lowered;
	[smem:$0x3FD2] =	sst s25  }
0xa6: {  	s5 =	sshll.u32 s26, $0x1;
	_ =	strace $0x80000046;
	[dreg:$0x1] =	wrdreg $0xFFFFFFFF  }
0xa7: {  	s28 =	simm.s32 $_size_execute0_lowered;
	s3 =	sadd.s32 s3, s5;
	[dreg:$0x0] =	wrdreg $0x0  }
0xa8: {  	s5 =	sshll.u32 s28, $0x1;
	[dreg:$0x2] =	wrdreg s3  }
0xa9: {  	[dreg:$0x3] =	wrdreg s5  }
0xaa: {  	[dreg:$0x4] =	wrdreg $0xC0  }
0xab: {  	_ =	task [dreg:s7], $0x5FFFF  }
0xac: {  	[dreg:$0x1] =	wrdreg $0xFFFFFFFF  }
0xad: {  	[dreg:$0x0] =	wrdreg $0x60  }
0xae: {  	[dreg:$0x2] =	wrdreg s2  }
0xaf: {  	[dreg:$0x3] =	wrdreg s24  }
0xb0: {  	[dreg:$0x4] =	wrdreg $0x68000  }
0xb1: {  	[dreg:$0x5] =	wrdreg $0x9  }
0xb2: {  	_ =	task.clear_ibuf [dreg:s7], $0x6FFFF;
	_ =	strace $0x90000046  }
0xb3: {  	s29 =	simm.s32 $0x9;
	_ =	strace $0x80000048  }
0xb4: {  	_ =	swait.ge [sflag:s29], $0x1  }
0xb5: {  	[sflag:s29] =	ssyncadd.s32 $0xFFFFFFFF  }
0xb6: {  	_ =	strace $0x90000048  }
0xb7: {  	_ =	sfence  }
0xb8: {  	s30 =	sld [smem:$0x0];
	_ =	sdelay $0x2  }
0xb9: {  	s31 =	sshll.u32 s1, $0xD;
	s1 =	sshrl.u32 s1, $0x2  }
0xba: {  	s3 =	sand.u32 $0x4000, s31;
	s1 =	sadd.s32 s1, s30  }
0xbb: {  	s0 =	sor.u32 s3, s0;
	s1 =	sshll.u32 s1, $0x11  }
0xbc: {  	s0 =	sor.u32 s1, s0  }
0xbd: {  	s0 =	sadd.s32 $0x8F2B, s0  }
0xbe: {  	[sflag:s0] =	ssyncadd.remote.s32 $0x1  }
0xbf: {  	_ =	sfence.sel $0xFFFF  }
0xc0: {  	[dreg:$0x0] =	wrdreg $0xFFFFFFFF;
	(pc) =	sbr.abs _section_cstart, $3  }
0xc1: {  	[dreg:$0x1] =	wrdreg $0xFFFFFFFF  }
0xc2: {  	_ =	task.clear_ibuf [dreg:s7], $0x2FFFF;
	_ =	strace $0x9FFFFFFF  }
0xc3: {  	(tm) =	ssettm $0x7FFFFFFF  }
tec
execute0_lowered:
.L_overlay_start_1:
0x0: {  	(tag) =	ssettag $0x1  }
0x1: {  	s6 =	rddreg [dreg:$0x0]  }
0x2: {  	s7 =	rddreg [dreg:$0x1]  }
0x3: {  	s1 =	rddreg [dreg:$0x2];
	s2 =	srdreg.scid  }
0x4: {  	s0 =	rddreg [dreg:$0x3];
	s3 =	simm.s32 $0x0;
	s13 =	simm.s32 $0x80  }
0x5: {  	s14 =	simm.s32 $0x1;
	s8 =	sand.u32 $0x1, s2;
	s2 =	stileid.u32  }
0x6: {  	s15 =	simm.s32 $0x0;
	[smem:$0x7FF] =	sst s3;
	s9 =	smul.u32 $0x13C000, s8  }
0x7: {  	s4 =	sadd.s32 $0x1A00, s7;
	s5 =	sadd.s32 $0x2200, s7;
	s10 =	smul.u32 $0x13C00, s2  }
0x8: {  	_ =	strace $0x80000047;
	s28 =	sshll.u32 s8, $0x4;
	s8 =	ssub.s32 $0x2, s8  }
0x9: {  	s11 =	smul.u32 $0x4F000, s2;
	s31 =	sshll.u32 s2, $0x6;
	s12 =	sshrl.u32 s8, $0x1  }
0xa: {  	s9 =	sadd.s32 s10, s9;
	s10 =	sor.u32 s2, s28;
	s8 =	ssub.s32 s8, s12  }
0xb: {  	s29 =	sshrl.u32 s11, $0x2;
	s11 =	sor.u32 $0x1C02, s31;
	s9 =	sshrl.u32 s9, $0x3  }
0xc: {  	s10 =	smul.u32 $0x500, s10;
	s30 =	sadd.s32 s29, s1;
	s8 =	smax.u32 s8, $0x1  }
0xd: {  	s7 =	sadd.s32 s9, s7;
	s9 =	simm.s32 $0x2;
	s12 =	sshrl.u32 s30, $0x3  }
0xe: {  	s6 =	sadd.s32 s6, s10;
	s7 =	sadd.s32 $0x4A00, s7;
	s10 =	simm.s32 $0x2800  }
.LBB2_1:
0xf: {  	[tilespmem:s3], [sflag:$0x2] =	stream.linear.gather [hbm4b:s6+s3], $0x2800, $0x38;
	[tilespmem:$0x1A400] =	vst v63  }
0x10: {  	_ =	swait.ge [sflag:s9], $0x2800  }
0x11: {  	[sflag:s9] =	ssyncset.done $0x0  }
0x12: {  	[sflag:s9] =	ssyncadd.s32 $0xFFFFD800  }
0x13: {  	[tilespmem:s10], [sflag:$0x2] =	stream.linear.gather [hbm4b:s4+s3], $0x4000, $0x38;
	[tilespmem:$0x1A400] =	vst v63  }
0x14: {  	_ =	swait.ge [sflag:s9], $0x4000  }
0x15: {  	[sflag:s9] =	ssyncset.done $0x0  }
0x16: {  	[sflag:s9] =	ssyncadd.s32 $0xFFFFC000  }
0x17: {  	[spmem:s12], [sflag:s11] =	dma.local [hbm:s5], $0x2780  }
0x18: {  	_ =	swait.ge [sflag:s9], $0x2780  }
0x19: {  	[sflag:s9] =	ssyncset.done $0x0  }
0x1a: {  	[sflag:s9] =	ssyncadd.s32 $0xFFFFD880  }
0x1b: {  	s16 =	simm.s32 $0x0;
	[bflag:$0x0] =	sbarrier.arrive $0xFFFF  }
0x1c: {  	[spmem:s1] =	stream.indirect.scatter.add.f32 [tilespmem:s10], [sflag:$0x1], $0x80, s16, s13, $0xb8;
	[tilespmem:$0x1A400] =	vst v63  }
0x1d: {  	s29 =	simm.s32 $0x80  }
0x1e: {  	[spmem:s1] =	stream.indirect.scatter.add.f32 [tilespmem:s10], [sflag:$0x1], $0x80, s29, s13, $0xb8;
	[tilespmem:$0x1A400] =	vst v63  }
0x1f: {  	s30 =	simm.s32 $0x100  }
0x20: {  	[spmem:s1] =	stream.indirect.scatter.add.f32 [tilespmem:s10], [sflag:$0x1], $0x80, s30, s13, $0xb8;
	[tilespmem:$0x1A400] =	vst v63  }
0x21: {  	s31 =	simm.s32 $0x180  }
0x22: {  	[spmem:s1] =	stream.indirect.scatter.add.f32 [tilespmem:s10], [sflag:$0x1], $0x80, s31, s13, $0xb8;
	[tilespmem:$0x1A400] =	vst v63  }
0x23: {  	_ =	swait.ge [sflag:s14], $0x4000  }
0x24: {  	[sflag:s14] =	ssyncset.done $0x0  }
0x25: {  	[sflag:s14] =	ssyncadd.s32 $0xFFFFC000  }
0x26: {  	_ =	swait.ge [sflag:s14], $0x4000  }
0x27: {  	[sflag:s14] =	ssyncset.done $0x0  }
0x28: {  	[sflag:s14] =	ssyncadd.s32 $0xFFFFC000  }
0x29: {  	_ =	swait.ge [sflag:s14], $0x4000  }
0x2a: {  	[sflag:s14] =	ssyncset.done $0x0  }
0x2b: {  	[sflag:s14] =	ssyncadd.s32 $0xFFFFC000  }
0x2c: {  	_ =	swait.ge [sflag:s14], $0x4000  }
0x2d: {  	s17 =	simm.s32 $0x1000;
	s16 =	simm.s32 $0x800;
	[sflag:s14] =	ssyncset.done $0x0  }
.LBB2_2:
0x2e: {  	s18 =	sshra.s32 s16, $0x2  }
0x2f: {  	[sflag:s14] =	ssyncadd.s32 $0xFFFFC000;
	s16 =	smov.u32 s17;
	s19 =	sadd.s32 $0x800, s17  }
0x30: {  	[spmem:s1] =	stream.indirect.scatter.add.f32 [tilespmem:s10], [sflag:$0x1], $0x80, s18, s13, $0xb8;
	[tilespmem:$0x1A400] =	vst v63  }
0x31: {  	p0 =	sne.s32 s17, $0x9800;
	s17 =	sadd.s32 $0x80, s18  }
0x32: {  	[spmem:s1] =	stream.indirect.scatter.add.f32 [tilespmem:s10], [sflag:$0x1], $0x80, s17, s13, $0xb8;
	[tilespmem:$0x1A400] =	vst v63  }
0x33: {  	s17 =	sadd.s32 $0x100, s18  }
0x34: {  	[spmem:s1] =	stream.indirect.scatter.add.f32 [tilespmem:s10], [sflag:$0x1], $0x80, s17, s13, $0xb8;
	[tilespmem:$0x1A400] =	vst v63  }
0x35: {  	s17 =	sadd.s32 $0x180, s18  }
0x36: {  	[spmem:s1] =	stream.indirect.scatter.add.f32 [tilespmem:s10], [sflag:$0x1], $0x80, s17, s13, $0xb8;
	[tilespmem:$0x1A400] =	vst v63  }
0x37: {  	_ =	swait.ge [sflag:s14], $0x4000  }
0x38: {  	[sflag:s14] =	ssyncset.done $0x0  }
0x39: {  	[sflag:s14] =	ssyncadd.s32 $0xFFFFC000  }
0x3a: {  	_ =	swait.ge [sflag:s14], $0x4000  }
0x3b: {  	[sflag:s14] =	ssyncset.done $0x0  }
0x3c: {  	[sflag:s14] =	ssyncadd.s32 $0xFFFFC000  }
.Ltmp0:
0x3d: {  	_ =	swait.ge [sflag:s14], $0x4000;
	(pc) =	sbr.rel @p0 .LBB2_2-.Ltmp0, $4  }
0x3e: {  	[sflag:s14] =	ssyncset.done $0x0  }
0x3f: {  	[sflag:s14] =	ssyncadd.s32 $0xFFFFC000  }
0x40: {  	_ =	swait.ge [sflag:s14], $0x4000  }
0x41: {  	s17 =	smov.u32 s19;
	[sflag:s14] =	ssyncset.done $0x0  }
0x42: {  	s16 =	sshra.s32 s16, $0x2;
	[sflag:s14] =	ssyncadd.s32 $0xFFFFC000  }
0x43: {  	[spmem:s1] =	stream.indirect.scatter.add.f32 [tilespmem:s10], [sflag:$0x1], $0x80, s16, s13, $0xb8;
	[tilespmem:$0x1A400] =	vst v63  }
0x44: {  	s17 =	sadd.s32 $0x80, s16  }
0x45: {  	[spmem:s1] =	stream.indirect.scatter.add.f32 [tilespmem:s10], [sflag:$0x1], $0x80, s17, s13, $0xb8;
	[tilespmem:$0x1A400] =	vst v63  }
0x46: {  	s31 =	sadd.s32 $0x100, s16  }
0x47: {  	[spmem:s1] =	stream.indirect.scatter.add.f32 [tilespmem:s10], [sflag:$0x1], $0x80, s31, s13, $0xb8;
	[tilespmem:$0x1A400] =	vst v63  }
0x48: {  	s16 =	sadd.s32 $0x180, s16  }
0x49: {  	[spmem:s1] =	stream.indirect.scatter.add.f32 [tilespmem:s10], [sflag:$0x1], $0x80, s16, s13, $0xb8;
	[tilespmem:$0x1A400] =	vst v63  }
0x4a: {  	_ =	swait.ge [sflag:s14], $0x4000  }
0x4b: {  	[sflag:s14] =	ssyncset.done $0x0  }
0x4c: {  	[sflag:s14] =	ssyncadd.s32 $0xFFFFC000  }
0x4d: {  	_ =	swait.ge [sflag:s14], $0x4000  }
0x4e: {  	[sflag:s14] =	ssyncset.done $0x0  }
0x4f: {  	[sflag:s14] =	ssyncadd.s32 $0xFFFFC000  }
0x50: {  	_ =	swait.ge [sflag:s14], $0x4000  }
0x51: {  	[sflag:s14] =	ssyncset.done $0x0  }
0x52: {  	[sflag:s14] =	ssyncadd.s32 $0xFFFFC000  }
0x53: {  	_ =	swait.ge [sflag:s14], $0x4000  }
0x54: {  	s15 =	sadd.s32 $0x1, s15;
	[sflag:s14] =	ssyncset.done $0x0  }
0x55: {  	p0 =	sne.s32 s15, s8;
	[sflag:s14] =	ssyncadd.s32 $0xFFFFC000  }
.Ltmp1:
0x56: {  	[bflag:$0x0] =	sbarrier.arrive $0xFFFF;
	(pc) =	sbr.rel @p0 .LBB2_1-.Ltmp1, $4  }
0x57: {  	[hbm:s7], [sflag:s11] =	dma.local [spmem:s12], $0x2780  }
0x58: {  	_ =	swait.ge [sflag:s9], $0x2780  }
0x59: {  	[sflag:s9] =	ssyncset.done $0x0  }
0x5a: {  	[sflag:s9] =	ssyncadd.s32 $0xFFFFD880  }
0x5b: {  	_ =	sfence.sel $0x180000  }
0x5c: {  	[bflag:$0x0] =	sbarrier.arrive $0xFFFF  }
0x5d: {  	p0 =	sne.s32 s2, $0x0;
	_ =	strace $0x90000047  }
0x5e: {  	s0 =	sadd.s32 @!p0 $0x100000, s0;
	[bflag:$0x2] =	sbarrier.arrive $0xFFFF  }
0x5f: {  	[sflag:s0] =	ssyncadd.tile.s32 @!p0 $0x1;
	_ =	shalt  }
.Lfunc_end2:
_tile_overlayer_lowered:
.L_overlay_start_2:
0x60: {  	(tag) =	ssettag $0x2  }
0x61: {  	s0 =	rddreg [dreg:$0x0];
	s2 =	stileid.u32  }
0x62: {  	s1 =	rddreg [dreg:$0x1];
	p0 =	sne.s32 s2, $0x0  }
0x63: {  	s3 =	rddreg [dreg:$0x2];
	[bflag:$0x3] =	sbarrier.arrive $0xFFFF;
	s2 =	simm.s32 @!p0 $0x1C02  }
0x64: {  	[timem:s3], [sflag:s2] =	dma.local @!p0 [hbm:s0], s1  }
0x65: {  	s0 =	simm.s32 @!p0 $0x2  }
0x66: {  	_ =	swait.ge @!p0 [sflag:s0], s1  }
0x67: {  	s1 =	ssub.s32 @!p0 $0x0, s1;
	[sflag:s0] =	ssyncset.done @!p0 $0x0  }
0x68: {  	[sflag:s0] =	ssyncadd.s32 @!p0 s1  }
0x69: {  	[bflag:$0x3] =	sbarrier.arrive $0xFFFF  }
0x6a: {  	_ =	shalt  }

// kernel: kernel.9.cloned.1.call-start
scs
__scs_entry_jumppad:
0x0: {  	(pc) =	sbr.rel $0x88, $3  }
0x1: {  	(tag) =	ssettag $0x0;
	lr =	simm.s32 $0x1  }
0x2: {  	[smem:$0x3F9D] =	sst lr;
	_ =	strace $0xD0000000  }
0x3: {  	_ = 	snop  }
0x4: {  	_ = 	snop  }
0x5: {  	_ = 	snop  }
0x6: {  	_ = 	snop  }
0x7: {  	_ = 	snop  }
__scs_overlays_trampoline_lowered:
0x8: {  	[smem:$0x3FAC] =	sst s0  }
0x9: {  	[smem:$0x3FAD] =	sst s1  }
0xa: {  	[smem:$0x3FAE] =	sst s2  }
0xb: {  	[smem:$0x3FAF] =	sst s3  }
0xc: {  	[smem:$0x3FB0] =	sst s4  }
0xd: {  	[smem:$0x3FB1] =	sst s5  }
0xe: {  	[smem:$0x3FB2] =	sst s6  }
0xf: {  	[smem:$0x3FB3] =	sst s7  }
0x10: {  	[smem:$0x3FB4] =	sst s8  }
0x11: {  	[smem:$0x3FB5] =	sst s9;
	s0 =	simm.s32 @!p0 $0x0  }
0x12: {  	s1 =	sld [smem:$0x3F9B];
	s0 =	simm.s32 @p0 $0x1  }
0x13: {  	[smem:$0x3FB6] =	sst s0;
	s0 =	simm.s32 @!p1 $0x0  }
0x14: {  	s2 =	sld [smem:$0x3F9A];
	s0 =	simm.s32 @p1 $0x1  }
0x15: {  	[smem:$0x3FB7] =	sst s0;
	s0 =	simm.s32 @!p2 $0x0  }
0x16: {  	s3 =	sld [smem:$0x3FDB];
	s0 =	simm.s32 @p2 $0x1  }
0x17: {  	s4 =	simm.s32 $0x1BF5;
	[smem:$0x3FB9] =	sst s0  }
0x18: {  	s0 =	sld [smem:$0x3F9C];
	_ =	swait.ge [sflag:s4], $0x0  }
0x19: {  	s7 =	sld [smem:$0x3F9D]  }
0x1a: {  	s8 =	sadd.s32 $0xFFFFE003, lr  }
0x1b: {  	s9 =	sadd.s32 $0xFFFFFEF7, lr;
	s5 =	simm.s32 $0xFFFFFFFF;
	p2 =	slt.u32 s8, $0xFFFFF086  }
0x1c: {  	p1 =	slt.u32 s9, $0xF7A;
	s5 =	simm.s32 @!p2 $0x0  }
0x1d: {  	s5 =	simm.s32 @p1 $0x1;
	p0 =	seq.s32 s7, s2  }
0x1e: {  	s7 =	smul.u32 @!p0 $0xF7A, s2;
	p2 =	seq.s32 @!p0 s5, $0x0  }
0x1f: {  	s9 =	smul.u32 $0xF7A, s1;
	s8 =	simm.s32 @!p0 $0x1BF5;
	p2 =	por !p2, p0  }
0x20: {  	[sflag:s8] =	ssyncset.s32 @!p0 $0xFFFFF086;
	s6 =	sadd.s32 @!p0 s3, s7;
	s7 =	simm.s32 @!p0 $0x108  }
0x21: {  	s3 =	sadd.s32 s3, s9;
	s6 =	sadd.s32 @!p0 $0x88, s6;
	s7 =	simm.s32 @p2 $0x1082  }
0x22: {  	[simem:s7], [sflag:s8] =	dma.local @!p0 [hbm:s6], $0xF7A  }
0x23: {  	s9 =	sor.u32 $0xD0000000, s2;
	s6 =	simm.s32 $0x108;
	_ =	swait.ge @!p0 [sflag:s8], $0x0  }
0x24: {  	s3 =	sadd.s32 $0x88, s3;
	s6 =	simm.s32 @!p1 $0x1082;
	[sflag:s4] =	ssyncset.s32 $0xFFFFF086  }
0x25: {  	[simem:s6], [sflag:s4] =	dma.local [hbm:s3], $0xF7A  }
0x26: {  	[smem:$0x3F9D] =	sst s1;
	(tag) =	ssettag s2;
	_ =	strace s9  }
0x27: {  	s1 =	sld [smem:$0x3FAD]  }
0x28: {  	s2 =	sld [smem:$0x3FAE]  }
0x29: {  	s4 =	sld [smem:$0x3FB0]  }
0x2a: {  	p0 =	seq.s32 s5, $0x0;
	s5 =	sld [smem:$0x3FB1]  }
0x2b: {  	s6 =	sld [smem:$0x3FB2]  }
0x2c: {  	s7 =	sld [smem:$0x3FB3]  }
0x2d: {  	s3 =	simm.s32 $0x108;
	s8 =	sld [smem:$0x3FB4]  }
0x2e: {  	s3 =	simm.s32 @!p0 $0x1082;
	s9 =	sld [smem:$0x3FB5]  }
0x2f: {  	lr =	sadd.s32 s0, s3;
	s0 =	sld [smem:$0x3FAC]  }
0x30: {  	s3 =	sld [smem:$0x3FAF]  }
0x31: {  	[smem:$0x3FB8] =	sst s10  }
0x32: {  	s10 =	sld [smem:$0x3FB6];
	_ =	sdelay $0x3  }
0x33: {  	p0 =	seq.s32 s10, $0x1;
	s10 =	sld [smem:$0x3FB8];
	_ =	sdelay $0x3  }
0x34: {  	[smem:$0x3FB8] =	sst s10  }
0x35: {  	s10 =	sld [smem:$0x3FB7];
	_ =	sdelay $0x3  }
0x36: {  	p1 =	seq.s32 s10, $0x1;
	s10 =	sld [smem:$0x3FB8];
	_ =	sdelay $0x3  }
0x37: {  	[smem:$0x3FB8] =	sst s10  }
0x38: {  	s10 =	sld [smem:$0x3FB9]  }
0x39: {  	_ = 	snop;
	(pc) =	sbr.ind lr, $3  }
0x3a: {  	_ = 	snop  }
0x3b: {  	_ = 	snop  }
0x3c: {  	p2 =	seq.s32 s10, $0x1;
	s10 =	sld [smem:$0x3FB8]  }
0x3d: {  	_ =	shalt  }
0x3e: {  	_ =	shalt  }
0x3f: {  	_ =	shalt  }
0x40: {  	_ =	shalt  }
0x41: {  	_ =	shalt  }
0x42: {  	_ =	shalt  }
0x43: {  	_ =	shalt  }
0x44: {  	_ =	shalt  }
0x45: {  	_ =	shalt  }
0x46: {  	_ =	shalt  }
0x47: {  	_ =	shalt  }
0x48: {  	_ =	shalt  }
0x49: {  	_ =	shalt  }
0x4a: {  	_ =	shalt  }
0x4b: {  	_ =	shalt  }
0x4c: {  	_ =	shalt  }
0x4d: {  	_ =	shalt  }
0x4e: {  	_ =	shalt  }
0x4f: {  	_ =	shalt  }
0x50: {  	_ =	shalt  }
0x51: {  	_ =	shalt  }
0x52: {  	_ =	shalt  }
0x53: {  	_ =	shalt  }
0x54: {  	_ =	shalt  }
0x55: {  	_ =	shalt  }
0x56: {  	_ =	shalt  }
0x57: {  	_ =	shalt  }
0x58: {  	_ =	shalt  }
0x59: {  	_ =	shalt  }
0x5a: {  	_ =	shalt  }
0x5b: {  	_ =	shalt  }
0x5c: {  	_ =	shalt  }
0x5d: {  	_ =	shalt  }
0x5e: {  	_ =	shalt  }
0x5f: {  	_ =	shalt  }
0x60: {  	_ =	shalt  }
0x61: {  	_ =	shalt  }
0x62: {  	_ =	shalt  }
0x63: {  	_ =	shalt  }
0x64: {  	_ =	shalt  }
0x65: {  	_ =	shalt  }
0x66: {  	_ =	shalt  }
0x67: {  	_ =	shalt  }
0x68: {  	_ =	shalt  }
0x69: {  	_ =	shalt  }
0x6a: {  	_ =	shalt  }
0x6b: {  	_ =	shalt  }
0x6c: {  	_ =	shalt  }
0x6d: {  	_ =	shalt  }
0x6e: {  	_ =	shalt  }
0x6f: {  	_ =	shalt  }
0x70: {  	_ =	shalt  }
0x71: {  	_ =	shalt  }
0x72: {  	_ =	shalt  }
0x73: {  	_ =	shalt  }
0x74: {  	_ =	shalt  }
0x75: {  	_ =	shalt  }
0x76: {  	_ =	shalt  }
0x77: {  	_ =	shalt  }
0x78: {  	_ =	shalt  }
0x79: {  	_ =	shalt  }
0x7a: {  	_ =	shalt  }
0x7b: {  	_ =	shalt  }
0x7c: {  	_ =	shalt  }
0x7d: {  	_ =	shalt  }
0x7e: {  	_ =	shalt  }
0x7f: {  	_ =	shalt  }
0x80: {  	_ =	shalt  }
0x81: {  	_ =	shalt  }
0x82: {  	_ =	shalt  }
0x83: {  	_ =	shalt  }
0x84: {  	_ =	shalt  }
0x85: {  	_ =	shalt  }
0x86: {  	_ =	shalt  }
0x87: {  	_ =	shalt  }
.Lfunc_end0:
.L_simem_size_0:
called_computation.1_lowered:
.L_overlay_start_0:
0x88: {  	s2 =	sld [smem:$0x3FD9]  }
0x89: {  	s3 =	sld [smem:$0x3FFE];
	_ =	sdelay $0x1  }
0x8a: {  	s1 =	srdreg.scid  }
0x8b: {  	s0 =	sand.u32 $0x1, s1  }
0x8c: {  	s17 =	sshll.u32 s0, $0xA;
	s2 =	sadd.s32 s3, s2  }
0x8d: {  	s2 =	sadd.s32 s2, s17  }
0x8e: {  	[smem:$0x3FC4] =	sst s2  }
0x8f: {  	_ = 	snop  }
0x90: {  	s2 =	sld [smem:$0x3FD0];
	(tm) =	ssettm $0x1  }
0x91: {  	s18 =	sld [smem:$0x3FFB];
	_ =	sdelay $0x3  }
0x92: {  	_ =	strace s18  }
0x93: {  	s3 =	sld [smem:$0x3FFC];
	_ =	sdelay $0x3  }
0x94: {  	_ =	strace s3  }
0x95: {  	s3 =	sld [smem:$0x3FFD];
	_ =	sdelay $0x3  }
0x96: {  	_ =	strace s3  }
0x97: {  	_ =	strace $0x8FFFFFFF  }
0x98: {  	s19 =	sld [smem:$0x3FDB];
	_ =	sdelay $0x1  }
0x99: {  	s4 =	simm.s32 $_scs_section_size  }
0x9a: {  	s5 =	simm.s32 $_size__tile_overlayer_lowered;
	s6 =	simm.s32 $_tile_overlayer_lowered  }
0x9b: {  	s22 =	simm.s32 $0x1BFF;
	s21 =	sshll.u32 s6, $0x1;
	s3 =	sadd.s32 s4, s19  }
0x9c: {  	s7 =	simm.s32 $0x0;
	s20 =	sshll.u32 s5, $0x1;
	s5 =	sadd.s32 s21, s3  }
0x9d: {  	[timem:s7], [sflag:s22] =	dma.local [hbm:s5], s20  }
0x9e: {  	_ =	swait.ge [sflag:s22], s20  }
0x9f: {  	s4 =	ssub.s32 $0x0, s20;
	[sflag:s22] =	ssyncset.done $0x0  }
0xa0: {  	[sflag:s22] =	ssyncadd.s32 s4;
	_ =	sdelay $0x1  }
0xa1: {  	s23 =	simm.s32 $0x1B8B  }
0xa2: {  	_ =	swait.ge [sflag:s23], $0x1  }
0xa3: {  	[sflag:s23] =	ssyncset.done $0x0  }
0xa4: {  	s25 =	simm.s32 $0x1B8E;
	s24 =	sld [smem:$0x3FFE];
	[sflag:s23] =	ssyncadd.s32 $0xFFFFFFFF  }
0xa5: {  	s26 =	simm.s32 $execute0_lowered;
	[smem:$0x3FD2] =	sst s25  }
0xa6: {  	s5 =	sshll.u32 s26, $0x1;
	_ =	strace $0x80000049;
	[dreg:$0x1] =	wrdreg $0xFFFFFFFF  }
0xa7: {  	s28 =	simm.s32 $_size_execute0_lowered;
	s3 =	sadd.s32 s3, s5;
	[dreg:$0x0] =	wrdreg $0x0  }
0xa8: {  	s5 =	sshll.u32 s28, $0x1;
	[dreg:$0x2] =	wrdreg s3  }
0xa9: {  	[dreg:$0x3] =	wrdreg s5  }
0xaa: {  	[dreg:$0x4] =	wrdreg $0xC0  }
0xab: {  	_ =	task [dreg:s7], $0x5FFFF  }
0xac: {  	[dreg:$0x1] =	wrdreg $0xFFFFFFFF  }
0xad: {  	[dreg:$0x0] =	wrdreg $0x60  }
0xae: {  	[dreg:$0x2] =	wrdreg s2  }
0xaf: {  	[dreg:$0x3] =	wrdreg s24  }
0xb0: {  	[dreg:$0x4] =	wrdreg $0xC2000  }
0xb1: {  	[dreg:$0x5] =	wrdreg $0x9  }
0xb2: {  	_ =	task.clear_ibuf [dreg:s7], $0x6FFFF;
	_ =	strace $0x90000049  }
0xb3: {  	s29 =	simm.s32 $0x9;
	_ =	strace $0x8000004B  }
0xb4: {  	_ =	swait.ge [sflag:s29], $0x1  }
0xb5: {  	[sflag:s29] =	ssyncadd.s32 $0xFFFFFFFF  }
0xb6: {  	_ =	strace $0x9000004B  }
0xb7: {  	_ =	sfence  }
0xb8: {  	s30 =	sld [smem:$0x0];
	_ =	sdelay $0x2  }
0xb9: {  	s31 =	sshll.u32 s1, $0xD;
	s1 =	sshrl.u32 s1, $0x2  }
0xba: {  	s3 =	sand.u32 $0x4000, s31;
	s1 =	sadd.s32 s1, s30  }
0xbb: {  	s0 =	sor.u32 s3, s0;
	s1 =	sshll.u32 s1, $0x11  }
0xbc: {  	s0 =	sor.u32 s1, s0  }
0xbd: {  	s0 =	sadd.s32 $0x8F2B, s0  }
0xbe: {  	[sflag:s0] =	ssyncadd.remote.s32 $0x1  }
0xbf: {  	_ =	sfence.sel $0xFFFF  }
0xc0: {  	[dreg:$0x0] =	wrdreg $0xFFFFFFFF;
	(pc) =	sbr.abs _section_cstart, $3  }
0xc1: {  	[dreg:$0x1] =	wrdreg $0xFFFFFFFF  }
0xc2: {  	_ =	task.clear_ibuf [dreg:s7], $0x2FFFF;
	_ =	strace $0x9FFFFFFF  }
0xc3: {  	(tm) =	ssettm $0x7FFFFFFF  }
tec
execute0_lowered:
.L_overlay_start_1:
0x0: {  	(tag) =	ssettag $0x1  }
0x1: {  	s0 =	rddreg [dreg:$0x0]  }
0x2: {  	s6 =	rddreg [dreg:$0x1];
	s1 =	srdreg.scid  }
0x3: {  	s3 =	rddreg [dreg:$0x2];
	s2 =	stileid.u32;
	s4 =	simm.s32 $0x0  }
0x4: {  	s12 =	simm.s32 $0x7C;
	s13 =	simm.s32 $0x4000;
	s14 =	simm.s32 $0x4200  }
0x5: {  	s15 =	simm.s32 $0x4080;
	s16 =	simm.s32 $0x8200;
	s19 =	simm.s32 $0x1  }
0x6: {  	s20 =	simm.s32 $0x4100;
	s21 =	simm.s32 $0x2;
	s22 =	simm.s32 $0x4180  }
0x7: {  	s7 =	sand.u32 $0x1, s1;
	s1 =	rddreg [dreg:$0x3];
	s8 =	smul.u32 $0x13C00, s2  }
0x8: {  	s23 =	simm.s32 $0x0;
	[smem:$0x7FF] =	sst s4;
	s29 =	smul.u32 $0x4F000, s2  }
0x9: {  	s9 =	sshll.u32 s2, $0xB;
	s17 =	sshll.u32 s2, $0x6;
	s5 =	smul.u32 $0x13C000, s7  }
0xa: {  	_ =	strace $0x8000004A;
	s9 =	sadd.s32 s9, s6;
	s10 =	ssub.s32 $0x2, s7  }
0xb: {  	p0 =	seq.s32 s7, $0x0;
	s30 =	sshll.u32 s7, $0xF;
	s17 =	sor.u32 $0x1C03, s17  }
0xc: {  	s28 =	sshrl.u32 s10, $0x1;
	s31 =	sshrl.u32 s29, $0x2;
	s12 =	simm.s32 @!p0 $0x22  }
0xd: {  	s8 =	sadd.s32 s8, s5;
	s5 =	sadd.s32 $0x2200, s6;
	s10 =	ssub.s32 s10, s28  }
0xe: {  	s18 =	sadd.s32 s31, s3;
	s7 =	sshrl.u32 s12, $0x1;
	s8 =	sshrl.u32 s8, $0x3  }
0xf: {  	s10 =	smax.u32 s10, $0x1;
	s18 =	sshrl.u32 s18, $0x3;
	s11 =	sadd.s32 s8, s6  }
0x10: {  	s6 =	sadd.s32 s30, s9;
	s8 =	sadd.s32 $0xFFFFFFFF, s12;
	s12 =	simm.s32 $0x80  }
0x11: {  	s6 =	sadd.s32 $0x53A00, s6;
	s9 =	sadd.s32 $0x4A00, s11;
	s11 =	simm.s32 $0x3  }
.LBB2_1:
0x12: {  	[tilespmem:s4], [sflag:$0x3] =	stream.linear.gather [hbm4b:s6+s4], $0x3E00, $0x38;
	[tilespmem:$0x1FE00] =	vst v63  }
0x13: {  	_ =	swait.ge [sflag:s11], $0x3E00  }
0x14: {  	[sflag:s11] =	ssyncset.done $0x0  }
0x15: {  	[sflag:s11] =	ssyncadd.s32 $0xFFFFC200  }
0x16: {  	v0 =	vld [tilespmem:$0x0];
	_ =	sdelay $0x1  }
0x17: {  	v1 =	vld [tilespmem:$0x10];
	_ =	sdelay $0x1  }
0x18: {  	v2 =	vld [tilespmem:$0x20]  }
0x19: {  	v3 =	vshrl.u32 v0, $0xF  }
0x1a: {  	v6 =	vld [tilespmem:$0x30];
	v0 =	vand.u32 $0x7FFF, v0;
	[tilespmem:$0x4000] =	vst v3  }
0x1b: {  	v7 =	vshrl.u32 v1, $0xF;
	[tilespmem:$0x4100] =	vst v0  }
0x1c: {  	v9 =	vld [tilespmem:$0x40];
	v8 =	vand.u32 $0x7FFF, v1;
	[tilespmem:$0x4010] =	vst v7  }
0x1d: {  	v10 =	vshrl.u32 v2, $0xF;
	[tilespmem:$0x4110] =	vst v8  }
0x1e: {  	v12 =	vld [tilespmem:$0x50];
	v11 =	vand.u32 $0x7FFF, v2;
	[tilespmem:$0x4020] =	vst v10  }
0x1f: {  	v13 =	vshrl.u32 v6, $0xF;
	[tilespmem:$0x4120] =	vst v11  }
0x20: {  	v15 =	vld [tilespmem:$0x60];
	v14 =	vand.u32 $0x7FFF, v6;
	[tilespmem:$0x4030] =	vst v13  }
0x21: {  	v16 =	vshrl.u32 v9, $0xF;
	[tilespmem:$0x4130] =	vst v14  }
0x22: {  	v18 =	vld [tilespmem:$0x70];
	v17 =	vand.u32 $0x7FFF, v9;
	[tilespmem:$0x4040] =	vst v16  }
0x23: {  	v19 =	vshrl.u32 v12, $0xF;
	[tilespmem:$0x4140] =	vst v17  }
0x24: {  	v20 =	vand.u32 $0x7FFF, v12;
	[tilespmem:$0x4050] =	vst v19  }
0x25: {  	v21 =	vshrl.u32 v15, $0xF;
	[tilespmem:$0x4150] =	vst v20  }
0x26: {  	v22 =	vand.u32 $0x7FFF, v15;
	[tilespmem:$0x4060] =	vst v21  }
0x27: {  	v23 =	vshrl.u32 v18, $0xF;
	[tilespmem:$0x4160] =	vst v22  }
0x28: {  	v24 =	vand.u32 $0x7FFF, v18;
	[tilespmem:$0x4070] =	vst v23  }
0x29: {  	[tilespmem:$0x4170] =	vst v24  }
0x2a: {  	[tilespmem:s14], [sflag:$0x1] =	stream.indirect.gather [hbm4b:s0+s12], $0x80, s13, s12, $0xb8;
	[tilespmem:$0x1FE00] =	vst v63  }
0x2b: {  	v25 =	vld [tilespmem:$0x80];
	_ =	sdelay $0x1  }
0x2c: {  	v26 =	vld [tilespmem:$0x90];
	_ =	sdelay $0x1  }
0x2d: {  	v27 =	vld [tilespmem:$0xA0]  }
0x2e: {  	v28 =	vshrl.u32 v25, $0xF  }
0x2f: {  	v29 =	vld [tilespmem:$0xB0];
	v0 =	vand.u32 $0x7FFF, v25;
	[tilespmem:$0x4080] =	vst v28  }
0x30: {  	v30 =	vshrl.u32 v26, $0xF;
	[tilespmem:$0x4180] =	vst v0  }
0x31: {  	v32 =	vld [tilespmem:$0xC0];
	v31 =	vand.u32 $0x7FFF, v26;
	[tilespmem:$0x4090] =	vst v30  }
0x32: {  	v33 =	vshrl.u32 v27, $0xF;
	[tilespmem:$0x4190] =	vst v31  }
0x33: {  	v35 =	vld [tilespmem:$0xD0];
	v34 =	vand.u32 $0x7FFF, v27;
	[tilespmem:$0x40A0] =	vst v33  }
0x34: {  	v36 =	vshrl.u32 v29, $0xF;
	[tilespmem:$0x41A0] =	vst v34  }
0x35: {  	v38 =	vld [tilespmem:$0xE0];
	v37 =	vand.u32 $0x7FFF, v29;
	[tilespmem:$0x40B0] =	vst v36  }
0x36: {  	v39 =	vshrl.u32 v32, $0xF;
	[tilespmem:$0x41B0] =	vst v37  }
0x37: {  	v41 =	vld [tilespmem:$0xF0];
	v40 =	vand.u32 $0x7FFF, v32;
	[tilespmem:$0x40C0] =	vst v39  }
0x38: {  	v42 =	vshrl.u32 v35, $0xF;
	[tilespmem:$0x41C0] =	vst v40  }
0x39: {  	v43 =	vand.u32 $0x7FFF, v35;
	[tilespmem:$0x40D0] =	vst v42  }
0x3a: {  	v44 =	vshrl.u32 v38, $0xF;
	[tilespmem:$0x41D0] =	vst v43  }
0x3b: {  	v45 =	vand.u32 $0x7FFF, v38;
	[tilespmem:$0x40E0] =	vst v44  }
0x3c: {  	v46 =	vshrl.u32 v41, $0xF;
	[tilespmem:$0x41E0] =	vst v45  }
0x3d: {  	v47 =	vand.u32 $0x7FFF, v41;
	[tilespmem:$0x40F0] =	vst v46  }
0x3e: {  	[tilespmem:$0x41F0] =	vst v47  }
0x3f: {  	[tilespmem:s16], [sflag:$0x2] =	stream.indirect.gather [hbm4b:s0+s12], $0x80, s15, s12, $0xb8;
	[tilespmem:$0x1FE00] =	vst v63  }
0x40: {  	[spmem:s18], [sflag:s17] =	dma.local [hbm:s5], $0x2780  }
0x41: {  	_ =	swait.ge [sflag:s11], $0x2780  }
0x42: {  	[sflag:s11] =	ssyncset.done $0x0  }
0x43: {  	[sflag:s11] =	ssyncadd.s32 $0xFFFFD880  }
0x44: {  	[bflag:$0x0] =	sbarrier.arrive $0xFFFF  }
0x45: {  	_ =	swait.ge [sflag:s19], $0x4000  }
0x46: {  	[sflag:s19] =	ssyncset.done $0x0  }
0x47: {  	p0 =	sgt.s32 s8, $0x2;
	s24 =	smov.u32 s8;
	[sflag:s19] =	ssyncadd.s32 $0xFFFFC000  }
0x48: {  	[spmem:s3] =	stream.indirect.scatter.add.f32 [tilespmem:s14], [sflag:$0x3], $0x80, s20, s12, $0xb8;
	[tilespmem:$0x1FE00] =	vst v63  }
0x49: {  	s24 =	smov.u32 @p0 s21;
	_ =	swait.ge [sflag:s11], $0x4000  }
0x4a: {  	s24 =	sshll.u32 s24, $0x9;
	[sflag:s11] =	ssyncset.done $0x0  }
0x4b: {  	s24 =	sshra.s32 s24, $0x2;
	[sflag:s11] =	ssyncadd.s32 $0xFFFFC000  }
0x4c: {  	v48 =	vld [tilespmem:s24+$0x0];
	_ =	sdelay $0x4  }
0x4d: {  	v49 =	vshrl.u32 v48, $0xF  }
0x4e: {  	v0 =	vand.u32 $0x7FFF, v48;
	[tilespmem:$0x4000] =	vst v49  }
0x4f: {  	[tilespmem:$0x4100] =	vst v0  }
0x50: {  	v0 =	vld [tilespmem:s24+$0x10];
	_ =	sdelay $0x4  }
0x51: {  	v50 =	vshrl.u32 v0, $0xF  }
0x52: {  	v0 =	vand.u32 $0x7FFF, v0;
	[tilespmem:$0x4010] =	vst v50  }
0x53: {  	[tilespmem:$0x4110] =	vst v0  }
0x54: {  	v0 =	vld [tilespmem:s24+$0x20];
	_ =	sdelay $0x4  }
0x55: {  	v51 =	vshrl.u32 v0, $0xF  }
0x56: {  	v0 =	vand.u32 $0x7FFF, v0;
	[tilespmem:$0x4020] =	vst v51  }
0x57: {  	[tilespmem:$0x4120] =	vst v0  }
0x58: {  	v0 =	vld [tilespmem:s24+$0x30];
	_ =	sdelay $0x4  }
0x59: {  	v52 =	vshrl.u32 v0, $0xF  }
0x5a: {  	v0 =	vand.u32 $0x7FFF, v0;
	[tilespmem:$0x4030] =	vst v52  }
0x5b: {  	[tilespmem:$0x4130] =	vst v0  }
0x5c: {  	v0 =	vld [tilespmem:s24+$0x40];
	_ =	sdelay $0x4  }
0x5d: {  	v53 =	vshrl.u32 v0, $0xF  }
0x5e: {  	v0 =	vand.u32 $0x7FFF, v0;
	[tilespmem:$0x4040] =	vst v53  }
0x5f: {  	[tilespmem:$0x4140] =	vst v0  }
0x60: {  	v0 =	vld [tilespmem:s24+$0x50];
	_ =	sdelay $0x4  }
0x61: {  	v54 =	vshrl.u32 v0, $0xF  }
0x62: {  	v0 =	vand.u32 $0x7FFF, v0;
	[tilespmem:$0x4050] =	vst v54  }
0x63: {  	[tilespmem:$0x4150] =	vst v0  }
0x64: {  	v0 =	vld [tilespmem:s24+$0x60];
	_ =	sdelay $0x4  }
0x65: {  	v55 =	vshrl.u32 v0, $0xF  }
0x66: {  	v0 =	vand.u32 $0x7FFF, v0;
	[tilespmem:$0x4060] =	vst v55  }
0x67: {  	[tilespmem:$0x4160] =	vst v0  }
0x68: {  	v0 =	vld [tilespmem:s24+$0x70];
	_ =	sdelay $0x4  }
0x69: {  	v56 =	vshrl.u32 v0, $0xF  }
0x6a: {  	v0 =	vand.u32 $0x7FFF, v0;
	[tilespmem:$0x4070] =	vst v56  }
0x6b: {  	[tilespmem:$0x4170] =	vst v0  }
0x6c: {  	[tilespmem:s14], [sflag:$0x1] =	stream.indirect.gather [hbm4b:s0+s12], $0x80, s13, s12, $0xb8;
	[tilespmem:$0x1FE00] =	vst v63  }
0x6d: {  	_ =	swait.ge [sflag:s21], $0x4000  }
0x6e: {  	s25 =	smov.u32 s8;
	[sflag:s21] =	ssyncset.done $0x0  }
0x6f: {  	p0 =	sgt.s32 s8, $0x3;
	s24 =	simm.s32 $0x3;
	[sflag:s21] =	ssyncadd.s32 $0xFFFFC000  }
0x70: {  	[spmem:s3] =	stream.indirect.scatter.add.f32 [tilespmem:s16], [sflag:$0x3], $0x80, s22, s12, $0xb8;
	[tilespmem:$0x1FE00] =	vst v63  }
0x71: {  	s25 =	smov.u32 @p0 s24;
	_ =	swait.ge [sflag:s11], $0x4000  }
0x72: {  	s24 =	sshll.u32 s25, $0x9;
	[sflag:s11] =	ssyncset.done $0x0  }
0x73: {  	s26 =	sshra.s32 s24, $0x2;
	[sflag:s11] =	ssyncadd.s32 $0xFFFFC000  }
0x74: {  	v57 =	vld [tilespmem:s26+$0x0];
	_ =	sdelay $0x4  }
0x75: {  	v58 =	vshrl.u32 v57, $0xF  }
0x76: {  	v0 =	vand.u32 $0x7FFF, v57;
	[tilespmem:$0x4080] =	vst v58  }
0x77: {  	[tilespmem:$0x4180] =	vst v0  }
0x78: {  	v0 =	vld [tilespmem:s26+$0x10];
	_ =	sdelay $0x4  }
0x79: {  	v59 =	vshrl.u32 v0, $0xF  }
0x7a: {  	v0 =	vand.u32 $0x7FFF, v0;
	[tilespmem:$0x4090] =	vst v59  }
0x7b: {  	[tilespmem:$0x4190] =	vst v0  }
0x7c: {  	v0 =	vld [tilespmem:s26+$0x20];
	_ =	sdelay $0x4  }
0x7d: {  	v60 =	vshrl.u32 v0, $0xF  }
0x7e: {  	v0 =	vand.u32 $0x7FFF, v0;
	[tilespmem:$0x40A0] =	vst v60  }
0x7f: {  	[tilespmem:$0x41A0] =	vst v0  }
0x80: {  	v0 =	vld [tilespmem:s26+$0x30];
	_ =	sdelay $0x4  }
0x81: {  	v61 =	vshrl.u32 v0, $0xF  }
0x82: {  	v0 =	vand.u32 $0x7FFF, v0;
	[tilespmem:$0x40B0] =	vst v61  }
0x83: {  	[tilespmem:$0x41B0] =	vst v0  }
0x84: {  	v0 =	vld [tilespmem:s26+$0x40];
	_ =	sdelay $0x4  }
0x85: {  	v62 =	vshrl.u32 v0, $0xF  }
0x86: {  	v0 =	vand.u32 $0x7FFF, v0;
	[tilespmem:$0x40C0] =	vst v62  }
0x87: {  	[tilespmem:$0x41C0] =	vst v0  }
0x88: {  	v0 =	vld [tilespmem:s26+$0x50];
	_ =	sdelay $0x1  }
0x89: {  	p0 =	sne.s32 s7, $0x1  }
.Ltmp0:
0x8a: {  	_ = 	snop;
	(pc) =	sbr.rel @!p0 .LBB2_3-.Ltmp0, $4  }
0x8b: {  	_ = 	snop  }
0x8c: {  	v63 =	vshrl.u32 v0, $0xF  }
0x8d: {  	v0 =	vand.u32 $0x7FFF, v0;
	[tilespmem:$0x40D0] =	vst v63  }
0x8e: {  	s25 =	simm.s32 $0x2;
	s24 =	sadd.s32 $0xFFFFFFFF, s7;
	[tilespmem:$0x41D0] =	vst v0  }
.LBB2_2:
0x8f: {  	p0 =	sne.s32 s24, $0x1;
	s24 =	sadd.s32 $0xFFFFFFFF, s24;
	v0 =	vld [tilespmem:s26+$0x60];
	s25 =	sadd.s32 $0x2, s25  }
0x90: {  	_ =	sdelay $0x3  }
0x91: {  	v1 =	vshrl.u32 v0, $0xF;
	v0 =	vand.u32 $0x7FFF, v0  }
0x92: {  	[tilespmem:$0x40E0] =	vst v1  }
0x93: {  	[tilespmem:$0x41E0] =	vst v0  }
0x94: {  	v0 =	vld [tilespmem:s26+$0x70];
	_ =	sdelay $0x4  }
0x95: {  	v1 =	vshrl.u32 v0, $0xF;
	v0 =	vand.u32 $0x7FFF, v0  }
0x96: {  	[tilespmem:$0x40F0] =	vst v1  }
0x97: {  	[tilespmem:$0x41F0] =	vst v0  }
0x98: {  	[tilespmem:s16], [sflag:$0x2] =	stream.indirect.gather [hbm4b:s0+s12], $0x80, s15, s12, $0xb8;
	[tilespmem:$0x1FE00] =	vst v63  }
0x99: {  	_ =	swait.ge [sflag:s19], $0x4000  }
0x9a: {  	[sflag:s19] =	ssyncset.done $0x0  }
0x9b: {  	p1 =	slt.s32 s25, s8;
	s26 =	smov.u32 s8;
	[sflag:s19] =	ssyncadd.s32 $0xFFFFC000  }
0x9c: {  	[spmem:s3] =	stream.indirect.scatter.add.f32 [tilespmem:s14], [sflag:$0x3], $0x80, s20, s12, $0xb8;
	[tilespmem:$0x1FE00] =	vst v63  }
0x9d: {  	s26 =	smov.u32 @p1 s25;
	_ =	swait.ge [sflag:s11], $0x4000  }
0x9e: {  	s26 =	sshll.u32 s26, $0x9;
	[sflag:s11] =	ssyncset.done $0x0  }
0x9f: {  	s26 =	sshra.s32 s26, $0x2;
	[sflag:s11] =	ssyncadd.s32 $0xFFFFC000  }
0xa0: {  	v0 =	vld [tilespmem:s26+$0x0];
	_ =	sdelay $0x4  }
0xa1: {  	v1 =	vshrl.u32 v0, $0xF;
	v0 =	vand.u32 $0x7FFF, v0  }
0xa2: {  	[tilespmem:$0x4000] =	vst v1  }
0xa3: {  	[tilespmem:$0x4100] =	vst v0  }
0xa4: {  	v0 =	vld [tilespmem:s26+$0x10];
	_ =	sdelay $0x4  }
0xa5: {  	v1 =	vshrl.u32 v0, $0xF;
	v0 =	vand.u32 $0x7FFF, v0  }
0xa6: {  	[tilespmem:$0x4010] =	vst v1  }
0xa7: {  	[tilespmem:$0x4110] =	vst v0  }
0xa8: {  	v0 =	vld [tilespmem:s26+$0x20];
	_ =	sdelay $0x4  }
0xa9: {  	v1 =	vshrl.u32 v0, $0xF;
	v0 =	vand.u32 $0x7FFF, v0  }
0xaa: {  	[tilespmem:$0x4020] =	vst v1  }
0xab: {  	[tilespmem:$0x4120] =	vst v0  }
0xac: {  	v0 =	vld [tilespmem:s26+$0x30];
	_ =	sdelay $0x4  }
0xad: {  	v1 =	vshrl.u32 v0, $0xF;
	v0 =	vand.u32 $0x7FFF, v0  }
0xae: {  	[tilespmem:$0x4030] =	vst v1  }
0xaf: {  	[tilespmem:$0x4130] =	vst v0  }
0xb0: {  	v0 =	vld [tilespmem:s26+$0x40];
	_ =	sdelay $0x4  }
0xb1: {  	v1 =	vshrl.u32 v0, $0xF;
	v0 =	vand.u32 $0x7FFF, v0  }
0xb2: {  	[tilespmem:$0x4040] =	vst v1  }
0xb3: {  	[tilespmem:$0x4140] =	vst v0  }
0xb4: {  	v0 =	vld [tilespmem:s26+$0x50];
	_ =	sdelay $0x4  }
0xb5: {  	v1 =	vshrl.u32 v0, $0xF;
	v0 =	vand.u32 $0x7FFF, v0  }
0xb6: {  	[tilespmem:$0x4050] =	vst v1  }
0xb7: {  	[tilespmem:$0x4150] =	vst v0  }
0xb8: {  	v0 =	vld [tilespmem:s26+$0x60];
	_ =	sdelay $0x4  }
0xb9: {  	v1 =	vshrl.u32 v0, $0xF;
	v0 =	vand.u32 $0x7FFF, v0  }
0xba: {  	[tilespmem:$0x4060] =	vst v1  }
0xbb: {  	[tilespmem:$0x4160] =	vst v0  }
0xbc: {  	v0 =	vld [tilespmem:s26+$0x70];
	_ =	sdelay $0x2  }
0xbd: {  	s26 =	sadd.s32 $0x1, s25  }
0xbe: {  	s28 =	smov.u32 s8;
	p1 =	slt.s32 s26, s8  }
0xbf: {  	s28 =	smov.u32 @p1 s26;
	v1 =	vshrl.u32 v0, $0xF;
	v0 =	vand.u32 $0x7FFF, v0  }
0xc0: {  	s26 =	sshll.u32 s28, $0x9;
	[tilespmem:$0x4070] =	vst v1  }
0xc1: {  	s26 =	sshra.s32 s26, $0x2;
	[tilespmem:$0x4170] =	vst v0  }
0xc2: {  	[tilespmem:s14], [sflag:$0x1] =	stream.indirect.gather [hbm4b:s0+s12], $0x80, s13, s12, $0xb8;
	[tilespmem:$0x1FE00] =	vst v63  }
0xc3: {  	_ =	swait.ge [sflag:s21], $0x4000  }
0xc4: {  	[sflag:s21] =	ssyncset.done $0x0  }
0xc5: {  	[sflag:s21] =	ssyncadd.s32 $0xFFFFC000  }
0xc6: {  	[spmem:s3] =	stream.indirect.scatter.add.f32 [tilespmem:s16], [sflag:$0x3], $0x80, s22, s12, $0xb8;
	[tilespmem:$0x1FE00] =	vst v63  }
0xc7: {  	_ =	swait.ge [sflag:s11], $0x4000  }
0xc8: {  	[sflag:s11] =	ssyncset.done $0x0  }
0xc9: {  	[sflag:s11] =	ssyncadd.s32 $0xFFFFC000  }
0xca: {  	v0 =	vld [tilespmem:s26+$0x0];
	_ =	sdelay $0x4  }
0xcb: {  	v1 =	vshrl.u32 v0, $0xF;
	v0 =	vand.u32 $0x7FFF, v0  }
0xcc: {  	[tilespmem:$0x4080] =	vst v1  }
0xcd: {  	[tilespmem:$0x4180] =	vst v0  }
0xce: {  	v0 =	vld [tilespmem:s26+$0x10];
	_ =	sdelay $0x4  }
0xcf: {  	v1 =	vshrl.u32 v0, $0xF;
	v0 =	vand.u32 $0x7FFF, v0  }
0xd0: {  	[tilespmem:$0x4090] =	vst v1  }
0xd1: {  	[tilespmem:$0x4190] =	vst v0  }
0xd2: {  	v0 =	vld [tilespmem:s26+$0x20];
	_ =	sdelay $0x4  }
0xd3: {  	v1 =	vshrl.u32 v0, $0xF;
	v0 =	vand.u32 $0x7FFF, v0  }
0xd4: {  	[tilespmem:$0x40A0] =	vst v1  }
0xd5: {  	[tilespmem:$0x41A0] =	vst v0  }
0xd6: {  	v0 =	vld [tilespmem:s26+$0x30];
	_ =	sdelay $0x4  }
0xd7: {  	v1 =	vshrl.u32 v0, $0xF;
	v0 =	vand.u32 $0x7FFF, v0  }
0xd8: {  	[tilespmem:$0x40B0] =	vst v1  }
0xd9: {  	[tilespmem:$0x41B0] =	vst v0  }
0xda: {  	v0 =	vld [tilespmem:s26+$0x40];
	_ =	sdelay $0x4  }
0xdb: {  	v1 =	vshrl.u32 v0, $0xF;
	v0 =	vand.u32 $0x7FFF, v0  }
0xdc: {  	[tilespmem:$0x40C0] =	vst v1  }
0xdd: {  	[tilespmem:$0x41C0] =	vst v0  }
0xde: {  	v0 =	vld [tilespmem:s26+$0x50];
	_ =	sdelay $0x2  }
.Ltmp1:
0xdf: {  	(pc) =	sbr.rel @p0 .LBB2_2-.Ltmp1, $4  }
0xe0: {  	_ = 	snop  }
0xe1: {  	v1 =	vshrl.u32 v0, $0xF;
	v0 =	vand.u32 $0x7FFF, v0  }
0xe2: {  	[tilespmem:$0x40D0] =	vst v1  }
0xe3: {  	[tilespmem:$0x41D0] =	vst v0  }
.LBB2_3:
0xe4: {  	v0 =	vld [tilespmem:s26+$0x60];
	_ =	sdelay $0x4  }
0xe5: {  	v1 =	vshrl.u32 v0, $0xF  }
0xe6: {  	v0 =	vand.u32 $0x7FFF, v0;
	[tilespmem:$0x40E0] =	vst v1  }
0xe7: {  	[tilespmem:$0x41E0] =	vst v0  }
0xe8: {  	v0 =	vld [tilespmem:s26+$0x70];
	_ =	sdelay $0x4  }
0xe9: {  	v63 =	vshrl.u32 v0, $0xF  }
0xea: {  	v0 =	vand.u32 $0x7FFF, v0;
	[tilespmem:$0x40F0] =	vst v63  }
0xeb: {  	[tilespmem:$0x41F0] =	vst v0  }
0xec: {  	[tilespmem:s16], [sflag:$0x2] =	stream.indirect.gather [hbm4b:s0+s12], $0x80, s15, s12, $0xb8;
	[tilespmem:$0x1FE00] =	vst v63  }
0xed: {  	_ =	swait.ge [sflag:s19], $0x4000  }
0xee: {  	[sflag:s19] =	ssyncset.done $0x0  }
0xef: {  	[sflag:s19] =	ssyncadd.s32 $0xFFFFC000  }
0xf0: {  	_ =	swait.ge [sflag:s21], $0x4000  }
0xf1: {  	s23 =	sadd.s32 $0x1, s23;
	[sflag:s21] =	ssyncset.done $0x0  }
0xf2: {  	p0 =	sne.s32 s23, s10;
	[sflag:s21] =	ssyncadd.s32 $0xFFFFC000  }
.Ltmp2:
0xf3: {  	[bflag:$0x0] =	sbarrier.arrive $0xFFFF;
	(pc) =	sbr.rel @p0 .LBB2_1-.Ltmp2, $4  }
0xf4: {  	[hbm:s9], [sflag:s17] =	dma.local [spmem:s18], $0x2780  }
0xf5: {  	_ =	swait.ge [sflag:s11], $0x2780  }
0xf6: {  	[sflag:s11] =	ssyncset.done $0x0  }
0xf7: {  	[sflag:s11] =	ssyncadd.s32 $0xFFFFD880  }
0xf8: {  	_ =	sfence.sel $0x180000  }
0xf9: {  	[bflag:$0x0] =	sbarrier.arrive $0xFFFF  }
0xfa: {  	p0 =	sne.s32 s2, $0x0;
	_ =	strace $0x9000004A  }
0xfb: {  	s0 =	sadd.s32 @!p0 $0x100000, s1;
	[bflag:$0x2] =	sbarrier.arrive $0xFFFF  }
0xfc: {  	[sflag:s0] =	ssyncadd.tile.s32 @!p0 $0x1;
	_ =	shalt  }
.Lfunc_end2:
_tile_overlayer_lowered:
.L_overlay_start_2:
0xfd: {  	(tag) =	ssettag $0x2  }
0xfe: {  	s0 =	rddreg [dreg:$0x0];
	s2 =	stileid.u32  }
0xff: {  	s1 =	rddreg [dreg:$0x1];
	p0 =	sne.s32 s2, $0x0  }
0x100: {  	s3 =	rddreg [dreg:$0x2];
	[bflag:$0x3] =	sbarrier.arrive $0xFFFF;
	s2 =	simm.s32 @!p0 $0x1C03  }
0x101: {  	[timem:s3], [sflag:s2] =	dma.local @!p0 [hbm:s0], s1  }
0x102: {  	s0 =	simm.s32 @!p0 $0x3  }
0x103: {  	_ =	swait.ge @!p0 [sflag:s0], s1  }
0x104: {  	s1 =	ssub.s32 @!p0 $0x0, s1;
	[sflag:s0] =	ssyncset.done @!p0 $0x0  }
0x105: {  	[sflag:s0] =	ssyncadd.s32 @!p0 s1  }
0x106: {  	[bflag:$0x3] =	sbarrier.arrive $0xFFFF  }
0x107: {  	_ =	shalt  }

</sc_bundles>
